<compile_context>
chip_gen: v7x
topology: tpu7x:2x2x1
jax: 0.10.2.dev20260603
libtpu: 0.0.44.dev20260713+nightly
codegen_flags: <defaults>
</compile_context>

<pallas_src>
import functools

import jax
import jax.numpy as jnp
from jax import lax
from jax.experimental import pallas as pl
from jax.experimental.pallas import tpu as pltpu
from jax.experimental.pallas import tpu_sc as plsc

N = 10000
NG = 64
IN_DIM = 128
TCN = 32
GH = 48
HEADS = 2
E = 320000

NC = 2
NS = 16
NW = NC * NS
CHUNK = 128
NCHUNK = -(-E // (NW * CHUNK))
NCHUNK += NCHUNK % 2
EW = NCHUNK * CHUNK
EP = EW * NW
NACC = -(-(N + 1) // 128) * 128
RPT = NACC // NS


def _axis(name):
    return lax.axis_index(name)


def _lrelu(v):
    return jnp.maximum(v, 0.2 * v)


def _elu(v):
    return jnp.where(v > 0, v, jnp.exp(jnp.minimum(v, 0.0)) - 1.0)


def _encoder_body(x_ref, b_ref, ea_ref, c1wt_ref, c1b_ref, c2wt_ref, c2b_ref,
                  bng_ref, bnb_ref, wl_ref, bl_ref, wr_ref, br_ref,
                  xl_ref, xr_ref, eam_ref, sums_ref, sumsq_ref):
    f32 = jnp.float32
    x = x_ref[...]
    b = b_ref[...]
    neg1 = jnp.full((1, 1), -1, jnp.int32)
    neg2 = jnp.full((1, 1), -2, jnp.int32)
    bp1 = jnp.concatenate([neg1, b[:-1]], axis=0)
    bn1 = jnp.concatenate([b[1:], neg2], axis=0)
    bp2 = jnp.concatenate([neg1, neg1, b[:-2]], axis=0)
    bn2 = jnp.concatenate([b[2:], neg2, neg2], axis=0)
    mp1 = (bp1 == b).astype(f32)
    mn1 = (bn1 == b).astype(f32)
    mp2 = (bp2 == b).astype(f32)
    mn2 = (bn2 == b).astype(f32)

    zrow = jnp.zeros((1, x.shape[1]), f32)
    xp = jnp.concatenate([zrow, x[:-1]], axis=0) * mp1
    xn = jnp.concatenate([x[1:], zrow], axis=0) * mn1
    dot = functools.partial(jnp.dot, preferred_element_type=f32)
    h = dot(jnp.concatenate([xp, x, xn], axis=1), c1wt_ref[...])
    h = jnp.maximum(h + c1b_ref[...], 0.0)

    zrow2 = jnp.zeros((2, h.shape[1]), f32)
    hp = jnp.concatenate([zrow2, h[:-2]], axis=0) * mp2
    hn = jnp.concatenate([h[2:], zrow2], axis=0) * mn2
    h2 = dot(jnp.concatenate([hp, h, hn], axis=1), c2wt_ref[...])
    h2 = jnp.maximum(h2 + c2b_ref[...], 0.0)

    gids = lax.broadcasted_iota(jnp.int32, (1, NG), 1)
    onehot = (b == gids).astype(f32)
    counts = jnp.sum(onehot, axis=0, keepdims=True)
    cnt = jnp.maximum(counts, 1.0).reshape(NG, 1)

    def sum_body(g, carry):
        mask = b == g
        sums_ref[pl.ds(g, 1), :] = jnp.sum(jnp.where(mask, h2, 0.0), axis=0,
                                           keepdims=True)
        return carry

    lax.fori_loop(0, NG, sum_body, 0)
    mean = sums_ref[...] / cnt
    sums_ref[...] = mean

    def gather_mean(g, acc):
        return jnp.where(b == g, sums_ref[pl.ds(g, 1), :], acc)

    mean_n = lax.fori_loop(0, NG, gather_mean, jnp.zeros((N, TCN), f32))
    hc = h2 - mean_n
    hc2 = hc * hc

    def sumsq_body(g, carry):
        mask = b == g
        sumsq_ref[pl.ds(g, 1), :] = jnp.sum(jnp.where(mask, hc2, 0.0), axis=0,
                                            keepdims=True)
        return carry

    lax.fori_loop(0, NG, sumsq_body, 0)
    var = sumsq_ref[...] / cnt
    a = var + 1e-5
    r = lax.rsqrt(a)
    r = r * (1.5 - 0.5 * a * r * r)
    r = r * (1.5 - 0.5 * a * r * r)
    scale = bng_ref[...] * r
    sumsq_ref[...] = scale

    def gather_scale(g, acc):
        return jnp.where(b == g, sumsq_ref[pl.ds(g, 1), :], acc)

    scale_n = lax.fori_loop(0, NG, gather_scale, jnp.zeros((N, TCN), f32))
    hq = hc * scale_n + bnb_ref[...]

    xl_ref[...] = dot(hq, wl_ref[...]) + bl_ref[...]
    xr_ref[...] = dot(hq, wr_ref[...]) + br_ref[...]
    colsum = jnp.sum(ea_ref[...], axis=0, keepdims=True)
    col = lax.broadcasted_iota(jnp.int32, (1, 128), 1)
    even = (col % 2) == 0
    s0 = jnp.sum(jnp.where(even, colsum, 0.0), axis=1, keepdims=True)
    s1 = jnp.sum(jnp.where(even, 0.0, colsum), axis=1, keepdims=True)
    eam_ref[...] = jnp.concatenate([s0, s1], axis=1) * (1.0 / E)


def _make_edge_pass(ch, heads, accw, ck):
    nk = ch // 16
    hk = nk // heads
    nchunk = EW // ck
    mesh = plsc.VectorSubcoreMesh(core_axis_name="c", subcore_axis_name="s",
                                  num_cores=NC, num_subcores=NS)

    @functools.partial(
        pl.kernel,
        out_type=jax.ShapeDtypeStruct((NC, NACC, accw), jnp.float32),
        mesh=mesh,
        compiler_params=pltpu.CompilerParams(needs_layout_passes=False,
                                             use_tc_tiling_on_sc=False),
        scratch_types=(
            [pltpu.VMEM_SHARED((NACC, accw), jnp.float32)]
            + [pltpu.VMEM((ck,), jnp.int32)] * 6
            + [pltpu.VMEM((ck, 16), jnp.float32)] * 4
            + [pltpu.VMEM((ck, ch), jnp.float32)] * 4
            + [pltpu.VMEM((ck, accw), jnp.float32)] * 2
            + [pltpu.VMEM((2, ch), jnp.float32),
               pltpu.VMEM((ch,), jnp.float32)]
            + [pltpu.SemaphoreType.DMA] * 6
        ),
    )
    def edge_pass(xl_hbm, xr_hbm, src_hbm, dst_hbm, ea0_hbm, ea1_hbm, we_hbm,
                  att_hbm, zr_hbm, out_hbm,
                  acc, sidx0, sidx1, didx0, didx1, dsc0, dsc1,
                  ea00, ea01, ea10, ea11, xlr0, xlr1, xrr0, xrr1,
                  wbuf0, wbuf1, wev, attv,
                  smi0, smi1, smg0, smg1, sms0, sms1):
        cid = _axis("c")
        sid = _axis("s")
        wid = sid * NC + cid
        pltpu.sync_copy(we_hbm, wev)
        pltpu.sync_copy(att_hbm, attv)
        pltpu.sync_copy(zr_hbm.at[pl.ds(sid * RPT, RPT)],
                        acc.at[pl.ds(sid * RPT, RPT)])
        plsc.subcore_barrier()

        wv = [[wev[h, pl.ds(k * 16, 16)] for k in range(nk)] for h in (0, 1)]
        av = [attv[pl.ds(k * 16, 16)] for k in range(nk)]
        lane = lax.broadcasted_iota(jnp.int32, (16,), 0)

        slots = [
            (sidx0, didx0, dsc0, ea00, ea10, xlr0, xrr0, wbuf0,
             smi0, smg0, sms0),
            (sidx1, didx1, dsc1, ea01, ea11, xlr1, xrr1, wbuf1,
             smi1, smg1, sms1),
        ]

        def issue_idx(s, base):
            sidx, didx, _, ea0, ea1, _, _, _, smi, _, _ = slots[s]
            pltpu.async_copy(src_hbm.at[pl.ds(base, ck)], sidx, smi)
            pltpu.async_copy(dst_hbm.at[pl.ds(base, ck)], didx, smi)
            pltpu.async_copy(ea0_hbm.at[pl.ds(base, ck)], ea0, smi)
            pltpu.async_copy(ea1_hbm.at[pl.ds(base, ck)], ea1, smi)

        def wait_idx(s, base):
            sidx, didx, _, ea0, ea1, _, _, _, smi, _, _ = slots[s]
            pltpu.make_async_copy(src_hbm.at[pl.ds(base, ck)], sidx,
                                  smi).wait()
            pltpu.make_async_copy(dst_hbm.at[pl.ds(base, ck)], didx,
                                  smi).wait()
            pltpu.make_async_copy(ea0_hbm.at[pl.ds(base, ck)], ea0,
                                  smi).wait()
            pltpu.make_async_copy(ea1_hbm.at[pl.ds(base, ck)], ea1,
                                  smi).wait()

        def issue_gather(s):
            sidx, didx, _, _, _, xlr, xrr, _, _, smg, _ = slots[s]
            pltpu.async_copy(xl_hbm.at[sidx], xlr, smg)
            pltpu.async_copy(xr_hbm.at[didx], xrr, smg)

        def wait_gather(s):
            sidx, didx, _, _, _, xlr, xrr, _, _, smg, _ = slots[s]
            pltpu.make_async_copy(xl_hbm.at[sidx], xlr, smg).wait()
            pltpu.make_async_copy(xr_hbm.at[didx], xrr, smg).wait()

        def issue_scatter(s):
            _, _, dsc, _, _, _, _, wbuf, _, _, sms = slots[s]
            pltpu.async_copy(wbuf, acc.at[dsc], sms, add=True)

        def wait_scatter(s):
            _, _, dsc, _, _, _, _, wbuf, _, _, sms = slots[s]
            pltpu.make_async_copy(wbuf, acc.at[dsc], sms).wait()

        def compute(s):
            _, didx, dsc, ea0, ea1, xlr, xrr, wbuf, _, _, _ = slots[s]
            for g in range(ck // 16):
                dsc[pl.ds(g * 16, 16)] = didx[pl.ds(g * 16, 16)]

            def edge_body(e, c2):
                a0 = ea0[e]
                a1 = ea1[e]
                xls = [xlr[e, pl.ds(k * 16, 16)] for k in range(nk)]
                xrs = [xrr[e, pl.ds(k * 16, 16)] for k in range(nk)]
                exs = []
                for h in range(heads):
                    tacc = None
                    for j in range(hk):
                        k = h * hk + j
                        m = xls[k] + xrs[k] + a0 * wv[0][k] + a1 * wv[1][k]
                        t = _lrelu(m) * av[k]
                        tacc = t if tacc is None else tacc + t
                    sv = jnp.sum(tacc)
                    ev = jnp.exp(jnp.broadcast_to(sv, (16,)))
                    exs.append(ev)
                    for j in range(hk):
                        k = h * hk + j
                        wbuf[e, pl.ds(k * 16, 16)] = xls[k] * ev
                exv = jnp.where(lane == 0, exs[0], 0.0)
                for h in range(1, heads):
                    exv = jnp.where(lane == h, exs[h], exv)
                wbuf[e, pl.ds(ch, 16)] = exv
                return c2

            lax.fori_loop(0, ck, edge_body, 0)

        base00 = wid * EW
        issue_idx(0, base00)
        issue_idx(1, base00 + ck)
        wait_idx(0, base00)
        issue_gather(0)

        def pipe_body(t, carry):
            i0 = 2 * t
            base0 = wid * EW + i0 * ck
            base1 = base0 + ck

            @pl.when(t >= 1)
            def _():
                wait_scatter(0)
            wait_gather(0)
            wait_idx(1, base1)
            issue_gather(1)
            compute(0)
            issue_scatter(0)

            @pl.when(i0 + 2 < nchunk)
            def _():
                issue_idx(0, base0 + 2 * ck)

            @pl.when(t >= 1)
            def _():
                wait_scatter(1)
            wait_gather(1)

            @pl.when(i0 + 2 < nchunk)
            def _():
                wait_idx(0, base0 + 2 * ck)
                issue_gather(0)
            compute(1)
            issue_scatter(1)

            @pl.when(i0 + 3 < nchunk)
            def _():
                issue_idx(1, base1 + 2 * ck)
            return carry

        lax.fori_loop(0, nchunk // 2, pipe_body, 0)
        wait_scatter(0)
        wait_scatter(1)
        plsc.subcore_barrier()
        pltpu.sync_copy(acc.at[pl.ds(sid * RPT, RPT)],
                        out_hbm.at[cid, pl.ds(sid * RPT, RPT)])

    return edge_pass


def _mid_body(acc_ref, xl1_ref, xr1_ref, eam_ref, we1_ref, att1_ref, b1_ref,
              wl2_ref, bl2_ref, wr2_ref, br2_ref, we2_ref, att2_ref,
              xl2_ref, xr2_ref, sn2_ref, sd2_ref):
    f32 = jnp.float32
    dot = functools.partial(jnp.dot, preferred_element_type=f32)
    num = acc_ref[0, :N, :HEADS * GH] + acc_ref[1, :N, :HEADS * GH]
    den = (acc_ref[0, :N, HEADS * GH:HEADS * GH + HEADS]
           + acc_ref[1, :N, HEADS * GH:HEADS * GH + HEADS])
    xl1 = xl1_ref[...]
    xr1 = xr1_ref[...]
    eam = eam_ref[...]
    efs = jnp.sum(eam * we1_ref[...], axis=0, keepdims=True)
    ts = _lrelu(xl1 + xr1 + efs) * att1_ref[...]
    e0 = jnp.exp(jnp.sum(ts[:, :GH], axis=1, keepdims=True))
    e1 = jnp.exp(jnp.sum(ts[:, GH:], axis=1, keepdims=True))
    numt = num + jnp.concatenate([xl1[:, :GH] * e0, xl1[:, GH:] * e1], axis=1)
    d0 = den[:, 0:1] + e0 + 1e-16
    d1 = den[:, 1:2] + e1 + 1e-16
    o = jnp.concatenate([numt[:, :GH] / d0, numt[:, GH:] / d1], axis=1)
    h1 = _elu(o + b1_ref[...])

    xl2 = dot(h1, wl2_ref[...]) + bl2_ref[...]
    xr2 = dot(h1, wr2_ref[...]) + br2_ref[...]
    efs2 = jnp.sum(eam * we2_ref[...], axis=0, keepdims=True)
    ts2 = _lrelu(xl2 + xr2 + efs2) * att2_ref[...]
    e2 = jnp.exp(jnp.sum(ts2, axis=1, keepdims=True))
    xl2_ref[...] = xl2
    xr2_ref[...] = xr2
    sn2_ref[...] = xl2 * e2
    sd2_ref[...] = e2


def _final_body(acc_ref, sn2_ref, sd2_ref, b2_ref, batch_ref,
                fc1w_ref, fc1b_ref, fc2w_ref, fc2b_ref, out_ref, mp_ref):
    f32 = jnp.float32
    dot = functools.partial(jnp.dot, preferred_element_type=f32)
    num = acc_ref[0, :N, :GH] + acc_ref[1, :N, :GH] + sn2_ref[...]
    den = acc_ref[0, :N, GH:GH + 1] + acc_ref[1, :N, GH:GH + 1] + sd2_ref[...]
    h = _elu(num / (den + 1e-16) + b2_ref[...])

    b = batch_ref[...]
    gids = lax.broadcasted_iota(jnp.int32, (1, NG), 1)
    onehot = (b == gids).astype(f32)
    counts = jnp.sum(onehot, axis=0, keepdims=True)
    cnt = jnp.maximum(counts, 1.0).reshape(NG, 1)
    dnum = (((0,), (0,)), ((), ()))
    mean_pool = lax.dot_general(onehot, h, dnum,
                                preferred_element_type=f32) / cnt
    neg = jnp.float32(-jnp.inf)

    def mp_body(g, carry):
        mask = b == g
        mp_ref[pl.ds(g, 1), :] = jnp.max(jnp.where(mask, h, neg), axis=0,
                                         keepdims=True)
        return carry

    lax.fori_loop(0, NG, mp_body, 0)
    max_pool = mp_ref[...]
    pooled = jnp.concatenate([mean_pool, max_pool], axis=1)
    hid = jnp.maximum(dot(pooled, fc1w_ref[...]) + fc1b_ref[...], 0.0)
    out_ref[...] = dot(hid, fc2w_ref[...]) + fc2b_ref[...]


def kernel(x, edge_index, edge_attr, batch, c1w, c1b, c2w, c2b, bn_g, bn_b,
           g1_wl, g1_bl, g1_wr, g1_br, g1_we, g1_att, g1_bias,
           g2_wl, g2_bl, g2_wr, g2_br, g2_we, g2_att, g2_bias,
           fc1_w, fc1_b, fc2_w, fc2_b):
    f32 = jnp.float32
    batch2 = batch.reshape(N, 1)
    c1wt = jnp.transpose(c1w, (2, 1, 0)).reshape(3 * IN_DIM, TCN)
    c2wt = jnp.transpose(c2w, (2, 1, 0)).reshape(3 * TCN, TCN)

    sds = jax.ShapeDtypeStruct
    tc_params = pltpu.CompilerParams(vmem_limit_bytes=100 * 1024 * 1024)
    xl1, xr1, eam = pl.pallas_call(
        _encoder_body,
        out_shape=[sds((N, HEADS * GH), f32), sds((N, HEADS * GH), f32),
                   sds((1, 2), f32)],
        compiler_params=tc_params,
        scratch_shapes=[pltpu.VMEM((NG, TCN), f32)] * 2,
    )(x, batch2, edge_attr.reshape(E * 2 // 128, 128), c1wt,
      c1b.reshape(1, TCN), c2wt,
      c2b.reshape(1, TCN), bn_g.reshape(1, TCN), bn_b.reshape(1, TCN),
      g1_wl, g1_bl.reshape(1, HEADS * GH), g1_wr, g1_br.reshape(1, HEADS * GH))

    pad = EP - E
    src_p = jnp.concatenate([edge_index[0], jnp.zeros((pad,), jnp.int32)])
    dst_p = jnp.concatenate([edge_index[1],
                             jnp.full((pad,), N, jnp.int32)])
    zpad = jnp.zeros((pad,), f32)
    ea0_p = jnp.broadcast_to(
        jnp.concatenate([edge_attr[:, 0], zpad])[:, None], (EP, 16))
    ea1_p = jnp.broadcast_to(
        jnp.concatenate([edge_attr[:, 1], zpad])[:, None], (EP, 16))
    zr1 = jnp.zeros((NACC, HEADS * GH + 16), f32)
    zr2 = jnp.zeros((NACC, GH + 16), f32)
    padrows = jnp.zeros((NACC - N, HEADS * GH), f32)

    edge1 = _make_edge_pass(HEADS * GH, HEADS, HEADS * GH + 16, 64)
    acc1 = edge1(jnp.concatenate([xl1, padrows], axis=0),
                 jnp.concatenate([xr1, padrows], axis=0),
                 src_p, dst_p, ea0_p, ea1_p, g1_we,
                 g1_att.reshape(HEADS * GH), zr1)

    xl2, xr2, sn2, sd2 = pl.pallas_call(
        _mid_body,
        out_shape=[sds((N, GH), f32), sds((N, GH), f32), sds((N, GH), f32),
                   sds((N, 1), f32)],
        compiler_params=tc_params,
    )(acc1, xl1, xr1, eam.reshape(2, 1), g1_we,
      g1_att.reshape(1, HEADS * GH), g1_bias.reshape(1, HEADS * GH),
      g2_wl, g2_bl.reshape(1, GH), g2_wr, g2_br.reshape(1, GH), g2_we,
      g2_att.reshape(1, GH))

    padrows2 = jnp.zeros((NACC - N, GH), f32)
    edge2 = _make_edge_pass(GH, 1, GH + 16, 128)
    acc2 = edge2(jnp.concatenate([xl2, padrows2], axis=0),
                 jnp.concatenate([xr2, padrows2], axis=0),
                 src_p, dst_p, ea0_p, ea1_p, g2_we, g2_att.reshape(GH), zr2)

    out = pl.pallas_call(
        _final_body,
        out_shape=sds((NG, 1), f32),
        compiler_params=tc_params,
        scratch_shapes=[pltpu.VMEM((NG, GH), f32)],
    )(acc2, sn2, sd2, g2_bias.reshape(1, GH), batch2,
      fc1_w, fc1_b.reshape(1, 128), fc2_w, fc2_b.reshape(1, 1))
    return out[:, 0]

# --- scband reference (transcript-rebuilt; emitter-appended) ---
"""Pipeline reference for scband-temporal-gatclassifier-2078764172110 (READ-ONLY COPY).

The authoritative reference and input builder live on the scoring server;
editing this copy changes nothing except your own understanding.
"""

import jax, jax.numpy as jnp
import numpy as np
from jax import lax

N_NODES = 10000
N_EDGES = 320000
IN_DIM = 128
TCN = 32
GH = 48
HEADS = 2
EDGE_DIM = 2
NGRAPH = 64


def setup_inputs(seed: int = 0):
    key = jax.random.key(seed)
    ks = jax.random.split(key, 30)
    inp = {}
    inp['x'] = jax.random.normal(ks[0], (N_NODES, IN_DIM), dtype=jnp.float32)
    inp['edge_index'] = jax.random.randint(ks[1], (2, N_EDGES), 0, N_NODES, dtype=jnp.int32)
    inp['edge_attr'] = jax.random.normal(ks[2], (N_EDGES, EDGE_DIM), dtype=jnp.float32)
    inp['batch'] = jnp.sort(jax.random.randint(ks[3], (N_NODES,), 0, NGRAPH, dtype=jnp.int32))

    def p(k, shape, scale):
        return jax.random.normal(k, shape, dtype=jnp.float32) * scale
    inp['c1w'] = p(ks[4], (TCN, IN_DIM, 3), 0.05)
    inp['c1b'] = jnp.zeros((TCN,), jnp.float32)
    inp['c2w'] = p(ks[5], (TCN, TCN, 3), 0.1)
    inp['c2b'] = jnp.zeros((TCN,), jnp.float32)
    inp['bn_g'] = jnp.ones((TCN,), jnp.float32)
    inp['bn_b'] = jnp.zeros((TCN,), jnp.float32)
    inp['g1_wl'] = p(ks[6], (TCN, HEADS * GH), 0.1)
    inp['g1_bl'] = jnp.zeros((HEADS * GH,), jnp.float32)
    inp['g1_wr'] = p(ks[7], (TCN, HEADS * GH), 0.1)
    inp['g1_br'] = jnp.zeros((HEADS * GH,), jnp.float32)
    inp['g1_we'] = p(ks[8], (EDGE_DIM, HEADS * GH), 0.1)
    inp['g1_att'] = p(ks[9], (1, HEADS, GH), 0.1)
    inp['g1_bias'] = jnp.zeros((HEADS * GH,), jnp.float32)
    inp['g2_wl'] = p(ks[10], (HEADS * GH, GH), 0.1)
    inp['g2_bl'] = jnp.zeros((GH,), jnp.float32)
    inp['g2_wr'] = p(ks[11], (HEADS * GH, GH), 0.1)
    inp['g2_br'] = jnp.zeros((GH,), jnp.float32)
    inp['g2_we'] = p(ks[12], (EDGE_DIM, GH), 0.1)
    inp['g2_att'] = p(ks[13], (1, 1, GH), 0.1)
    inp['g2_bias'] = jnp.zeros((GH,), jnp.float32)
    inp['fc1_w'] = p(ks[14], (2 * GH, 128), 0.1)
    inp['fc1_b'] = jnp.zeros((128,), jnp.float32)
    inp['fc2_w'] = p(ks[15], (128, 1), 0.1)
    inp['fc2_b'] = jnp.zeros((1,), jnp.float32)
    return inp


def _temporal_encoder(x, batch, c1w, c1b, c2w, c2b, bn_g, bn_b):
    n = x.shape[0]
    counts = jax.ops.segment_sum(jnp.ones((n,), jnp.int32), batch, num_segments=NGRAPH)
    starts = jnp.cumsum(counts) - counts
    t = jnp.arange(n, dtype=jnp.int32)
    idx = jnp.clip(starts[:, None] + t[None, :], 0, n - 1)
    valid = t[None, :] < counts[:, None]
    xg = jnp.where(valid[:, :, None], x[idx], 0.0)
    xi = jnp.transpose(xg, (0, 2, 1))
    dn = ('NCH', 'OIH', 'NCH')
    h = lax.conv_general_dilated(xi, c1w, (1,), 'SAME', dimension_numbers=dn) + c1b[None, :, None]
    h = jax.nn.relu(h)
    h = jnp.where(valid[:, None, :], h, 0.0)
    h = lax.conv_general_dilated(h, c2w, (1,), 'SAME', rhs_dilation=(2,), dimension_numbers=dn) + c2b[None, :, None]
    h = jax.nn.relu(h)
    h = jnp.where(valid[:, None, :], h, 0.0)
    cnt = counts.astype(jnp.float32)[:, None, None]
    mean = jnp.sum(h, axis=2, keepdims=True) / cnt
    var = jnp.sum(jnp.where(valid[:, None, :], (h - mean) ** 2, 0.0), axis=2, keepdims=True) / cnt
    h = (h - mean) / jnp.sqrt(var + 1e-5) * bn_g[None, :, None] + bn_b[None, :, None]
    pos = t - starts[batch]
    return h[batch, :, pos]


def _gatv2(x, edge_index, edge_attr, wl, bl, wr, br, we, att, bias, heads, out_ch):
    n = x.shape[0]
    loop = jnp.arange(n, dtype=edge_index.dtype)
    ei = jnp.concatenate([edge_index, jnp.stack([loop, loop])], axis=1)
    ea_mean = jnp.mean(edge_attr, axis=0, keepdims=True)
    ea = jnp.concatenate([edge_attr, jnp.broadcast_to(ea_mean, (n, edge_attr.shape[1]))], axis=0)
    src, dst = ei[0], ei[1]
    xl = (x @ wl + bl).reshape(n, heads, out_ch)
    xr = (x @ wr + br).reshape(n, heads, out_ch)
    ef = (ea @ we).reshape(-1, heads, out_ch)
    m = xl[src] + xr[dst] + ef
    ma = jax.nn.leaky_relu(m, negative_slope=0.2)
    logit = jnp.sum(ma * att, axis=-1)
    lmax = jax.ops.segment_max(logit, dst, num_segments=n)
    ex = jnp.exp(logit - lmax[dst])
    den = jax.ops.segment_sum(ex, dst, num_segments=n)
    alpha = ex / (den[dst] + 1e-16)
    out = jax.ops.segment_sum(xl[src] * alpha[..., None], dst, num_segments=n)
    return out.reshape(n, heads * out_ch) + bias


def reference(x, edge_index, edge_attr, batch, c1w, c1b, c2w, c2b, bn_g, bn_b, g1_wl, g1_bl, g1_wr, g1_br, g1_we, g1_att, g1_bias, g2_wl, g2_bl, g2_wr, g2_br, g2_we, g2_att, g2_bias, fc1_w, fc1_b, fc2_w, fc2_b):
    h = _temporal_encoder(x, batch, c1w, c1b, c2w, c2b, bn_g, bn_b)
    h = jax.nn.elu(_gatv2(h, edge_index, edge_attr, g1_wl, g1_bl, g1_wr, g1_br, g1_we, g1_att, g1_bias, HEADS, GH))
    h = jax.nn.elu(_gatv2(h, edge_index, edge_attr, g2_wl, g2_bl, g2_wr, g2_br, g2_we, g2_att, g2_bias, 1, GH))
    counts = jax.ops.segment_sum(jnp.ones((h.shape[0],), jnp.float32), batch, num_segments=NGRAPH)
    mean_pool = jax.ops.segment_sum(h, batch, num_segments=NGRAPH) / jnp.maximum(counts, 1.0)[:, None]
    max_pool = jax.ops.segment_max(h, batch, num_segments=NGRAPH)
    pooled = jnp.concatenate([mean_pool, max_pool], axis=1)
    hid = jax.nn.relu(pooled @ fc1_w + fc1_b)
    logits = (hid @ fc2_w + fc2_b)[:, 0]
    return logits

if __name__ == "__main__":
    import jax
    _d = setup_inputs()
    print(jax.jit(kernel)(*tuple(_d.values())))

</pallas_src>

<mosaic_0001>
#map = affine_map<(d0, d1) -> (0, 0)>
#map1 = affine_map<(d0, d1) -> (0)>
#map2 = affine_map<(d0, d1) -> (0, 0, 0)>
module attributes {stable_mosaic.version = 14 : i64} {
  func.func @edge_pass(%arg0: i32, %arg1: i32, %arg2: memref<10112x96xf32, #tpu.memory_space<hbm>>, %arg3: memref<10112x96xf32, #tpu.memory_space<hbm>>, %arg4: memref<327680xi32, #tpu.memory_space<hbm>>, %arg5: memref<327680xi32, #tpu.memory_space<hbm>>, %arg6: memref<327680x16xf32, #tpu.memory_space<hbm>>, %arg7: memref<327680x16xf32, #tpu.memory_space<hbm>>, %arg8: memref<2x96xf32, #tpu.memory_space<hbm>>, %arg9: memref<96xf32, #tpu.memory_space<hbm>>, %arg10: memref<10112x112xf32, #tpu.memory_space<hbm>>, %arg11: memref<2x10112x112xf32, #tpu.memory_space<hbm>>, %arg12: memref<10112x112xf32, #tpu.memory_space<vmem_shared>>, %arg13: memref<64xi32, #tpu.memory_space<vmem>>, %arg14: memref<64xi32, #tpu.memory_space<vmem>>, %arg15: memref<64xi32, #tpu.memory_space<vmem>>, %arg16: memref<64xi32, #tpu.memory_space<vmem>>, %arg17: memref<64xi32, #tpu.memory_space<vmem>>, %arg18: memref<64xi32, #tpu.memory_space<vmem>>, %arg19: memref<64x16xf32, #tpu.memory_space<vmem>>, %arg20: memref<64x16xf32, #tpu.memory_space<vmem>>, %arg21: memref<64x16xf32, #tpu.memory_space<vmem>>, %arg22: memref<64x16xf32, #tpu.memory_space<vmem>>, %arg23: memref<64x96xf32, #tpu.memory_space<vmem>>, %arg24: memref<64x96xf32, #tpu.memory_space<vmem>>, %arg25: memref<64x96xf32, #tpu.memory_space<vmem>>, %arg26: memref<64x96xf32, #tpu.memory_space<vmem>>, %arg27: memref<64x112xf32, #tpu.memory_space<vmem>>, %arg28: memref<64x112xf32, #tpu.memory_space<vmem>>, %arg29: memref<2x96xf32, #tpu.memory_space<vmem>>, %arg30: memref<96xf32, #tpu.memory_space<vmem>>, %arg31: memref<!tpu.dma_semaphore, #tpu.memory_space<semaphore_mem>>, %arg32: memref<!tpu.dma_semaphore, #tpu.memory_space<semaphore_mem>>, %arg33: memref<!tpu.dma_semaphore, #tpu.memory_space<semaphore_mem>>, %arg34: memref<!tpu.dma_semaphore, #tpu.memory_space<semaphore_mem>>, %arg35: memref<!tpu.dma_semaphore, #tpu.memory_space<semaphore_mem>>, %arg36: memref<!tpu.dma_semaphore, #tpu.memory_space<semaphore_mem>>) attributes {dimension_semantics = [#tpu.dimension_semantics<core_parallel>, #tpu.dimension_semantics<subcore_parallel>], iteration_bounds = array<i64: 2, 16>, scalar_prefetch = 0 : i64, scratch_operands = 25 : i64, tpu.core_type = #tpu.core_type<sc_vector_subcore>, window_params = [{transform_indices = #map}, {transform_indices = #map}, {transform_indices = #map1}, {transform_indices = #map1}, {transform_indices = #map}, {transform_indices = #map}, {transform_indices = #map}, {transform_indices = #map1}, {transform_indices = #map}, {transform_indices = #map2}]} {
    %mul3A = arith.constant 2 : i32
    %mul3A_0 = arith.muli %arg1, %mul3A : i32
    %add3A = arith.addi %mul3A_0, %arg0 : i32
    "tpu.region"() ({
      %run_scoped3A = tpu.sem_alloc : memref<!tpu.dma_semaphore, #tpu.memory_space<semaphore_mem>>
      tpu.enqueue_dma source(%arg8 : memref<2x96xf32, #tpu.memory_space<hbm>>) target(%arg29 : memref<2x96xf32, #tpu.memory_space<vmem>>) target_semaphore(%run_scoped3A : memref<!tpu.dma_semaphore, #tpu.memory_space<semaphore_mem>>)
      tpu.wait_dma2 semaphore(%run_scoped3A : memref<!tpu.dma_semaphore, #tpu.memory_space<semaphore_mem>>) src(%arg8 : memref<2x96xf32, #tpu.memory_space<hbm>>) dst(%arg29 : memref<2x96xf32, #tpu.memory_space<vmem>>)
      tpu.yield
    }) : () -> ()
    "tpu.region"() ({
      %run_scoped3A = tpu.sem_alloc : memref<!tpu.dma_semaphore, #tpu.memory_space<semaphore_mem>>
      tpu.enqueue_dma source(%arg9 : memref<96xf32, #tpu.memory_space<hbm>>) target(%arg30 : memref<96xf32, #tpu.memory_space<vmem>>) target_semaphore(%run_scoped3A : memref<!tpu.dma_semaphore, #tpu.memory_space<semaphore_mem>>)
      tpu.wait_dma2 semaphore(%run_scoped3A : memref<!tpu.dma_semaphore, #tpu.memory_space<semaphore_mem>>) src(%arg9 : memref<96xf32, #tpu.memory_space<hbm>>) dst(%arg30 : memref<96xf32, #tpu.memory_space<vmem>>)
      tpu.yield
    }) : () -> ()
    %mul3A_1 = arith.constant 632 : i32
    %mul3A_2 = arith.muli %arg1, %mul3A_1 : i32
    %mul3A_3 = arith.constant 632 : i32
    %mul3A_4 = arith.muli %arg1, %mul3A_3 : i32
    "tpu.region"() ({
      %run_scoped3A = tpu.sem_alloc : memref<!tpu.dma_semaphore, #tpu.memory_space<semaphore_mem>>
      %dma_start3A_124 = arith.constant 0 : i32
      %dma_start3A_125 = tpu.memref_slice %arg12[%mul3A_4, %dma_start3A_124] : memref<10112x112xf32, #tpu.memory_space<vmem_shared>> -> memref<632x112xf32, #tpu.memory_space<vmem_shared>>
      %dma_start3A_126 = arith.constant 0 : i32
      %dma_start3A_127 = tpu.memref_slice %arg10[%mul3A_2, %dma_start3A_126] : memref<10112x112xf32, #tpu.memory_space<hbm>> -> memref<632x112xf32, #tpu.memory_space<hbm>>
      tpu.enqueue_dma source(%dma_start3A_127 : memref<632x112xf32, #tpu.memory_space<hbm>>) target(%dma_start3A_125 : memref<632x112xf32, #tpu.memory_space<vmem_shared>>) target_semaphore(%run_scoped3A : memref<!tpu.dma_semaphore, #tpu.memory_space<semaphore_mem>>)
      %dma_wait3A_128 = arith.constant 0 : i32
      %dma_wait3A_129 = tpu.memref_slice %arg12[%mul3A_4, %dma_wait3A_128] : memref<10112x112xf32, #tpu.memory_space<vmem_shared>> -> memref<632x112xf32, #tpu.memory_space<vmem_shared>>
      %dma_wait3A_130 = arith.constant 0 : i32
      %dma_wait3A_131 = tpu.memref_slice %arg10[%mul3A_2, %dma_wait3A_130] : memref<10112x112xf32, #tpu.memory_space<hbm>> -> memref<632x112xf32, #tpu.memory_space<hbm>>
      tpu.wait_dma2 semaphore(%run_scoped3A : memref<!tpu.dma_semaphore, #tpu.memory_space<semaphore_mem>>) src(%dma_wait3A_131 : memref<632x112xf32, #tpu.memory_space<hbm>>) dst(%dma_wait3A_129 : memref<632x112xf32, #tpu.memory_space<vmem_shared>>)
      tpu.yield
    }) : () -> ()
    %barrier3A = arith.constant 0 : index
    tpu.barrier barrier_id(%barrier3A)
    %get3A = arith.constant 0 : i32
    %get3A_5 = arith.index_cast %get3A : i32 to index
    %get3A_6 = arith.constant 0 : index
    %get3A_7 = tpu.vector_load %arg29[%get3A_5, %get3A_6] {strides = array<i32>} : memref<2x96xf32, #tpu.memory_space<vmem>>, vector<16xf32>,
    %get3A_8 = arith.constant 0 : i32
    %get3A_9 = arith.index_cast %get3A_8 : i32 to index
    %get3A_10 = arith.constant 16 : index
    %get3A_11 = tpu.vector_load %arg29[%get3A_9, %get3A_10] {strides = array<i32>} : memref<2x96xf32, #tpu.memory_space<vmem>>, vector<16xf32>,
    %get3A_12 = arith.constant 0 : i32
    %get3A_13 = arith.index_cast %get3A_12 : i32 to index
    %get3A_14 = arith.constant 32 : index
    %get3A_15 = tpu.vector_load %arg29[%get3A_13, %get3A_14] {strides = array<i32>} : memref<2x96xf32, #tpu.memory_space<vmem>>, vector<16xf32>,
    %get3A_16 = arith.constant 0 : i32
    %get3A_17 = arith.index_cast %get3A_16 : i32 to index
    %get3A_18 = arith.constant 48 : index
    %get3A_19 = tpu.vector_load %arg29[%get3A_17, %get3A_18] {strides = array<i32>} : memref<2x96xf32, #tpu.memory_space<vmem>>, vector<16xf32>,
    %get3A_20 = arith.constant 0 : i32
    %get3A_21 = arith.index_cast %get3A_20 : i32 to index
    %get3A_22 = arith.constant 64 : index
    %get3A_23 = tpu.vector_load %arg29[%get3A_21, %get3A_22] {strides = array<i32>} : memref<2x96xf32, #tpu.memory_space<vmem>>, vector<16xf32>,
    %get3A_24 = arith.constant 0 : i32
    %get3A_25 = arith.index_cast %get3A_24 : i32 to index
    %get3A_26 = arith.constant 80 : index
    %get3A_27 = tpu.vector_load %arg29[%get3A_25, %get3A_26] {strides = array<i32>} : memref<2x96xf32, #tpu.memory_space<vmem>>, vector<16xf32>,
    %get3A_28 = arith.constant 1 : i32
    %get3A_29 = arith.index_cast %get3A_28 : i32 to index
    %get3A_30 = arith.constant 0 : index
    %get3A_31 = tpu.vector_load %arg29[%get3A_29, %get3A_30] {strides = array<i32>} : memref<2x96xf32, #tpu.memory_space<vmem>>, vector<16xf32>,
    %get3A_32 = arith.constant 1 : i32
    %get3A_33 = arith.index_cast %get3A_32 : i32 to index
    %get3A_34 = arith.constant 16 : index
    %get3A_35 = tpu.vector_load %arg29[%get3A_33, %get3A_34] {strides = array<i32>} : memref<2x96xf32, #tpu.memory_space<vmem>>, vector<16xf32>,
    %get3A_36 = arith.constant 1 : i32
    %get3A_37 = arith.index_cast %get3A_36 : i32 to index
    %get3A_38 = arith.constant 32 : index
    %get3A_39 = tpu.vector_load %arg29[%get3A_37, %get3A_38] {strides = array<i32>} : memref<2x96xf32, #tpu.memory_space<vmem>>, vector<16xf32>,
    %get3A_40 = arith.constant 1 : i32
    %get3A_41 = arith.index_cast %get3A_40 : i32 to index
    %get3A_42 = arith.constant 48 : index
    %get3A_43 = tpu.vector_load %arg29[%get3A_41, %get3A_42] {strides = array<i32>} : memref<2x96xf32, #tpu.memory_space<vmem>>, vector<16xf32>,
    %get3A_44 = arith.constant 1 : i32
    %get3A_45 = arith.index_cast %get3A_44 : i32 to index
    %get3A_46 = arith.constant 64 : index
    %get3A_47 = tpu.vector_load %arg29[%get3A_45, %get3A_46] {strides = array<i32>} : memref<2x96xf32, #tpu.memory_space<vmem>>, vector<16xf32>,
    %get3A_48 = arith.constant 1 : i32
    %get3A_49 = arith.index_cast %get3A_48 : i32 to index
    %get3A_50 = arith.constant 80 : index
    %get3A_51 = tpu.vector_load %arg29[%get3A_49, %get3A_50] {strides = array<i32>} : memref<2x96xf32, #tpu.memory_space<vmem>>, vector<16xf32>,
    %get3A_52 = arith.constant 0 : index
    %get3A_53 = tpu.vector_load %arg30[%get3A_52] {strides = array<i32>} : memref<96xf32, #tpu.memory_space<vmem>>, vector<16xf32>,
    %get3A_54 = arith.constant 16 : index
    %get3A_55 = tpu.vector_load %arg30[%get3A_54] {strides = array<i32>} : memref<96xf32, #tpu.memory_space<vmem>>, vector<16xf32>,
    %get3A_56 = arith.constant 32 : index
    %get3A_57 = tpu.vector_load %arg30[%get3A_56] {strides = array<i32>} : memref<96xf32, #tpu.memory_space<vmem>>, vector<16xf32>,
    %get3A_58 = arith.constant 48 : index
    %get3A_59 = tpu.vector_load %arg30[%get3A_58] {strides = array<i32>} : memref<96xf32, #tpu.memory_space<vmem>>, vector<16xf32>,
    %get3A_60 = arith.constant 64 : index
    %get3A_61 = tpu.vector_load %arg30[%get3A_60] {strides = array<i32>} : memref<96xf32, #tpu.memory_space<vmem>>, vector<16xf32>,
    %get3A_62 = arith.constant 80 : index
    %get3A_63 = tpu.vector_load %arg30[%get3A_62] {strides = array<i32>} : memref<96xf32, #tpu.memory_space<vmem>>, vector<16xf32>,
    %iota3A = tpu.iota {dimensions = array<i32: 0>} : vector<16xi32>
    %mul3A_64 = arith.constant 10240 : i32
    %mul3A_65 = arith.muli %add3A, %mul3A_64 : i32
    %dma_start3A = tpu.memref_slice %arg4[%mul3A_65] : memref<327680xi32, #tpu.memory_space<hbm>> -> memref<64xi32, #tpu.memory_space<hbm>>
    %dma_start3A_66 = tpu.memref_slice %arg4[%mul3A_65] : memref<327680xi32, #tpu.memory_space<hbm>> -> memref<64xi32, #tpu.memory_space<hbm>>
    tpu.enqueue_dma source(%dma_start3A_66 : memref<64xi32, #tpu.memory_space<hbm>>) target(%arg13 : memref<64xi32, #tpu.memory_space<vmem>>) target_semaphore(%arg31 : memref<!tpu.dma_semaphore, #tpu.memory_space<semaphore_mem>>)
    %dma_start3A_67 = tpu.memref_slice %arg5[%mul3A_65] : memref<327680xi32, #tpu.memory_space<hbm>> -> memref<64xi32, #tpu.memory_space<hbm>>
    %dma_start3A_68 = tpu.memref_slice %arg5[%mul3A_65] : memref<327680xi32, #tpu.memory_space<hbm>> -> memref<64xi32, #tpu.memory_space<hbm>>
    tpu.enqueue_dma source(%dma_start3A_68 : memref<64xi32, #tpu.memory_space<hbm>>) target(%arg15 : memref<64xi32, #tpu.memory_space<vmem>>) target_semaphore(%arg31 : memref<!tpu.dma_semaphore, #tpu.memory_space<semaphore_mem>>)
    %dma_start3A_69 = arith.constant 0 : i32
    %dma_start3A_70 = tpu.memref_slice %arg6[%mul3A_65, %dma_start3A_69] : memref<327680x16xf32, #tpu.memory_space<hbm>> -> memref<64x16xf32, #tpu.memory_space<hbm>>
    %dma_start3A_71 = arith.constant 0 : i32
    %dma_start3A_72 = tpu.memref_slice %arg6[%mul3A_65, %dma_start3A_71] : memref<327680x16xf32, #tpu.memory_space<hbm>> -> memref<64x16xf32, #tpu.memory_space<hbm>>
    tpu.enqueue_dma source(%dma_start3A_72 : memref<64x16xf32, #tpu.memory_space<hbm>>) target(%arg19 : memref<64x16xf32, #tpu.memory_space<vmem>>) target_semaphore(%arg31 : memref<!tpu.dma_semaphore, #tpu.memory_space<semaphore_mem>>)
    %dma_start3A_73 = arith.constant 0 : i32
    %dma_start3A_74 = tpu.memref_slice %arg7[%mul3A_65, %dma_start3A_73] : memref<327680x16xf32, #tpu.memory_space<hbm>> -> memref<64x16xf32, #tpu.memory_space<hbm>>
    %dma_start3A_75 = arith.constant 0 : i32
    %dma_start3A_76 = tpu.memref_slice %arg7[%mul3A_65, %dma_start3A_75] : memref<327680x16xf32, #tpu.memory_space<hbm>> -> memref<64x16xf32, #tpu.memory_space<hbm>>
    tpu.enqueue_dma source(%dma_start3A_76 : memref<64x16xf32, #tpu.memory_space<hbm>>) target(%arg21 : memref<64x16xf32, #tpu.memory_space<vmem>>) target_semaphore(%arg31 : memref<!tpu.dma_semaphore, #tpu.memory_space<semaphore_mem>>)
    %add3A_77 = arith.constant 64 : i32
    %add3A_78 = arith.addi %mul3A_65, %add3A_77 : i32
    %dma_start3A_79 = tpu.memref_slice %arg4[%add3A_78] : memref<327680xi32, #tpu.memory_space<hbm>> -> memref<64xi32, #tpu.memory_space<hbm>>
    %dma_start3A_80 = tpu.memref_slice %arg4[%add3A_78] : memref<327680xi32, #tpu.memory_space<hbm>> -> memref<64xi32, #tpu.memory_space<hbm>>
    tpu.enqueue_dma source(%dma_start3A_80 : memref<64xi32, #tpu.memory_space<hbm>>) target(%arg14 : memref<64xi32, #tpu.memory_space<vmem>>) target_semaphore(%arg32 : memref<!tpu.dma_semaphore, #tpu.memory_space<semaphore_mem>>)
    %dma_start3A_81 = tpu.memref_slice %arg5[%add3A_78] : memref<327680xi32, #tpu.memory_space<hbm>> -> memref<64xi32, #tpu.memory_space<hbm>>
    %dma_start3A_82 = tpu.memref_slice %arg5[%add3A_78] : memref<327680xi32, #tpu.memory_space<hbm>> -> memref<64xi32, #tpu.memory_space<hbm>>
    tpu.enqueue_dma source(%dma_start3A_82 : memref<64xi32, #tpu.memory_space<hbm>>) target(%arg16 : memref<64xi32, #tpu.memory_space<vmem>>) target_semaphore(%arg32 : memref<!tpu.dma_semaphore, #tpu.memory_space<semaphore_mem>>)
    %dma_start3A_83 = arith.constant 0 : i32
    %dma_start3A_84 = tpu.memref_slice %arg6[%add3A_78, %dma_start3A_83] : memref<327680x16xf32, #tpu.memory_space<hbm>> -> memref<64x16xf32, #tpu.memory_space<hbm>>
    %dma_start3A_85 = arith.constant 0 : i32
    %dma_start3A_86 = tpu.memref_slice %arg6[%add3A_78, %dma_start3A_85] : memref<327680x16xf32, #tpu.memory_space<hbm>> -> memref<64x16xf32, #tpu.memory_space<hbm>>
    tpu.enqueue_dma source(%dma_start3A_86 : memref<64x16xf32, #tpu.memory_space<hbm>>) target(%arg20 : memref<64x16xf32, #tpu.memory_space<vmem>>) target_semaphore(%arg32 : memref<!tpu.dma_semaphore, #tpu.memory_space<semaphore_mem>>)
    %dma_start3A_87 = arith.constant 0 : i32
    %dma_start3A_88 = tpu.memref_slice %arg7[%add3A_78, %dma_start3A_87] : memref<327680x16xf32, #tpu.memory_space<hbm>> -> memref<64x16xf32, #tpu.memory_space<hbm>>
    %dma_start3A_89 = arith.constant 0 : i32
    %dma_start3A_90 = tpu.memref_slice %arg7[%add3A_78, %dma_start3A_89] : memref<327680x16xf32, #tpu.memory_space<hbm>> -> memref<64x16xf32, #tpu.memory_space<hbm>>
    tpu.enqueue_dma source(%dma_start3A_90 : memref<64x16xf32, #tpu.memory_space<hbm>>) target(%arg22 : memref<64x16xf32, #tpu.memory_space<vmem>>) target_semaphore(%arg32 : memref<!tpu.dma_semaphore, #tpu.memory_space<semaphore_mem>>)
    %dma_wait3A = tpu.memref_slice %arg4[%mul3A_65] : memref<327680xi32, #tpu.memory_space<hbm>> -> memref<64xi32, #tpu.memory_space<hbm>>
    %dma_wait3A_91 = tpu.memref_slice %arg4[%mul3A_65] : memref<327680xi32, #tpu.memory_space<hbm>> -> memref<64xi32, #tpu.memory_space<hbm>>
    tpu.wait_dma2 semaphore(%arg31 : memref<!tpu.dma_semaphore, #tpu.memory_space<semaphore_mem>>) src(%dma_wait3A_91 : memref<64xi32, #tpu.memory_space<hbm>>) dst(%arg13 : memref<64xi32, #tpu.memory_space<vmem>>)
    %dma_wait3A_92 = tpu.memref_slice %arg5[%mul3A_65] : memref<327680xi32, #tpu.memory_space<hbm>> -> memref<64xi32, #tpu.memory_space<hbm>>
    %dma_wait3A_93 = tpu.memref_slice %arg5[%mul3A_65] : memref<327680xi32, #tpu.memory_space<hbm>> -> memref<64xi32, #tpu.memory_space<hbm>>
    tpu.wait_dma2 semaphore(%arg31 : memref<!tpu.dma_semaphore, #tpu.memory_space<semaphore_mem>>) src(%dma_wait3A_93 : memref<64xi32, #tpu.memory_space<hbm>>) dst(%arg15 : memref<64xi32, #tpu.memory_space<vmem>>)
    %dma_wait3A_94 = arith.constant 0 : i32
    %dma_wait3A_95 = tpu.memref_slice %arg6[%mul3A_65, %dma_wait3A_94] : memref<327680x16xf32, #tpu.memory_space<hbm>> -> memref<64x16xf32, #tpu.memory_space<hbm>>
    %dma_wait3A_96 = arith.constant 0 : i32
    %dma_wait3A_97 = tpu.memref_slice %arg6[%mul3A_65, %dma_wait3A_96] : memref<327680x16xf32, #tpu.memory_space<hbm>> -> memref<64x16xf32, #tpu.memory_space<hbm>>
    tpu.wait_dma2 semaphore(%arg31 : memref<!tpu.dma_semaphore, #tpu.memory_space<semaphore_mem>>) src(%dma_wait3A_97 : memref<64x16xf32, #tpu.memory_space<hbm>>) dst(%arg19 : memref<64x16xf32, #tpu.memory_space<vmem>>)
    %dma_wait3A_98 = arith.constant 0 : i32
    %dma_wait3A_99 = tpu.memref_slice %arg7[%mul3A_65, %dma_wait3A_98] : memref<327680x16xf32, #tpu.memory_space<hbm>> -> memref<64x16xf32, #tpu.memory_space<hbm>>
    %dma_wait3A_100 = arith.constant 0 : i32
    %dma_wait3A_101 = tpu.memref_slice %arg7[%mul3A_65, %dma_wait3A_100] : memref<327680x16xf32, #tpu.memory_space<hbm>> -> memref<64x16xf32, #tpu.memory_space<hbm>>
    tpu.wait_dma2 semaphore(%arg31 : memref<!tpu.dma_semaphore, #tpu.memory_space<semaphore_mem>>) src(%dma_wait3A_101 : memref<64x16xf32, #tpu.memory_space<hbm>>) dst(%arg21 : memref<64x16xf32, #tpu.memory_space<vmem>>)
    %dma_start3A_102 = arith.constant 0 : i32
    %dma_start3A_103 = arith.constant 0 : i32
    %dma_start3A_104 = tpu.memref_slice %arg2[%dma_start3A_102, %dma_start3A_103] : memref<10112x96xf32, #tpu.memory_space<hbm>> -> memref<10112x96xf32, #tpu.memory_space<hbm>>
    tpu.enqueue_indirect_dma source(%dma_start3A_104 : memref<10112x96xf32, #tpu.memory_space<hbm>>) target(%arg23 : memref<64x96xf32, #tpu.memory_space<vmem>>) offsets(%arg13 : memref<64xi32, #tpu.memory_space<vmem>>) semaphore(%arg33 : memref<!tpu.dma_semaphore, #tpu.memory_space<semaphore_mem>>)
    %dma_start3A_105 = arith.constant 0 : i32
    %dma_start3A_106 = arith.constant 0 : i32
    %dma_start3A_107 = tpu.memref_slice %arg3[%dma_start3A_105, %dma_start3A_106] : memref<10112x96xf32, #tpu.memory_space<hbm>> -> memref<10112x96xf32, #tpu.memory_space<hbm>>
    tpu.enqueue_indirect_dma source(%dma_start3A_107 : memref<10112x96xf32, #tpu.memory_space<hbm>>) target(%arg25 : memref<64x96xf32, #tpu.memory_space<vmem>>) offsets(%arg15 : memref<64xi32, #tpu.memory_space<vmem>>) semaphore(%arg33 : memref<!tpu.dma_semaphore, #tpu.memory_space<semaphore_mem>>)
    %scan3A = arith.constant 0 : i32
    %scan3A_108 = arith.constant 0 : i32
    %scan3A_109 = arith.constant 80 : i32
    %scan3A_110 = arith.addi %scan3A_108, %scan3A_109 : i32
    %scan3A_111 = arith.constant 1 : i32
    scf.for %scan3A_124 = %scan3A_108 to %scan3A_110 step %scan3A_111  : i32 {
      %mul3A_125 = arith.constant 2 : i32
      %mul3A_126 = arith.muli %mul3A_125, %scan3A_124 : i32
      %mul3A_127 = arith.constant 10240 : i32
      %mul3A_128 = arith.muli %add3A, %mul3A_127 : i32
      %mul3A_129 = arith.constant 64 : i32
      %mul3A_130 = arith.muli %mul3A_126, %mul3A_129 : i32
      %add3A_131 = arith.addi %mul3A_128, %mul3A_130 : i32
      %add3A_132 = arith.constant 64 : i32
      %add3A_133 = arith.addi %add3A_131, %add3A_132 : i32
      %ge3A = arith.constant 1 : i32
      %ge3A_134 = arith.cmpi sge, %scan3A_124, %ge3A : i32
      %convert_element_type3A = arith.extui %ge3A_134 : i1 to i32
      %cond3A = arith.constant 0 : i32
      %cond3A_135 = arith.cmpi ne, %convert_element_type3A, %cond3A : i32
      scf.if %cond3A_135 {
        %dma_wait3A_240 = arith.constant 0 : i32
        %dma_wait3A_241 = arith.constant 0 : i32
        %dma_wait3A_242 = tpu.memref_slice %arg12[%dma_wait3A_240, %dma_wait3A_241] : memref<10112x112xf32, #tpu.memory_space<vmem_shared>> -> memref<10112x112xf32, #tpu.memory_space<vmem_shared>>
        tpu.wait_indirect_dma semaphore(%arg35 : memref<!tpu.dma_semaphore, #tpu.memory_space<semaphore_mem>>) src(%arg27 : memref<64x112xf32, #tpu.memory_space<vmem>>) dst(%dma_wait3A_242 : memref<10112x112xf32, #tpu.memory_space<vmem_shared>>)
      } else {
      }
      %dma_wait3A_136 = arith.constant 0 : i32
      %dma_wait3A_137 = arith.constant 0 : i32
      %dma_wait3A_138 = tpu.memref_slice %arg2[%dma_wait3A_136, %dma_wait3A_137] : memref<10112x96xf32, #tpu.memory_space<hbm>> -> memref<10112x96xf32, #tpu.memory_space<hbm>>
      tpu.wait_indirect_dma semaphore(%arg33 : memref<!tpu.dma_semaphore, #tpu.memory_space<semaphore_mem>>) src(%dma_wait3A_138 : memref<10112x96xf32, #tpu.memory_space<hbm>>) dst(%arg23 : memref<64x96xf32, #tpu.memory_space<vmem>>)
      %dma_wait3A_139 = arith.constant 0 : i32
      %dma_wait3A_140 = arith.constant 0 : i32
      %dma_wait3A_141 = tpu.memref_slice %arg3[%dma_wait3A_139, %dma_wait3A_140] : memref<10112x96xf32, #tpu.memory_space<hbm>> -> memref<10112x96xf32, #tpu.memory_space<hbm>>
      tpu.wait_indirect_dma semaphore(%arg33 : memref<!tpu.dma_semaphore, #tpu.memory_space<semaphore_mem>>) src(%dma_wait3A_141 : memref<10112x96xf32, #tpu.memory_space<hbm>>) dst(%arg25 : memref<64x96xf32, #tpu.memory_space<vmem>>)
      %dma_wait3A_142 = tpu.memref_slice %arg4[%add3A_133] : memref<327680xi32, #tpu.memory_space<hbm>> -> memref<64xi32, #tpu.memory_space<hbm>>
      %dma_wait3A_143 = tpu.memref_slice %arg4[%add3A_133] : memref<327680xi32, #tpu.memory_space<hbm>> -> memref<64xi32, #tpu.memory_space<hbm>>
      tpu.wait_dma2 semaphore(%arg32 : memref<!tpu.dma_semaphore, #tpu.memory_space<semaphore_mem>>) src(%dma_wait3A_143 : memref<64xi32, #tpu.memory_space<hbm>>) dst(%arg14 : memref<64xi32, #tpu.memory_space<vmem>>)
      %dma_wait3A_144 = tpu.memref_slice %arg5[%add3A_133] : memref<327680xi32, #tpu.memory_space<hbm>> -> memref<64xi32, #tpu.memory_space<hbm>>
      %dma_wait3A_145 = tpu.memref_slice %arg5[%add3A_133] : memref<327680xi32, #tpu.memory_space<hbm>> -> memref<64xi32, #tpu.memory_space<hbm>>
      tpu.wait_dma2 semaphore(%arg32 : memref<!tpu.dma_semaphore, #tpu.memory_space<semaphore_mem>>) src(%dma_wait3A_145 : memref<64xi32, #tpu.memory_space<hbm>>) dst(%arg16 : memref<64xi32, #tpu.memory_space<vmem>>)
      %dma_wait3A_146 = arith.constant 0 : i32
      %dma_wait3A_147 = tpu.memref_slice %arg6[%add3A_133, %dma_wait3A_146] : memref<327680x16xf32, #tpu.memory_space<hbm>> -> memref<64x16xf32, #tpu.memory_space<hbm>>
      %dma_wait3A_148 = arith.constant 0 : i32
      %dma_wait3A_149 = tpu.memref_slice %arg6[%add3A_133, %dma_wait3A_148] : memref<327680x16xf32, #tpu.memory_space<hbm>> -> memref<64x16xf32, #tpu.memory_space<hbm>>
      tpu.wait_dma2 semaphore(%arg32 : memref<!tpu.dma_semaphore, #tpu.memory_space<semaphore_mem>>) src(%dma_wait3A_149 : memref<64x16xf32, #tpu.memory_space<hbm>>) dst(%arg20 : memref<64x16xf32, #tpu.memory_space<vmem>>)
      %dma_wait3A_150 = arith.constant 0 : i32
      %dma_wait3A_151 = tpu.memref_slice %arg7[%add3A_133, %dma_wait3A_150] : memref<327680x16xf32, #tpu.memory_space<hbm>> -> memref<64x16xf32, #tpu.memory_space<hbm>>
      %dma_wait3A_152 = arith.constant 0 : i32
      %dma_wait3A_153 = tpu.memref_slice %arg7[%add3A_133, %dma_wait3A_152] : memref<327680x16xf32, #tpu.memory_space<hbm>> -> memref<64x16xf32, #tpu.memory_space<hbm>>
      tpu.wait_dma2 semaphore(%arg32 : memref<!tpu.dma_semaphore, #tpu.memory_space<semaphore_mem>>) src(%dma_wait3A_153 : memref<64x16xf32, #tpu.memory_space<hbm>>) dst(%arg22 : memref<64x16xf32, #tpu.memory_space<vmem>>)
      %dma_start3A_154 = arith.constant 0 : i32
      %dma_start3A_155 = arith.constant 0 : i32
      %dma_start3A_156 = tpu.memref_slice %arg2[%dma_start3A_154, %dma_start3A_155] : memref<10112x96xf32, #tpu.memory_space<hbm>> -> memref<10112x96xf32, #tpu.memory_space<hbm>>
      tpu.enqueue_indirect_dma source(%dma_start3A_156 : memref<10112x96xf32, #tpu.memory_space<hbm>>) target(%arg24 : memref<64x96xf32, #tpu.memory_space<vmem>>) offsets(%arg14 : memref<64xi32, #tpu.memory_space<vmem>>) semaphore(%arg34 : memref<!tpu.dma_semaphore, #tpu.memory_space<semaphore_mem>>)
      %dma_start3A_157 = arith.constant 0 : i32
      %dma_start3A_158 = arith.constant 0 : i32
      %dma_start3A_159 = tpu.memref_slice %arg3[%dma_start3A_157, %dma_start3A_158] : memref<10112x96xf32, #tpu.memory_space<hbm>> -> memref<10112x96xf32, #tpu.memory_space<hbm>>
      tpu.enqueue_indirect_dma source(%dma_start3A_159 : memref<10112x96xf32, #tpu.memory_space<hbm>>) target(%arg26 : memref<64x96xf32, #tpu.memory_space<vmem>>) offsets(%arg16 : memref<64xi32, #tpu.memory_space<vmem>>) semaphore(%arg34 : memref<!tpu.dma_semaphore, #tpu.memory_space<semaphore_mem>>)
      %get3A_160 = arith.constant 0 : index
      %get3A_161 = tpu.vector_load %arg15[%get3A_160] {strides = array<i32>} : memref<64xi32, #tpu.memory_space<vmem>>, vector<16xi32>,
      %swap3A = arith.constant 0 : index
      %swap3A_162 = tpu.vector_load %arg17[%swap3A] {strides = array<i32>} : memref<64xi32, #tpu.memory_space<vmem>>, vector<16xi32>,
      tpu.vector_store %arg17[%swap3A], %get3A_161 {strides = array<i32>} : memref<64xi32, #tpu.memory_space<vmem>>, vector<16xi32>,
      %get3A_163 = arith.constant 16 : index
      %get3A_164 = tpu.vector_load %arg15[%get3A_163] {strides = array<i32>} : memref<64xi32, #tpu.memory_space<vmem>>, vector<16xi32>,
      %swap3A_165 = arith.constant 16 : index
      %swap3A_166 = tpu.vector_load %arg17[%swap3A_165] {strides = array<i32>} : memref<64xi32, #tpu.memory_space<vmem>>, vector<16xi32>,
      tpu.vector_store %arg17[%swap3A_165], %get3A_164 {strides = array<i32>} : memref<64xi32, #tpu.memory_space<vmem>>, vector<16xi32>,
      %get3A_167 = arith.constant 32 : index
      %get3A_168 = tpu.vector_load %arg15[%get3A_167] {strides = array<i32>} : memref<64xi32, #tpu.memory_space<vmem>>, vector<16xi32>,
      %swap3A_169 = arith.constant 32 : index
      %swap3A_170 = tpu.vector_load %arg17[%swap3A_169] {strides = array<i32>} : memref<64xi32, #tpu.memory_space<vmem>>, vector<16xi32>,
      tpu.vector_store %arg17[%swap3A_169], %get3A_168 {strides = array<i32>} : memref<64xi32, #tpu.memory_space<vmem>>, vector<16xi32>,
      %get3A_171 = arith.constant 48 : index
      %get3A_172 = tpu.vector_load %arg15[%get3A_171] {strides = array<i32>} : memref<64xi32, #tpu.memory_space<vmem>>, vector<16xi32>,
      %swap3A_173 = arith.constant 48 : index
      %swap3A_174 = tpu.vector_load %arg17[%swap3A_173] {strides = array<i32>} : memref<64xi32, #tpu.memory_space<vmem>>, vector<16xi32>,
      tpu.vector_store %arg17[%swap3A_173], %get3A_172 {strides = array<i32>} : memref<64xi32, #tpu.memory_space<vmem>>, vector<16xi32>,
      %scan3A_175 = arith.constant 0 : i32
      %scan3A_176 = arith.constant 0 : i32
      %scan3A_177 = arith.constant 64 : i32
      %scan3A_178 = arith.addi %scan3A_176, %scan3A_177 : i32
      %scan3A_179 = arith.constant 1 : i32
      scf.for %scan3A_240 = %scan3A_176 to %scan3A_178 step %scan3A_179  : i32 {
        %get3A_241 = arith.index_cast %scan3A_240 : i32 to index
        %get3A_242 = arith.constant 0 : index
        %get3A_243 = tpu.vector_load %arg19[%get3A_241, %get3A_242] {strides = array<i32>} : memref<64x16xf32, #tpu.memory_space<vmem>>, vector<16xf32>,
        %get3A_244 = arith.index_cast %scan3A_240 : i32 to index
        %get3A_245 = arith.constant 0 : index
        %get3A_246 = tpu.vector_load %arg21[%get3A_244, %get3A_245] {strides = array<i32>} : memref<64x16xf32, #tpu.memory_space<vmem>>, vector<16xf32>,
        %get3A_247 = arith.index_cast %scan3A_240 : i32 to index
        %get3A_248 = arith.constant 0 : index
        %get3A_249 = tpu.vector_load %arg23[%get3A_247, %get3A_248] {strides = array<i32>} : memref<64x96xf32, #tpu.memory_space<vmem>>, vector<16xf32>,
        %get3A_250 = arith.index_cast %scan3A_240 : i32 to index
        %get3A_251 = arith.constant 16 : index
        %get3A_252 = tpu.vector_load %arg23[%get3A_250, %get3A_251] {strides = array<i32>} : memref<64x96xf32, #tpu.memory_space<vmem>>, vector<16xf32>,
        %get3A_253 = arith.index_cast %scan3A_240 : i32 to index
        %get3A_254 = arith.constant 32 : index
        %get3A_255 = tpu.vector_load %arg23[%get3A_253, %get3A_254] {strides = array<i32>} : memref<64x96xf32, #tpu.memory_space<vmem>>, vector<16xf32>,
        %get3A_256 = arith.index_cast %scan3A_240 : i32 to index
        %get3A_257 = arith.constant 48 : index
        %get3A_258 = tpu.vector_load %arg23[%get3A_256, %get3A_257] {strides = array<i32>} : memref<64x96xf32, #tpu.memory_space<vmem>>, vector<16xf32>,
        %get3A_259 = arith.index_cast %scan3A_240 : i32 to index
        %get3A_260 = arith.constant 64 : index
        %get3A_261 = tpu.vector_load %arg23[%get3A_259, %get3A_260] {strides = array<i32>} : memref<64x96xf32, #tpu.memory_space<vmem>>, vector<16xf32>,
        %get3A_262 = arith.index_cast %scan3A_240 : i32 to index
        %get3A_263 = arith.constant 80 : index
        %get3A_264 = tpu.vector_load %arg23[%get3A_262, %get3A_263] {strides = array<i32>} : memref<64x96xf32, #tpu.memory_space<vmem>>, vector<16xf32>,
        %get3A_265 = arith.index_cast %scan3A_240 : i32 to index
        %get3A_266 = arith.constant 0 : index
        %get3A_267 = tpu.vector_load %arg25[%get3A_265, %get3A_266] {strides = array<i32>} : memref<64x96xf32, #tpu.memory_space<vmem>>, vector<16xf32>,
        %get3A_268 = arith.index_cast %scan3A_240 : i32 to index
        %get3A_269 = arith.constant 16 : index
        %get3A_270 = tpu.vector_load %arg25[%get3A_268, %get3A_269] {strides = array<i32>} : memref<64x96xf32, #tpu.memory_space<vmem>>, vector<16xf32>,
        %get3A_271 = arith.index_cast %scan3A_240 : i32 to index
        %get3A_272 = arith.constant 32 : index
        %get3A_273 = tpu.vector_load %arg25[%get3A_271, %get3A_272] {strides = array<i32>} : memref<64x96xf32, #tpu.memory_space<vmem>>, vector<16xf32>,
        %get3A_274 = arith.index_cast %scan3A_240 : i32 to index
        %get3A_275 = arith.constant 48 : index
        %get3A_276 = tpu.vector_load %arg25[%get3A_274, %get3A_275] {strides = array<i32>} : memref<64x96xf32, #tpu.memory_space<vmem>>, vector<16xf32>,
        %get3A_277 = arith.index_cast %scan3A_240 : i32 to index
        %get3A_278 = arith.constant 64 : index
        %get3A_279 = tpu.vector_load %arg25[%get3A_277, %get3A_278] {strides = array<i32>} : memref<64x96xf32, #tpu.memory_space<vmem>>, vector<16xf32>,
        %get3A_280 = arith.index_cast %scan3A_240 : i32 to index
        %get3A_281 = arith.constant 80 : index
        %get3A_282 = tpu.vector_load %arg25[%get3A_280, %get3A_281] {strides = array<i32>} : memref<64x96xf32, #tpu.memory_space<vmem>>, vector<16xf32>,
        %add3A_283 = arith.addf %get3A_249, %get3A_267 : vector<16xf32>
        %mul3A_284 = arith.mulf %get3A_243, %get3A_7 : vector<16xf32>
        %add3A_285 = arith.addf %add3A_283, %mul3A_284 : vector<16xf32>
        %mul3A_286 = arith.mulf %get3A_246, %get3A_31 : vector<16xf32>
        %add3A_287 = arith.addf %add3A_285, %mul3A_286 : vector<16xf32>
        %mul3A_288 = arith.constant 2.000000e-01 : f32
        %mul3A_289 = vector.broadcast %mul3A_288 : f32 to vector<16xf32>
        %mul3A_290 = arith.mulf %mul3A_289, %add3A_287 : vector<16xf32>
        %max3A = arith.maximumf %add3A_287, %mul3A_290 : vector<16xf32>
        %mul3A_291 = arith.mulf %max3A, %get3A_53 : vector<16xf32>
        %add3A_292 = arith.addf %get3A_252, %get3A_270 : vector<16xf32>
        %mul3A_293 = arith.mulf %get3A_243, %get3A_11 : vector<16xf32>
        %add3A_294 = arith.addf %add3A_292, %mul3A_293 : vector<16xf32>
        %mul3A_295 = arith.mulf %get3A_246, %get3A_35 : vector<16xf32>
        %add3A_296 = arith.addf %add3A_294, %mul3A_295 : vector<16xf32>
        %mul3A_297 = arith.constant 2.000000e-01 : f32
        %mul3A_298 = vector.broadcast %mul3A_297 : f32 to vector<16xf32>
        %mul3A_299 = arith.mulf %mul3A_298, %add3A_296 : vector<16xf32>
        %max3A_300 = arith.maximumf %add3A_296, %mul3A_299 : vector<16xf32>
        %mul3A_301 = arith.mulf %max3A_300, %get3A_55 : vector<16xf32>
        %add3A_302 = arith.addf %mul3A_291, %mul3A_301 : vector<16xf32>
        %add3A_303 = arith.addf %get3A_255, %get3A_273 : vector<16xf32>
        %mul3A_304 = arith.mulf %get3A_243, %get3A_15 : vector<16xf32>
        %add3A_305 = arith.addf %add3A_303, %mul3A_304 : vector<16xf32>
        %mul3A_306 = arith.mulf %get3A_246, %get3A_39 : vector<16xf32>
        %add3A_307 = arith.addf %add3A_305, %mul3A_306 : vector<16xf32>
        %mul3A_308 = arith.constant 2.000000e-01 : f32
        %mul3A_309 = vector.broadcast %mul3A_308 : f32 to vector<16xf32>
        %mul3A_310 = arith.mulf %mul3A_309, %add3A_307 : vector<16xf32>
        %max3A_311 = arith.maximumf %add3A_307, %mul3A_310 : vector<16xf32>
        %mul3A_312 = arith.mulf %max3A_311, %get3A_57 : vector<16xf32>
        %add3A_313 = arith.addf %add3A_302, %mul3A_312 : vector<16xf32>
        %reduce_sum3A = arith.constant true
        %reduce_sum3A_314 = vector.broadcast %reduce_sum3A : i1 to vector<16xi1>
        %reduce_sum3A_315 = tpu.scan <sum>, %add3A_313 masked %reduce_sum3A_314 : vector<16xf32>, vector<16xi1> -> vector<16xf32>
        %reduce_sum3A_316 = vector.extract %reduce_sum3A_315[15] : f32 from vector<16xf32>
        %broadcast_in_dim3A = vector.broadcast %reduce_sum3A_316 : f32 to vector<16xf32>
        %exp3A = math.exp %broadcast_in_dim3A : vector<16xf32>
        %mul3A_317 = arith.mulf %get3A_249, %exp3A : vector<16xf32>
        %swap3A_318 = arith.index_cast %scan3A_240 : i32 to index
        %swap3A_319 = arith.constant 0 : index
        %swap3A_320 = tpu.vector_load %arg27[%swap3A_318, %swap3A_319] {strides = array<i32>} : memref<64x112xf32, #tpu.memory_space<vmem>>, vector<16xf32>,
        tpu.vector_store %arg27[%swap3A_318, %swap3A_319], %mul3A_317 {strides = array<i32>} : memref<64x112xf32, #tpu.memory_space<vmem>>, vector<16xf32>,
        %mul3A_321 = arith.mulf %get3A_252, %exp3A : vector<16xf32>
        %swap3A_322 = arith.index_cast %scan3A_240 : i32 to index
        %swap3A_323 = arith.constant 16 : index
        %swap3A_324 = tpu.vector_load %arg27[%swap3A_322, %swap3A_323] {strides = array<i32>} : memref<64x112xf32, #tpu.memory_space<vmem>>, vector<16xf32>,
        tpu.vector_store %arg27[%swap3A_322, %swap3A_323], %mul3A_321 {strides = array<i32>} : memref<64x112xf32, #tpu.memory_space<vmem>>, vector<16xf32>,
        %mul3A_325 = arith.mulf %get3A_255, %exp3A : vector<16xf32>
        %swap3A_326 = arith.index_cast %scan3A_240 : i32 to index
        %swap3A_327 = arith.constant 32 : index
        %swap3A_328 = tpu.vector_load %arg27[%swap3A_326, %swap3A_327] {strides = array<i32>} : memref<64x112xf32, #tpu.memory_space<vmem>>, vector<16xf32>,
        tpu.vector_store %arg27[%swap3A_326, %swap3A_327], %mul3A_325 {strides = array<i32>} : memref<64x112xf32, #tpu.memory_space<vmem>>, vector<16xf32>,
        %add3A_329 = arith.addf %get3A_258, %get3A_276 : vector<16xf32>
        %mul3A_330 = arith.mulf %get3A_243, %get3A_19 : vector<16xf32>
        %add3A_331 = arith.addf %add3A_329, %mul3A_330 : vector<16xf32>
        %mul3A_332 = arith.mulf %get3A_246, %get3A_43 : vector<16xf32>
        %add3A_333 = arith.addf %add3A_331, %mul3A_332 : vector<16xf32>
        %mul3A_334 = arith.constant 2.000000e-01 : f32
        %mul3A_335 = vector.broadcast %mul3A_334 : f32 to vector<16xf32>
        %mul3A_336 = arith.mulf %mul3A_335, %add3A_333 : vector<16xf32>
        %max3A_337 = arith.maximumf %add3A_333, %mul3A_336 : vector<16xf32>
        %mul3A_338 = arith.mulf %max3A_337, %get3A_59 : vector<16xf32>
        %add3A_339 = arith.addf %get3A_261, %get3A_279 : vector<16xf32>
        %mul3A_340 = arith.mulf %get3A_243, %get3A_23 : vector<16xf32>
        %add3A_341 = arith.addf %add3A_339, %mul3A_340 : vector<16xf32>
        %mul3A_342 = arith.mulf %get3A_246, %get3A_47 : vector<16xf32>
        %add3A_343 = arith.addf %add3A_341, %mul3A_342 : vector<16xf32>
        %mul3A_344 = arith.constant 2.000000e-01 : f32
        %mul3A_345 = vector.broadcast %mul3A_344 : f32 to vector<16xf32>
        %mul3A_346 = arith.mulf %mul3A_345, %add3A_343 : vector<16xf32>
        %max3A_347 = arith.maximumf %add3A_343, %mul3A_346 : vector<16xf32>
        %mul3A_348 = arith.mulf %max3A_347, %get3A_61 : vector<16xf32>
        %add3A_349 = arith.addf %mul3A_338, %mul3A_348 : vector<16xf32>
        %add3A_350 = arith.addf %get3A_264, %get3A_282 : vector<16xf32>
        %mul3A_351 = arith.mulf %get3A_243, %get3A_27 : vector<16xf32>
        %add3A_352 = arith.addf %add3A_350, %mul3A_351 : vector<16xf32>
        %mul3A_353 = arith.mulf %get3A_246, %get3A_51 : vector<16xf32>
        %add3A_354 = arith.addf %add3A_352, %mul3A_353 : vector<16xf32>
        %mul3A_355 = arith.constant 2.000000e-01 : f32
        %mul3A_356 = vector.broadcast %mul3A_355 : f32 to vector<16xf32>
        %mul3A_357 = arith.mulf %mul3A_356, %add3A_354 : vector<16xf32>
        %max3A_358 = arith.maximumf %add3A_354, %mul3A_357 : vector<16xf32>
        %mul3A_359 = arith.mulf %max3A_358, %get3A_63 : vector<16xf32>
        %add3A_360 = arith.addf %add3A_349, %mul3A_359 : vector<16xf32>
        %reduce_sum3A_361 = arith.constant true
        %reduce_sum3A_362 = vector.broadcast %reduce_sum3A_361 : i1 to vector<16xi1>
        %reduce_sum3A_363 = tpu.scan <sum>, %add3A_360 masked %reduce_sum3A_362 : vector<16xf32>, vector<16xi1> -> vector<16xf32>
        %reduce_sum3A_364 = vector.extract %reduce_sum3A_363[15] : f32 from vector<16xf32>
        %broadcast_in_dim3A_365 = vector.broadcast %reduce_sum3A_364 : f32 to vector<16xf32>
        %exp3A_366 = math.exp %broadcast_in_dim3A_365 : vector<16xf32>
        %mul3A_367 = arith.mulf %get3A_258, %exp3A_366 : vector<16xf32>
        %swap3A_368 = arith.index_cast %scan3A_240 : i32 to index
        %swap3A_369 = arith.constant 48 : index
        %swap3A_370 = tpu.vector_load %arg27[%swap3A_368, %swap3A_369] {strides = array<i32>} : memref<64x112xf32, #tpu.memory_space<vmem>>, vector<16xf32>,
        tpu.vector_store %arg27[%swap3A_368, %swap3A_369], %mul3A_367 {strides = array<i32>} : memref<64x112xf32, #tpu.memory_space<vmem>>, vector<16xf32>,
        %mul3A_371 = arith.mulf %get3A_261, %exp3A_366 : vector<16xf32>
        %swap3A_372 = arith.index_cast %scan3A_240 : i32 to index
        %swap3A_373 = arith.constant 64 : index
        %swap3A_374 = tpu.vector_load %arg27[%swap3A_372, %swap3A_373] {strides = array<i32>} : memref<64x112xf32, #tpu.memory_space<vmem>>, vector<16xf32>,
        tpu.vector_store %arg27[%swap3A_372, %swap3A_373], %mul3A_371 {strides = array<i32>} : memref<64x112xf32, #tpu.memory_space<vmem>>, vector<16xf32>,
        %mul3A_375 = arith.mulf %get3A_264, %exp3A_366 : vector<16xf32>
        %swap3A_376 = arith.index_cast %scan3A_240 : i32 to index
        %swap3A_377 = arith.constant 80 : index
        %swap3A_378 = tpu.vector_load %arg27[%swap3A_376, %swap3A_377] {strides = array<i32>} : memref<64x112xf32, #tpu.memory_space<vmem>>, vector<16xf32>,
        tpu.vector_store %arg27[%swap3A_376, %swap3A_377], %mul3A_375 {strides = array<i32>} : memref<64x112xf32, #tpu.memory_space<vmem>>, vector<16xf32>,
        %eq3A = arith.constant 0 : i32
        %eq3A_379 = vector.broadcast %eq3A : i32 to vector<16xi32>
        %eq3A_380 = arith.cmpi eq, %iota3A, %eq3A_379 : vector<16xi32>
        %jit3A = arith.constant 0.000000e+00 : f32
        %broadcast_in_dim3A_381 = vector.broadcast %jit3A : f32 to vector<16xf32>
        %select_n3A = arith.select %eq3A_380, %exp3A, %broadcast_in_dim3A_381 : vector<16xi1>, vector<16xf32>
        %eq3A_382 = arith.constant 1 : i32
        %eq3A_383 = vector.broadcast %eq3A_382 : i32 to vector<16xi32>
        %eq3A_384 = arith.cmpi eq, %iota3A, %eq3A_383 : vector<16xi32>
        %select_n3A_385 = arith.select %eq3A_384, %exp3A_366, %select_n3A : vector<16xi1>, vector<16xf32>
        %swap3A_386 = arith.index_cast %scan3A_240 : i32 to index
        %swap3A_387 = arith.constant 96 : index
        %swap3A_388 = tpu.vector_load %arg27[%swap3A_386, %swap3A_387] {strides = array<i32>} : memref<64x112xf32, #tpu.memory_space<vmem>>, vector<16xf32>,
        tpu.vector_store %arg27[%swap3A_386, %swap3A_387], %select_n3A_385 {strides = array<i32>} : memref<64x112xf32, #tpu.memory_space<vmem>>, vector<16xf32>,
      }
      %scan3A_180 = arith.constant 64 : i32
      %dma_start3A_181 = arith.constant 0 : i32
      %dma_start3A_182 = arith.constant 0 : i32
      %dma_start3A_183 = tpu.memref_slice %arg12[%dma_start3A_181, %dma_start3A_182] : memref<10112x112xf32, #tpu.memory_space<vmem_shared>> -> memref<10112x112xf32, #tpu.memory_space<vmem_shared>>
      tpu.enqueue_indirect_dma source(%arg27 : memref<64x112xf32, #tpu.memory_space<vmem>>) target(%dma_start3A_183 : memref<10112x112xf32, #tpu.memory_space<vmem_shared>>) offsets(%arg17 : memref<64xi32, #tpu.memory_space<vmem>>) semaphore(%arg35 : memref<!tpu.dma_semaphore, #tpu.memory_space<semaphore_mem>>) {add = true}
      %add3A_184 = arith.constant 2 : i32
      %add3A_185 = arith.addi %mul3A_126, %add3A_184 : i32
      %lt3A = arith.constant 160 : i32
      %lt3A_186 = arith.cmpi slt, %add3A_185, %lt3A : i32
      %convert_element_type3A_187 = arith.extui %lt3A_186 : i1 to i32
      %cond3A_188 = arith.constant 0 : i32
      %cond3A_189 = arith.cmpi ne, %convert_element_type3A_187, %cond3A_188 : i32
      scf.if %cond3A_189 {
        %add3A_240 = arith.constant 128 : i32
        %add3A_241 = arith.addi %add3A_131, %add3A_240 : i32
        %dma_start3A_242 = tpu.memref_slice %arg4[%add3A_241] : memref<327680xi32, #tpu.memory_space<hbm>> -> memref<64xi32, #tpu.memory_space<hbm>>
        %dma_start3A_243 = tpu.memref_slice %arg4[%add3A_241] : memref<327680xi32, #tpu.memory_space<hbm>> -> memref<64xi32, #tpu.memory_space<hbm>>
        tpu.enqueue_dma source(%dma_start3A_243 : memref<64xi32, #tpu.memory_space<hbm>>) target(%arg13 : memref<64xi32, #tpu.memory_space<vmem>>) target_semaphore(%arg31 : memref<!tpu.dma_semaphore, #tpu.memory_space<semaphore_mem>>)
        %dma_start3A_244 = tpu.memref_slice %arg5[%add3A_241] : memref<327680xi32, #tpu.memory_space<hbm>> -> memref<64xi32, #tpu.memory_space<hbm>>
        %dma_start3A_245 = tpu.memref_slice %arg5[%add3A_241] : memref<327680xi32, #tpu.memory_space<hbm>> -> memref<64xi32, #tpu.memory_space<hbm>>
        tpu.enqueue_dma source(%dma_start3A_245 : memref<64xi32, #tpu.memory_space<hbm>>) target(%arg15 : memref<64xi32, #tpu.memory_space<vmem>>) target_semaphore(%arg31 : memref<!tpu.dma_semaphore, #tpu.memory_space<semaphore_mem>>)
        %dma_start3A_246 = arith.constant 0 : i32
        %dma_start3A_247 = tpu.memref_slice %arg6[%add3A_241, %dma_start3A_246] : memref<327680x16xf32, #tpu.memory_space<hbm>> -> memref<64x16xf32, #tpu.memory_space<hbm>>
        %dma_start3A_248 = arith.constant 0 : i32
        %dma_start3A_249 = tpu.memref_slice %arg6[%add3A_241, %dma_start3A_248] : memref<327680x16xf32, #tpu.memory_space<hbm>> -> memref<64x16xf32, #tpu.memory_space<hbm>>
        tpu.enqueue_dma source(%dma_start3A_249 : memref<64x16xf32, #tpu.memory_space<hbm>>) target(%arg19 : memref<64x16xf32, #tpu.memory_space<vmem>>) target_semaphore(%arg31 : memref<!tpu.dma_semaphore, #tpu.memory_space<semaphore_mem>>)
        %dma_start3A_250 = arith.constant 0 : i32
        %dma_start3A_251 = tpu.memref_slice %arg7[%add3A_241, %dma_start3A_250] : memref<327680x16xf32, #tpu.memory_space<hbm>> -> memref<64x16xf32, #tpu.memory_space<hbm>>
        %dma_start3A_252 = arith.constant 0 : i32
        %dma_start3A_253 = tpu.memref_slice %arg7[%add3A_241, %dma_start3A_252] : memref<327680x16xf32, #tpu.memory_space<hbm>> -> memref<64x16xf32, #tpu.memory_space<hbm>>
        tpu.enqueue_dma source(%dma_start3A_253 : memref<64x16xf32, #tpu.memory_space<hbm>>) target(%arg21 : memref<64x16xf32, #tpu.memory_space<vmem>>) target_semaphore(%arg31 : memref<!tpu.dma_semaphore, #tpu.memory_space<semaphore_mem>>)
      } else {
      }
      %ge3A_190 = arith.constant 1 : i32
      %ge3A_191 = arith.cmpi sge, %scan3A_124, %ge3A_190 : i32
      %convert_element_type3A_192 = arith.extui %ge3A_191 : i1 to i32
      %cond3A_193 = arith.constant 0 : i32
      %cond3A_194 = arith.cmpi ne, %convert_element_type3A_192, %cond3A_193 : i32
      scf.if %cond3A_194 {
        %dma_wait3A_240 = arith.constant 0 : i32
        %dma_wait3A_241 = arith.constant 0 : i32
        %dma_wait3A_242 = tpu.memref_slice %arg12[%dma_wait3A_240, %dma_wait3A_241] : memref<10112x112xf32, #tpu.memory_space<vmem_shared>> -> memref<10112x112xf32, #tpu.memory_space<vmem_shared>>
        tpu.wait_indirect_dma semaphore(%arg36 : memref<!tpu.dma_semaphore, #tpu.memory_space<semaphore_mem>>) src(%arg28 : memref<64x112xf32, #tpu.memory_space<vmem>>) dst(%dma_wait3A_242 : memref<10112x112xf32, #tpu.memory_space<vmem_shared>>)
      } else {
      }
      %dma_wait3A_195 = arith.constant 0 : i32
      %dma_wait3A_196 = arith.constant 0 : i32
      %dma_wait3A_197 = tpu.memref_slice %arg2[%dma_wait3A_195, %dma_wait3A_196] : memref<10112x96xf32, #tpu.memory_space<hbm>> -> memref<10112x96xf32, #tpu.memory_space<hbm>>
      tpu.wait_indirect_dma semaphore(%arg34 : memref<!tpu.dma_semaphore, #tpu.memory_space<semaphore_mem>>) src(%dma_wait3A_197 : memref<10112x96xf32, #tpu.memory_space<hbm>>) dst(%arg24 : memref<64x96xf32, #tpu.memory_space<vmem>>)
      %dma_wait3A_198 = arith.constant 0 : i32
      %dma_wait3A_199 = arith.constant 0 : i32
      %dma_wait3A_200 = tpu.memref_slice %arg3[%dma_wait3A_198, %dma_wait3A_199] : memref<10112x96xf32, #tpu.memory_space<hbm>> -> memref<10112x96xf32, #tpu.memory_space<hbm>>
      tpu.wait_indirect_dma semaphore(%arg34 : memref<!tpu.dma_semaphore, #tpu.memory_space<semaphore_mem>>) src(%dma_wait3A_200 : memref<10112x96xf32, #tpu.memory_space<hbm>>) dst(%arg26 : memref<64x96xf32, #tpu.memory_space<vmem>>)
      %add3A_201 = arith.constant 2 : i32
      %add3A_202 = arith.addi %mul3A_126, %add3A_201 : i32
      %lt3A_203 = arith.constant 160 : i32
      %lt3A_204 = arith.cmpi slt, %add3A_202, %lt3A_203 : i32
      %convert_element_type3A_205 = arith.extui %lt3A_204 : i1 to i32
      %cond3A_206 = arith.constant 0 : i32
      %cond3A_207 = arith.cmpi ne, %convert_element_type3A_205, %cond3A_206 : i32
      scf.if %cond3A_207 {
        %add3A_240 = arith.constant 128 : i32
        %add3A_241 = arith.addi %add3A_131, %add3A_240 : i32
        %dma_wait3A_242 = tpu.memref_slice %arg4[%add3A_241] : memref<327680xi32, #tpu.memory_space<hbm>> -> memref<64xi32, #tpu.memory_space<hbm>>
        %dma_wait3A_243 = tpu.memref_slice %arg4[%add3A_241] : memref<327680xi32, #tpu.memory_space<hbm>> -> memref<64xi32, #tpu.memory_space<hbm>>
        tpu.wait_dma2 semaphore(%arg31 : memref<!tpu.dma_semaphore, #tpu.memory_space<semaphore_mem>>) src(%dma_wait3A_243 : memref<64xi32, #tpu.memory_space<hbm>>) dst(%arg13 : memref<64xi32, #tpu.memory_space<vmem>>)
        %dma_wait3A_244 = tpu.memref_slice %arg5[%add3A_241] : memref<327680xi32, #tpu.memory_space<hbm>> -> memref<64xi32, #tpu.memory_space<hbm>>
        %dma_wait3A_245 = tpu.memref_slice %arg5[%add3A_241] : memref<327680xi32, #tpu.memory_space<hbm>> -> memref<64xi32, #tpu.memory_space<hbm>>
        tpu.wait_dma2 semaphore(%arg31 : memref<!tpu.dma_semaphore, #tpu.memory_space<semaphore_mem>>) src(%dma_wait3A_245 : memref<64xi32, #tpu.memory_space<hbm>>) dst(%arg15 : memref<64xi32, #tpu.memory_space<vmem>>)
        %dma_wait3A_246 = arith.constant 0 : i32
        %dma_wait3A_247 = tpu.memref_slice %arg6[%add3A_241, %dma_wait3A_246] : memref<327680x16xf32, #tpu.memory_space<hbm>> -> memref<64x16xf32, #tpu.memory_space<hbm>>
        %dma_wait3A_248 = arith.constant 0 : i32
        %dma_wait3A_249 = tpu.memref_slice %arg6[%add3A_241, %dma_wait3A_248] : memref<327680x16xf32, #tpu.memory_space<hbm>> -> memref<64x16xf32, #tpu.memory_space<hbm>>
        tpu.wait_dma2 semaphore(%arg31 : memref<!tpu.dma_semaphore, #tpu.memory_space<semaphore_mem>>) src(%dma_wait3A_249 : memref<64x16xf32, #tpu.memory_space<hbm>>) dst(%arg19 : memref<64x16xf32, #tpu.memory_space<vmem>>)
        %dma_wait3A_250 = arith.constant 0 : i32
        %dma_wait3A_251 = tpu.memref_slice %arg7[%add3A_241, %dma_wait3A_250] : memref<327680x16xf32, #tpu.memory_space<hbm>> -> memref<64x16xf32, #tpu.memory_space<hbm>>
        %dma_wait3A_252 = arith.constant 0 : i32
        %dma_wait3A_253 = tpu.memref_slice %arg7[%add3A_241, %dma_wait3A_252] : memref<327680x16xf32, #tpu.memory_space<hbm>> -> memref<64x16xf32, #tpu.memory_space<hbm>>
        tpu.wait_dma2 semaphore(%arg31 : memref<!tpu.dma_semaphore, #tpu.memory_space<semaphore_mem>>) src(%dma_wait3A_253 : memref<64x16xf32, #tpu.memory_space<hbm>>) dst(%arg21 : memref<64x16xf32, #tpu.memory_space<vmem>>)
        %dma_start3A_254 = arith.constant 0 : i32
        %dma_start3A_255 = arith.constant 0 : i32
        %dma_start3A_256 = tpu.memref_slice %arg2[%dma_start3A_254, %dma_start3A_255] : memref<10112x96xf32, #tpu.memory_space<hbm>> -> memref<10112x96xf32, #tpu.memory_space<hbm>>
        tpu.enqueue_indirect_dma source(%dma_start3A_256 : memref<10112x96xf32, #tpu.memory_space<hbm>>) target(%arg23 : memref<64x96xf32, #tpu.memory_space<vmem>>) offsets(%arg13 : memref<64xi32, #tpu.memory_space<vmem>>) semaphore(%arg33 : memref<!tpu.dma_semaphore, #tpu.memory_space<semaphore_mem>>)
        %dma_start3A_257 = arith.constant 0 : i32
        %dma_start3A_258 = arith.constant 0 : i32
        %dma_start3A_259 = tpu.memref_slice %arg3[%dma_start3A_257, %dma_start3A_258] : memref<10112x96xf32, #tpu.memory_space<hbm>> -> memref<10112x96xf32, #tpu.memory_space<hbm>>
        tpu.enqueue_indirect_dma source(%dma_start3A_259 : memref<10112x96xf32, #tpu.memory_space<hbm>>) target(%arg25 : memref<64x96xf32, #tpu.memory_space<vmem>>) offsets(%arg15 : memref<64xi32, #tpu.memory_space<vmem>>) semaphore(%arg33 : memref<!tpu.dma_semaphore, #tpu.memory_space<semaphore_mem>>)
      } else {
      }
      %get3A_208 = arith.constant 0 : index
      %get3A_209 = tpu.vector_load %arg16[%get3A_208] {strides = array<i32>} : memref<64xi32, #tpu.memory_space<vmem>>, vector<16xi32>,
      %swap3A_210 = arith.constant 0 : index
      %swap3A_211 = tpu.vector_load %arg18[%swap3A_210] {strides = array<i32>} : memref<64xi32, #tpu.memory_space<vmem>>, vector<16xi32>,
      tpu.vector_store %arg18[%swap3A_210], %get3A_209 {strides = array<i32>} : memref<64xi32, #tpu.memory_space<vmem>>, vector<16xi32>,
      %get3A_212 = arith.constant 16 : index
      %get3A_213 = tpu.vector_load %arg16[%get3A_212] {strides = array<i32>} : memref<64xi32, #tpu.memory_space<vmem>>, vector<16xi32>,
      %swap3A_214 = arith.constant 16 : index
      %swap3A_215 = tpu.vector_load %arg18[%swap3A_214] {strides = array<i32>} : memref<64xi32, #tpu.memory_space<vmem>>, vector<16xi32>,
      tpu.vector_store %arg18[%swap3A_214], %get3A_213 {strides = array<i32>} : memref<64xi32, #tpu.memory_space<vmem>>, vector<16xi32>,
      %get3A_216 = arith.constant 32 : index
      %get3A_217 = tpu.vector_load %arg16[%get3A_216] {strides = array<i32>} : memref<64xi32, #tpu.memory_space<vmem>>, vector<16xi32>,
      %swap3A_218 = arith.constant 32 : index
      %swap3A_219 = tpu.vector_load %arg18[%swap3A_218] {strides = array<i32>} : memref<64xi32, #tpu.memory_space<vmem>>, vector<16xi32>,
      tpu.vector_store %arg18[%swap3A_218], %get3A_217 {strides = array<i32>} : memref<64xi32, #tpu.memory_space<vmem>>, vector<16xi32>,
      %get3A_220 = arith.constant 48 : index
      %get3A_221 = tpu.vector_load %arg16[%get3A_220] {strides = array<i32>} : memref<64xi32, #tpu.memory_space<vmem>>, vector<16xi32>,
      %swap3A_222 = arith.constant 48 : index
      %swap3A_223 = tpu.vector_load %arg18[%swap3A_222] {strides = array<i32>} : memref<64xi32, #tpu.memory_space<vmem>>, vector<16xi32>,
      tpu.vector_store %arg18[%swap3A_222], %get3A_221 {strides = array<i32>} : memref<64xi32, #tpu.memory_space<vmem>>, vector<16xi32>,
      %scan3A_224 = arith.constant 0 : i32
      %scan3A_225 = arith.constant 0 : i32
      %scan3A_226 = arith.constant 64 : i32
      %scan3A_227 = arith.addi %scan3A_225, %scan3A_226 : i32
      %scan3A_228 = arith.constant 1 : i32
      scf.for %scan3A_240 = %scan3A_225 to %scan3A_227 step %scan3A_228  : i32 {
        %get3A_241 = arith.index_cast %scan3A_240 : i32 to index
        %get3A_242 = arith.constant 0 : index
        %get3A_243 = tpu.vector_load %arg20[%get3A_241, %get3A_242] {strides = array<i32>} : memref<64x16xf32, #tpu.memory_space<vmem>>, vector<16xf32>,
        %get3A_244 = arith.index_cast %scan3A_240 : i32 to index
        %get3A_245 = arith.constant 0 : index
        %get3A_246 = tpu.vector_load %arg22[%get3A_244, %get3A_245] {strides = array<i32>} : memref<64x16xf32, #tpu.memory_space<vmem>>, vector<16xf32>,
        %get3A_247 = arith.index_cast %scan3A_240 : i32 to index
        %get3A_248 = arith.constant 0 : index
        %get3A_249 = tpu.vector_load %arg24[%get3A_247, %get3A_248] {strides = array<i32>} : memref<64x96xf32, #tpu.memory_space<vmem>>, vector<16xf32>,
        %get3A_250 = arith.index_cast %scan3A_240 : i32 to index
        %get3A_251 = arith.constant 16 : index
        %get3A_252 = tpu.vector_load %arg24[%get3A_250, %get3A_251] {strides = array<i32>} : memref<64x96xf32, #tpu.memory_space<vmem>>, vector<16xf32>,
        %get3A_253 = arith.index_cast %scan3A_240 : i32 to index
        %get3A_254 = arith.constant 32 : index
        %get3A_255 = tpu.vector_load %arg24[%get3A_253, %get3A_254] {strides = array<i32>} : memref<64x96xf32, #tpu.memory_space<vmem>>, vector<16xf32>,
        %get3A_256 = arith.index_cast %scan3A_240 : i32 to index
        %get3A_257 = arith.constant 48 : index
        %get3A_258 = tpu.vector_load %arg24[%get3A_256, %get3A_257] {strides = array<i32>} : memref<64x96xf32, #tpu.memory_space<vmem>>, vector<16xf32>,
        %get3A_259 = arith.index_cast %scan3A_240 : i32 to index
        %get3A_260 = arith.constant 64 : index
        %get3A_261 = tpu.vector_load %arg24[%get3A_259, %get3A_260] {strides = array<i32>} : memref<64x96xf32, #tpu.memory_space<vmem>>, vector<16xf32>,
        %get3A_262 = arith.index_cast %scan3A_240 : i32 to index
        %get3A_263 = arith.constant 80 : index
        %get3A_264 = tpu.vector_load %arg24[%get3A_262, %get3A_263] {strides = array<i32>} : memref<64x96xf32, #tpu.memory_space<vmem>>, vector<16xf32>,
        %get3A_265 = arith.index_cast %scan3A_240 : i32 to index
        %get3A_266 = arith.constant 0 : index
        %get3A_267 = tpu.vector_load %arg26[%get3A_265, %get3A_266] {strides = array<i32>} : memref<64x96xf32, #tpu.memory_space<vmem>>, vector<16xf32>,
        %get3A_268 = arith.index_cast %scan3A_240 : i32 to index
        %get3A_269 = arith.constant 16 : index
        %get3A_270 = tpu.vector_load %arg26[%get3A_268, %get3A_269] {strides = array<i32>} : memref<64x96xf32, #tpu.memory_space<vmem>>, vector<16xf32>,
        %get3A_271 = arith.index_cast %scan3A_240 : i32 to index
        %get3A_272 = arith.constant 32 : index
        %get3A_273 = tpu.vector_load %arg26[%get3A_271, %get3A_272] {strides = array<i32>} : memref<64x96xf32, #tpu.memory_space<vmem>>, vector<16xf32>,
        %get3A_274 = arith.index_cast %scan3A_240 : i32 to index
        %get3A_275 = arith.constant 48 : index
        %get3A_276 = tpu.vector_load %arg26[%get3A_274, %get3A_275] {strides = array<i32>} : memref<64x96xf32, #tpu.memory_space<vmem>>, vector<16xf32>,
        %get3A_277 = arith.index_cast %scan3A_240 : i32 to index
        %get3A_278 = arith.constant 64 : index
        %get3A_279 = tpu.vector_load %arg26[%get3A_277, %get3A_278] {strides = array<i32>} : memref<64x96xf32, #tpu.memory_space<vmem>>, vector<16xf32>,
        %get3A_280 = arith.index_cast %scan3A_240 : i32 to index
        %get3A_281 = arith.constant 80 : index
        %get3A_282 = tpu.vector_load %arg26[%get3A_280, %get3A_281] {strides = array<i32>} : memref<64x96xf32, #tpu.memory_space<vmem>>, vector<16xf32>,
        %add3A_283 = arith.addf %get3A_249, %get3A_267 : vector<16xf32>
        %mul3A_284 = arith.mulf %get3A_243, %get3A_7 : vector<16xf32>
        %add3A_285 = arith.addf %add3A_283, %mul3A_284 : vector<16xf32>
        %mul3A_286 = arith.mulf %get3A_246, %get3A_31 : vector<16xf32>
        %add3A_287 = arith.addf %add3A_285, %mul3A_286 : vector<16xf32>
        %mul3A_288 = arith.constant 2.000000e-01 : f32
        %mul3A_289 = vector.broadcast %mul3A_288 : f32 to vector<16xf32>
        %mul3A_290 = arith.mulf %mul3A_289, %add3A_287 : vector<16xf32>
        %max3A = arith.maximumf %add3A_287, %mul3A_290 : vector<16xf32>
        %mul3A_291 = arith.mulf %max3A, %get3A_53 : vector<16xf32>
        %add3A_292 = arith.addf %get3A_252, %get3A_270 : vector<16xf32>
        %mul3A_293 = arith.mulf %get3A_243, %get3A_11 : vector<16xf32>
        %add3A_294 = arith.addf %add3A_292, %mul3A_293 : vector<16xf32>
        %mul3A_295 = arith.mulf %get3A_246, %get3A_35 : vector<16xf32>
        %add3A_296 = arith.addf %add3A_294, %mul3A_295 : vector<16xf32>
        %mul3A_297 = arith.constant 2.000000e-01 : f32
        %mul3A_298 = vector.broadcast %mul3A_297 : f32 to vector<16xf32>
        %mul3A_299 = arith.mulf %mul3A_298, %add3A_296 : vector<16xf32>
        %max3A_300 = arith.maximumf %add3A_296, %mul3A_299 : vector<16xf32>
        %mul3A_301 = arith.mulf %max3A_300, %get3A_55 : vector<16xf32>
        %add3A_302 = arith.addf %mul3A_291, %mul3A_301 : vector<16xf32>
        %add3A_303 = arith.addf %get3A_255, %get3A_273 : vector<16xf32>
        %mul3A_304 = arith.mulf %get3A_243, %get3A_15 : vector<16xf32>
        %add3A_305 = arith.addf %add3A_303, %mul3A_304 : vector<16xf32>
        %mul3A_306 = arith.mulf %get3A_246, %get3A_39 : vector<16xf32>
        %add3A_307 = arith.addf %add3A_305, %mul3A_306 : vector<16xf32>
        %mul3A_308 = arith.constant 2.000000e-01 : f32
        %mul3A_309 = vector.broadcast %mul3A_308 : f32 to vector<16xf32>
        %mul3A_310 = arith.mulf %mul3A_309, %add3A_307 : vector<16xf32>
        %max3A_311 = arith.maximumf %add3A_307, %mul3A_310 : vector<16xf32>
        %mul3A_312 = arith.mulf %max3A_311, %get3A_57 : vector<16xf32>
        %add3A_313 = arith.addf %add3A_302, %mul3A_312 : vector<16xf32>
        %reduce_sum3A = arith.constant true
        %reduce_sum3A_314 = vector.broadcast %reduce_sum3A : i1 to vector<16xi1>
        %reduce_sum3A_315 = tpu.scan <sum>, %add3A_313 masked %reduce_sum3A_314 : vector<16xf32>, vector<16xi1> -> vector<16xf32>
        %reduce_sum3A_316 = vector.extract %reduce_sum3A_315[15] : f32 from vector<16xf32>
        %broadcast_in_dim3A = vector.broadcast %reduce_sum3A_316 : f32 to vector<16xf32>
        %exp3A = math.exp %broadcast_in_dim3A : vector<16xf32>
        %mul3A_317 = arith.mulf %get3A_249, %exp3A : vector<16xf32>
        %swap3A_318 = arith.index_cast %scan3A_240 : i32 to index
        %swap3A_319 = arith.constant 0 : index
        %swap3A_320 = tpu.vector_load %arg28[%swap3A_318, %swap3A_319] {strides = array<i32>} : memref<64x112xf32, #tpu.memory_space<vmem>>, vector<16xf32>,
        tpu.vector_store %arg28[%swap3A_318, %swap3A_319], %mul3A_317 {strides = array<i32>} : memref<64x112xf32, #tpu.memory_space<vmem>>, vector<16xf32>,
        %mul3A_321 = arith.mulf %get3A_252, %exp3A : vector<16xf32>
        %swap3A_322 = arith.index_cast %scan3A_240 : i32 to index
        %swap3A_323 = arith.constant 16 : index
        %swap3A_324 = tpu.vector_load %arg28[%swap3A_322, %swap3A_323] {strides = array<i32>} : memref<64x112xf32, #tpu.memory_space<vmem>>, vector<16xf32>,
        tpu.vector_store %arg28[%swap3A_322, %swap3A_323], %mul3A_321 {strides = array<i32>} : memref<64x112xf32, #tpu.memory_space<vmem>>, vector<16xf32>,
        %mul3A_325 = arith.mulf %get3A_255, %exp3A : vector<16xf32>
        %swap3A_326 = arith.index_cast %scan3A_240 : i32 to index
        %swap3A_327 = arith.constant 32 : index
        %swap3A_328 = tpu.vector_load %arg28[%swap3A_326, %swap3A_327] {strides = array<i32>} : memref<64x112xf32, #tpu.memory_space<vmem>>, vector<16xf32>,
        tpu.vector_store %arg28[%swap3A_326, %swap3A_327], %mul3A_325 {strides = array<i32>} : memref<64x112xf32, #tpu.memory_space<vmem>>, vector<16xf32>,
        %add3A_329 = arith.addf %get3A_258, %get3A_276 : vector<16xf32>
        %mul3A_330 = arith.mulf %get3A_243, %get3A_19 : vector<16xf32>
        %add3A_331 = arith.addf %add3A_329, %mul3A_330 : vector<16xf32>
        %mul3A_332 = arith.mulf %get3A_246, %get3A_43 : vector<16xf32>
        %add3A_333 = arith.addf %add3A_331, %mul3A_332 : vector<16xf32>
        %mul3A_334 = arith.constant 2.000000e-01 : f32
        %mul3A_335 = vector.broadcast %mul3A_334 : f32 to vector<16xf32>
        %mul3A_336 = arith.mulf %mul3A_335, %add3A_333 : vector<16xf32>
        %max3A_337 = arith.maximumf %add3A_333, %mul3A_336 : vector<16xf32>
        %mul3A_338 = arith.mulf %max3A_337, %get3A_59 : vector<16xf32>
        %add3A_339 = arith.addf %get3A_261, %get3A_279 : vector<16xf32>
        %mul3A_340 = arith.mulf %get3A_243, %get3A_23 : vector<16xf32>
        %add3A_341 = arith.addf %add3A_339, %mul3A_340 : vector<16xf32>
        %mul3A_342 = arith.mulf %get3A_246, %get3A_47 : vector<16xf32>
        %add3A_343 = arith.addf %add3A_341, %mul3A_342 : vector<16xf32>
        %mul3A_344 = arith.constant 2.000000e-01 : f32
        %mul3A_345 = vector.broadcast %mul3A_344 : f32 to vector<16xf32>
        %mul3A_346 = arith.mulf %mul3A_345, %add3A_343 : vector<16xf32>
        %max3A_347 = arith.maximumf %add3A_343, %mul3A_346 : vector<16xf32>
        %mul3A_348 = arith.mulf %max3A_347, %get3A_61 : vector<16xf32>
        %add3A_349 = arith.addf %mul3A_338, %mul3A_348 : vector<16xf32>
        %add3A_350 = arith.addf %get3A_264, %get3A_282 : vector<16xf32>
        %mul3A_351 = arith.mulf %get3A_243, %get3A_27 : vector<16xf32>
        %add3A_352 = arith.addf %add3A_350, %mul3A_351 : vector<16xf32>
        %mul3A_353 = arith.mulf %get3A_246, %get3A_51 : vector<16xf32>
        %add3A_354 = arith.addf %add3A_352, %mul3A_353 : vector<16xf32>
        %mul3A_355 = arith.constant 2.000000e-01 : f32
        %mul3A_356 = vector.broadcast %mul3A_355 : f32 to vector<16xf32>
        %mul3A_357 = arith.mulf %mul3A_356, %add3A_354 : vector<16xf32>
        %max3A_358 = arith.maximumf %add3A_354, %mul3A_357 : vector<16xf32>
        %mul3A_359 = arith.mulf %max3A_358, %get3A_63 : vector<16xf32>
        %add3A_360 = arith.addf %add3A_349, %mul3A_359 : vector<16xf32>
        %reduce_sum3A_361 = arith.constant true
        %reduce_sum3A_362 = vector.broadcast %reduce_sum3A_361 : i1 to vector<16xi1>
        %reduce_sum3A_363 = tpu.scan <sum>, %add3A_360 masked %reduce_sum3A_362 : vector<16xf32>, vector<16xi1> -> vector<16xf32>
        %reduce_sum3A_364 = vector.extract %reduce_sum3A_363[15] : f32 from vector<16xf32>
        %broadcast_in_dim3A_365 = vector.broadcast %reduce_sum3A_364 : f32 to vector<16xf32>
        %exp3A_366 = math.exp %broadcast_in_dim3A_365 : vector<16xf32>
        %mul3A_367 = arith.mulf %get3A_258, %exp3A_366 : vector<16xf32>
        %swap3A_368 = arith.index_cast %scan3A_240 : i32 to index
        %swap3A_369 = arith.constant 48 : index
        %swap3A_370 = tpu.vector_load %arg28[%swap3A_368, %swap3A_369] {strides = array<i32>} : memref<64x112xf32, #tpu.memory_space<vmem>>, vector<16xf32>,
        tpu.vector_store %arg28[%swap3A_368, %swap3A_369], %mul3A_367 {strides = array<i32>} : memref<64x112xf32, #tpu.memory_space<vmem>>, vector<16xf32>,
        %mul3A_371 = arith.mulf %get3A_261, %exp3A_366 : vector<16xf32>
        %swap3A_372 = arith.index_cast %scan3A_240 : i32 to index
        %swap3A_373 = arith.constant 64 : index
        %swap3A_374 = tpu.vector_load %arg28[%swap3A_372, %swap3A_373] {strides = array<i32>} : memref<64x112xf32, #tpu.memory_space<vmem>>, vector<16xf32>,
        tpu.vector_store %arg28[%swap3A_372, %swap3A_373], %mul3A_371 {strides = array<i32>} : memref<64x112xf32, #tpu.memory_space<vmem>>, vector<16xf32>,
        %mul3A_375 = arith.mulf %get3A_264, %exp3A_366 : vector<16xf32>
        %swap3A_376 = arith.index_cast %scan3A_240 : i32 to index
        %swap3A_377 = arith.constant 80 : index
        %swap3A_378 = tpu.vector_load %arg28[%swap3A_376, %swap3A_377] {strides = array<i32>} : memref<64x112xf32, #tpu.memory_space<vmem>>, vector<16xf32>,
        tpu.vector_store %arg28[%swap3A_376, %swap3A_377], %mul3A_375 {strides = array<i32>} : memref<64x112xf32, #tpu.memory_space<vmem>>, vector<16xf32>,
        %eq3A = arith.constant 0 : i32
        %eq3A_379 = vector.broadcast %eq3A : i32 to vector<16xi32>
        %eq3A_380 = arith.cmpi eq, %iota3A, %eq3A_379 : vector<16xi32>
        %jit3A = arith.constant 0.000000e+00 : f32
        %broadcast_in_dim3A_381 = vector.broadcast %jit3A : f32 to vector<16xf32>
        %select_n3A = arith.select %eq3A_380, %exp3A, %broadcast_in_dim3A_381 : vector<16xi1>, vector<16xf32>
        %eq3A_382 = arith.constant 1 : i32
        %eq3A_383 = vector.broadcast %eq3A_382 : i32 to vector<16xi32>
        %eq3A_384 = arith.cmpi eq, %iota3A, %eq3A_383 : vector<16xi32>
        %select_n3A_385 = arith.select %eq3A_384, %exp3A_366, %select_n3A : vector<16xi1>, vector<16xf32>
        %swap3A_386 = arith.index_cast %scan3A_240 : i32 to index
        %swap3A_387 = arith.constant 96 : index
        %swap3A_388 = tpu.vector_load %arg28[%swap3A_386, %swap3A_387] {strides = array<i32>} : memref<64x112xf32, #tpu.memory_space<vmem>>, vector<16xf32>,
        tpu.vector_store %arg28[%swap3A_386, %swap3A_387], %select_n3A_385 {strides = array<i32>} : memref<64x112xf32, #tpu.memory_space<vmem>>, vector<16xf32>,
      }
      %scan3A_229 = arith.constant 64 : i32
      %dma_start3A_230 = arith.constant 0 : i32
      %dma_start3A_231 = arith.constant 0 : i32
      %dma_start3A_232 = tpu.memref_slice %arg12[%dma_start3A_230, %dma_start3A_231] : memref<10112x112xf32, #tpu.memory_space<vmem_shared>> -> memref<10112x112xf32, #tpu.memory_space<vmem_shared>>
      tpu.enqueue_indirect_dma source(%arg28 : memref<64x112xf32, #tpu.memory_space<vmem>>) target(%dma_start3A_232 : memref<10112x112xf32, #tpu.memory_space<vmem_shared>>) offsets(%arg18 : memref<64xi32, #tpu.memory_space<vmem>>) semaphore(%arg36 : memref<!tpu.dma_semaphore, #tpu.memory_space<semaphore_mem>>) {add = true}
      %add3A_233 = arith.constant 3 : i32
      %add3A_234 = arith.addi %mul3A_126, %add3A_233 : i32
      %lt3A_235 = arith.constant 160 : i32
      %lt3A_236 = arith.cmpi slt, %add3A_234, %lt3A_235 : i32
      %convert_element_type3A_237 = arith.extui %lt3A_236 : i1 to i32
      %cond3A_238 = arith.constant 0 : i32
      %cond3A_239 = arith.cmpi ne, %convert_element_type3A_237, %cond3A_238 : i32
      scf.if %cond3A_239 {
        %add3A_240 = arith.constant 128 : i32
        %add3A_241 = arith.addi %add3A_133, %add3A_240 : i32
        %dma_start3A_242 = tpu.memref_slice %arg4[%add3A_241] : memref<327680xi32, #tpu.memory_space<hbm>> -> memref<64xi32, #tpu.memory_space<hbm>>
        %dma_start3A_243 = tpu.memref_slice %arg4[%add3A_241] : memref<327680xi32, #tpu.memory_space<hbm>> -> memref<64xi32, #tpu.memory_space<hbm>>
        tpu.enqueue_dma source(%dma_start3A_243 : memref<64xi32, #tpu.memory_space<hbm>>) target(%arg14 : memref<64xi32, #tpu.memory_space<vmem>>) target_semaphore(%arg32 : memref<!tpu.dma_semaphore, #tpu.memory_space<semaphore_mem>>)
        %dma_start3A_244 = tpu.memref_slice %arg5[%add3A_241] : memref<327680xi32, #tpu.memory_space<hbm>> -> memref<64xi32, #tpu.memory_space<hbm>>
        %dma_start3A_245 = tpu.memref_slice %arg5[%add3A_241] : memref<327680xi32, #tpu.memory_space<hbm>> -> memref<64xi32, #tpu.memory_space<hbm>>
        tpu.enqueue_dma source(%dma_start3A_245 : memref<64xi32, #tpu.memory_space<hbm>>) target(%arg16 : memref<64xi32, #tpu.memory_space<vmem>>) target_semaphore(%arg32 : memref<!tpu.dma_semaphore, #tpu.memory_space<semaphore_mem>>)
        %dma_start3A_246 = arith.constant 0 : i32
        %dma_start3A_247 = tpu.memref_slice %arg6[%add3A_241, %dma_start3A_246] : memref<327680x16xf32, #tpu.memory_space<hbm>> -> memref<64x16xf32, #tpu.memory_space<hbm>>
        %dma_start3A_248 = arith.constant 0 : i32
        %dma_start3A_249 = tpu.memref_slice %arg6[%add3A_241, %dma_start3A_248] : memref<327680x16xf32, #tpu.memory_space<hbm>> -> memref<64x16xf32, #tpu.memory_space<hbm>>
        tpu.enqueue_dma source(%dma_start3A_249 : memref<64x16xf32, #tpu.memory_space<hbm>>) target(%arg20 : memref<64x16xf32, #tpu.memory_space<vmem>>) target_semaphore(%arg32 : memref<!tpu.dma_semaphore, #tpu.memory_space<semaphore_mem>>)
        %dma_start3A_250 = arith.constant 0 : i32
        %dma_start3A_251 = tpu.memref_slice %arg7[%add3A_241, %dma_start3A_250] : memref<327680x16xf32, #tpu.memory_space<hbm>> -> memref<64x16xf32, #tpu.memory_space<hbm>>
        %dma_start3A_252 = arith.constant 0 : i32
        %dma_start3A_253 = tpu.memref_slice %arg7[%add3A_241, %dma_start3A_252] : memref<327680x16xf32, #tpu.memory_space<hbm>> -> memref<64x16xf32, #tpu.memory_space<hbm>>
        tpu.enqueue_dma source(%dma_start3A_253 : memref<64x16xf32, #tpu.memory_space<hbm>>) target(%arg22 : memref<64x16xf32, #tpu.memory_space<vmem>>) target_semaphore(%arg32 : memref<!tpu.dma_semaphore, #tpu.memory_space<semaphore_mem>>)
      } else {
      }
    }
    %scan3A_112 = arith.constant 80 : i32
    %dma_wait3A_113 = arith.constant 0 : i32
    %dma_wait3A_114 = arith.constant 0 : i32
    %dma_wait3A_115 = tpu.memref_slice %arg12[%dma_wait3A_113, %dma_wait3A_114] : memref<10112x112xf32, #tpu.memory_space<vmem_shared>> -> memref<10112x112xf32, #tpu.memory_space<vmem_shared>>
    tpu.wait_indirect_dma semaphore(%arg35 : memref<!tpu.dma_semaphore, #tpu.memory_space<semaphore_mem>>) src(%arg27 : memref<64x112xf32, #tpu.memory_space<vmem>>) dst(%dma_wait3A_115 : memref<10112x112xf32, #tpu.memory_space<vmem_shared>>)
    %dma_wait3A_116 = arith.constant 0 : i32
    %dma_wait3A_117 = arith.constant 0 : i32
    %dma_wait3A_118 = tpu.memref_slice %arg12[%dma_wait3A_116, %dma_wait3A_117] : memref<10112x112xf32, #tpu.memory_space<vmem_shared>> -> memref<10112x112xf32, #tpu.memory_space<vmem_shared>>
    tpu.wait_indirect_dma semaphore(%arg36 : memref<!tpu.dma_semaphore, #tpu.memory_space<semaphore_mem>>) src(%arg28 : memref<64x112xf32, #tpu.memory_space<vmem>>) dst(%dma_wait3A_118 : memref<10112x112xf32, #tpu.memory_space<vmem_shared>>)
    %barrier3A_119 = arith.constant 0 : index
    tpu.barrier barrier_id(%barrier3A_119)
    %mul3A_120 = arith.constant 632 : i32
    %mul3A_121 = arith.muli %arg1, %mul3A_120 : i32
    %mul3A_122 = arith.constant 632 : i32
    %mul3A_123 = arith.muli %arg1, %mul3A_122 : i32
    "tpu.region"() ({
      %run_scoped3A = tpu.sem_alloc : memref<!tpu.dma_semaphore, #tpu.memory_space<semaphore_mem>>
      %dma_start3A_124 = arith.constant 0 : i32
      %dma_start3A_125 = tpu.memref_slice %arg11[%arg0, %mul3A_123, %dma_start3A_124] : memref<2x10112x112xf32, #tpu.memory_space<hbm>> -> memref<1x632x112xf32, #tpu.memory_space<hbm>>
      %dma_start3A_126 = tpu.memref_squeeze %dma_start3A_125 : memref<1x632x112xf32, #tpu.memory_space<hbm>> -> memref<632x112xf32, #tpu.memory_space<hbm>>
      %dma_start3A_127 = arith.constant 0 : i32
      %dma_start3A_128 = tpu.memref_slice %arg12[%mul3A_121, %dma_start3A_127] : memref<10112x112xf32, #tpu.memory_space<vmem_shared>> -> memref<632x112xf32, #tpu.memory_space<vmem_shared>>
      tpu.enqueue_dma source(%dma_start3A_128 : memref<632x112xf32, #tpu.memory_space<vmem_shared>>) target(%dma_start3A_126 : memref<632x112xf32, #tpu.memory_space<hbm>>) target_semaphore(%run_scoped3A : memref<!tpu.dma_semaphore, #tpu.memory_space<semaphore_mem>>)
      %dma_wait3A_129 = arith.constant 0 : i32
      %dma_wait3A_130 = tpu.memref_slice %arg11[%arg0, %mul3A_123, %dma_wait3A_129] : memref<2x10112x112xf32, #tpu.memory_space<hbm>> -> memref<1x632x112xf32, #tpu.memory_space<hbm>>
      %dma_wait3A_131 = tpu.memref_squeeze %dma_wait3A_130 : memref<1x632x112xf32, #tpu.memory_space<hbm>> -> memref<632x112xf32, #tpu.memory_space<hbm>>
      %dma_wait3A_132 = arith.constant 0 : i32
      %dma_wait3A_133 = tpu.memref_slice %arg12[%mul3A_121, %dma_wait3A_132] : memref<10112x112xf32, #tpu.memory_space<vmem_shared>> -> memref<632x112xf32, #tpu.memory_space<vmem_shared>>
      tpu.wait_dma2 semaphore(%run_scoped3A : memref<!tpu.dma_semaphore, #tpu.memory_space<semaphore_mem>>) src(%dma_wait3A_133 : memref<632x112xf32, #tpu.memory_space<vmem_shared>>) dst(%dma_wait3A_131 : memref<632x112xf32, #tpu.memory_space<hbm>>)
      tpu.yield
    }) : () -> ()
    return
  }
}

#map = affine_map<(d0, d1) -> (0, 0)>
#map1 = affine_map<(d0, d1) -> (0)>
#map2 = affine_map<(d0, d1) -> (0, 0, 0)>
module attributes {stable_mosaic.version = 14 : i64} {
  func.func @edge_pass(%arg0: i32, %arg1: i32, %arg2: memref<10112x48xf32, #tpu.memory_space<hbm>>, %arg3: memref<10112x48xf32, #tpu.memory_space<hbm>>, %arg4: memref<327680xi32, #tpu.memory_space<hbm>>, %arg5: memref<327680xi32, #tpu.memory_space<hbm>>, %arg6: memref<327680x16xf32, #tpu.memory_space<hbm>>, %arg7: memref<327680x16xf32, #tpu.memory_space<hbm>>, %arg8: memref<2x48xf32, #tpu.memory_space<hbm>>, %arg9: memref<48xf32, #tpu.memory_space<hbm>>, %arg10: memref<10112x64xf32, #tpu.memory_space<hbm>>, %arg11: memref<2x10112x64xf32, #tpu.memory_space<hbm>>, %arg12: memref<10112x64xf32, #tpu.memory_space<vmem_shared>>, %arg13: memref<128xi32, #tpu.memory_space<vmem>>, %arg14: memref<128xi32, #tpu.memory_space<vmem>>, %arg15: memref<128xi32, #tpu.memory_space<vmem>>, %arg16: memref<128xi32, #tpu.memory_space<vmem>>, %arg17: memref<128xi32, #tpu.memory_space<vmem>>, %arg18: memref<128xi32, #tpu.memory_space<vmem>>, %arg19: memref<128x16xf32, #tpu.memory_space<vmem>>, %arg20: memref<128x16xf32, #tpu.memory_space<vmem>>, %arg21: memref<128x16xf32, #tpu.memory_space<vmem>>, %arg22: memref<128x16xf32, #tpu.memory_space<vmem>>, %arg23: memref<128x48xf32, #tpu.memory_space<vmem>>, %arg24: memref<128x48xf32, #tpu.memory_space<vmem>>, %arg25: memref<128x48xf32, #tpu.memory_space<vmem>>, %arg26: memref<128x48xf32, #tpu.memory_space<vmem>>, %arg27: memref<128x64xf32, #tpu.memory_space<vmem>>, %arg28: memref<128x64xf32, #tpu.memory_space<vmem>>, %arg29: memref<2x48xf32, #tpu.memory_space<vmem>>, %arg30: memref<48xf32, #tpu.memory_space<vmem>>, %arg31: memref<!tpu.dma_semaphore, #tpu.memory_space<semaphore_mem>>, %arg32: memref<!tpu.dma_semaphore, #tpu.memory_space<semaphore_mem>>, %arg33: memref<!tpu.dma_semaphore, #tpu.memory_space<semaphore_mem>>, %arg34: memref<!tpu.dma_semaphore, #tpu.memory_space<semaphore_mem>>, %arg35: memref<!tpu.dma_semaphore, #tpu.memory_space<semaphore_mem>>, %arg36: memref<!tpu.dma_semaphore, #tpu.memory_space<semaphore_mem>>) attributes {dimension_semantics = [#tpu.dimension_semantics<core_parallel>, #tpu.dimension_semantics<subcore_parallel>], iteration_bounds = array<i64: 2, 16>, scalar_prefetch = 0 : i64, scratch_operands = 25 : i64, tpu.core_type = #tpu.core_type<sc_vector_subcore>, window_params = [{transform_indices = #map}, {transform_indices = #map}, {transform_indices = #map1}, {transform_indices = #map1}, {transform_indices = #map}, {transform_indices = #map}, {transform_indices = #map}, {transform_indices = #map1}, {transform_indices = #map}, {transform_indices = #map2}]} {
    %mul3A = arith.constant 2 : i32
    %mul3A_0 = arith.muli %arg1, %mul3A : i32
    %add3A = arith.addi %mul3A_0, %arg0 : i32
    "tpu.region"() ({
      %run_scoped3A = tpu.sem_alloc : memref<!tpu.dma_semaphore, #tpu.memory_space<semaphore_mem>>
      tpu.enqueue_dma source(%arg8 : memref<2x48xf32, #tpu.memory_space<hbm>>) target(%arg29 : memref<2x48xf32, #tpu.memory_space<vmem>>) target_semaphore(%run_scoped3A : memref<!tpu.dma_semaphore, #tpu.memory_space<semaphore_mem>>)
      tpu.wait_dma2 semaphore(%run_scoped3A : memref<!tpu.dma_semaphore, #tpu.memory_space<semaphore_mem>>) src(%arg8 : memref<2x48xf32, #tpu.memory_space<hbm>>) dst(%arg29 : memref<2x48xf32, #tpu.memory_space<vmem>>)
      tpu.yield
    }) : () -> ()
    "tpu.region"() ({
      %run_scoped3A = tpu.sem_alloc : memref<!tpu.dma_semaphore, #tpu.memory_space<semaphore_mem>>
      tpu.enqueue_dma source(%arg9 : memref<48xf32, #tpu.memory_space<hbm>>) target(%arg30 : memref<48xf32, #tpu.memory_space<vmem>>) target_semaphore(%run_scoped3A : memref<!tpu.dma_semaphore, #tpu.memory_space<semaphore_mem>>)
      tpu.wait_dma2 semaphore(%run_scoped3A : memref<!tpu.dma_semaphore, #tpu.memory_space<semaphore_mem>>) src(%arg9 : memref<48xf32, #tpu.memory_space<hbm>>) dst(%arg30 : memref<48xf32, #tpu.memory_space<vmem>>)
      tpu.yield
    }) : () -> ()
    %mul3A_1 = arith.constant 632 : i32
    %mul3A_2 = arith.muli %arg1, %mul3A_1 : i32
    %mul3A_3 = arith.constant 632 : i32
    %mul3A_4 = arith.muli %arg1, %mul3A_3 : i32
    "tpu.region"() ({
      %run_scoped3A = tpu.sem_alloc : memref<!tpu.dma_semaphore, #tpu.memory_space<semaphore_mem>>
      %dma_start3A_94 = arith.constant 0 : i32
      %dma_start3A_95 = tpu.memref_slice %arg12[%mul3A_4, %dma_start3A_94] : memref<10112x64xf32, #tpu.memory_space<vmem_shared>> -> memref<632x64xf32, #tpu.memory_space<vmem_shared>>
      %dma_start3A_96 = arith.constant 0 : i32
      %dma_start3A_97 = tpu.memref_slice %arg10[%mul3A_2, %dma_start3A_96] : memref<10112x64xf32, #tpu.memory_space<hbm>> -> memref<632x64xf32, #tpu.memory_space<hbm>>
      tpu.enqueue_dma source(%dma_start3A_97 : memref<632x64xf32, #tpu.memory_space<hbm>>) target(%dma_start3A_95 : memref<632x64xf32, #tpu.memory_space<vmem_shared>>) target_semaphore(%run_scoped3A : memref<!tpu.dma_semaphore, #tpu.memory_space<semaphore_mem>>)
      %dma_wait3A_98 = arith.constant 0 : i32
      %dma_wait3A_99 = tpu.memref_slice %arg12[%mul3A_4, %dma_wait3A_98] : memref<10112x64xf32, #tpu.memory_space<vmem_shared>> -> memref<632x64xf32, #tpu.memory_space<vmem_shared>>
      %dma_wait3A_100 = arith.constant 0 : i32
      %dma_wait3A_101 = tpu.memref_slice %arg10[%mul3A_2, %dma_wait3A_100] : memref<10112x64xf32, #tpu.memory_space<hbm>> -> memref<632x64xf32, #tpu.memory_space<hbm>>
      tpu.wait_dma2 semaphore(%run_scoped3A : memref<!tpu.dma_semaphore, #tpu.memory_space<semaphore_mem>>) src(%dma_wait3A_101 : memref<632x64xf32, #tpu.memory_space<hbm>>) dst(%dma_wait3A_99 : memref<632x64xf32, #tpu.memory_space<vmem_shared>>)
      tpu.yield
    }) : () -> ()
    %barrier3A = arith.constant 0 : index
    tpu.barrier barrier_id(%barrier3A)
    %get3A = arith.constant 0 : i32
    %get3A_5 = arith.index_cast %get3A : i32 to index
    %get3A_6 = arith.constant 0 : index
    %get3A_7 = tpu.vector_load %arg29[%get3A_5, %get3A_6] {strides = array<i32>} : memref<2x48xf32, #tpu.memory_space<vmem>>, vector<16xf32>,
    %get3A_8 = arith.constant 0 : i32
    %get3A_9 = arith.index_cast %get3A_8 : i32 to index
    %get3A_10 = arith.constant 16 : index
    %get3A_11 = tpu.vector_load %arg29[%get3A_9, %get3A_10] {strides = array<i32>} : memref<2x48xf32, #tpu.memory_space<vmem>>, vector<16xf32>,
    %get3A_12 = arith.constant 0 : i32
    %get3A_13 = arith.index_cast %get3A_12 : i32 to index
    %get3A_14 = arith.constant 32 : index
    %get3A_15 = tpu.vector_load %arg29[%get3A_13, %get3A_14] {strides = array<i32>} : memref<2x48xf32, #tpu.memory_space<vmem>>, vector<16xf32>,
    %get3A_16 = arith.constant 1 : i32
    %get3A_17 = arith.index_cast %get3A_16 : i32 to index
    %get3A_18 = arith.constant 0 : index
    %get3A_19 = tpu.vector_load %arg29[%get3A_17, %get3A_18] {strides = array<i32>} : memref<2x48xf32, #tpu.memory_space<vmem>>, vector<16xf32>,
    %get3A_20 = arith.constant 1 : i32
    %get3A_21 = arith.index_cast %get3A_20 : i32 to index
    %get3A_22 = arith.constant 16 : index
    %get3A_23 = tpu.vector_load %arg29[%get3A_21, %get3A_22] {strides = array<i32>} : memref<2x48xf32, #tpu.memory_space<vmem>>, vector<16xf32>,
    %get3A_24 = arith.constant 1 : i32
    %get3A_25 = arith.index_cast %get3A_24 : i32 to index
    %get3A_26 = arith.constant 32 : index
    %get3A_27 = tpu.vector_load %arg29[%get3A_25, %get3A_26] {strides = array<i32>} : memref<2x48xf32, #tpu.memory_space<vmem>>, vector<16xf32>,
    %get3A_28 = arith.constant 0 : index
    %get3A_29 = tpu.vector_load %arg30[%get3A_28] {strides = array<i32>} : memref<48xf32, #tpu.memory_space<vmem>>, vector<16xf32>,
    %get3A_30 = arith.constant 16 : index
    %get3A_31 = tpu.vector_load %arg30[%get3A_30] {strides = array<i32>} : memref<48xf32, #tpu.memory_space<vmem>>, vector<16xf32>,
    %get3A_32 = arith.constant 32 : index
    %get3A_33 = tpu.vector_load %arg30[%get3A_32] {strides = array<i32>} : memref<48xf32, #tpu.memory_space<vmem>>, vector<16xf32>,
    %iota3A = tpu.iota {dimensions = array<i32: 0>} : vector<16xi32>
    %mul3A_34 = arith.constant 10240 : i32
    %mul3A_35 = arith.muli %add3A, %mul3A_34 : i32
    %dma_start3A = tpu.memref_slice %arg4[%mul3A_35] : memref<327680xi32, #tpu.memory_space<hbm>> -> memref<128xi32, #tpu.memory_space<hbm>>
    %dma_start3A_36 = tpu.memref_slice %arg4[%mul3A_35] : memref<327680xi32, #tpu.memory_space<hbm>> -> memref<128xi32, #tpu.memory_space<hbm>>
    tpu.enqueue_dma source(%dma_start3A_36 : memref<128xi32, #tpu.memory_space<hbm>>) target(%arg13 : memref<128xi32, #tpu.memory_space<vmem>>) target_semaphore(%arg31 : memref<!tpu.dma_semaphore, #tpu.memory_space<semaphore_mem>>)
    %dma_start3A_37 = tpu.memref_slice %arg5[%mul3A_35] : memref<327680xi32, #tpu.memory_space<hbm>> -> memref<128xi32, #tpu.memory_space<hbm>>
    %dma_start3A_38 = tpu.memref_slice %arg5[%mul3A_35] : memref<327680xi32, #tpu.memory_space<hbm>> -> memref<128xi32, #tpu.memory_space<hbm>>
    tpu.enqueue_dma source(%dma_start3A_38 : memref<128xi32, #tpu.memory_space<hbm>>) target(%arg15 : memref<128xi32, #tpu.memory_space<vmem>>) target_semaphore(%arg31 : memref<!tpu.dma_semaphore, #tpu.memory_space<semaphore_mem>>)
    %dma_start3A_39 = arith.constant 0 : i32
    %dma_start3A_40 = tpu.memref_slice %arg6[%mul3A_35, %dma_start3A_39] : memref<327680x16xf32, #tpu.memory_space<hbm>> -> memref<128x16xf32, #tpu.memory_space<hbm>>
    %dma_start3A_41 = arith.constant 0 : i32
    %dma_start3A_42 = tpu.memref_slice %arg6[%mul3A_35, %dma_start3A_41] : memref<327680x16xf32, #tpu.memory_space<hbm>> -> memref<128x16xf32, #tpu.memory_space<hbm>>
    tpu.enqueue_dma source(%dma_start3A_42 : memref<128x16xf32, #tpu.memory_space<hbm>>) target(%arg19 : memref<128x16xf32, #tpu.memory_space<vmem>>) target_semaphore(%arg31 : memref<!tpu.dma_semaphore, #tpu.memory_space<semaphore_mem>>)
    %dma_start3A_43 = arith.constant 0 : i32
    %dma_start3A_44 = tpu.memref_slice %arg7[%mul3A_35, %dma_start3A_43] : memref<327680x16xf32, #tpu.memory_space<hbm>> -> memref<128x16xf32, #tpu.memory_space<hbm>>
    %dma_start3A_45 = arith.constant 0 : i32
    %dma_start3A_46 = tpu.memref_slice %arg7[%mul3A_35, %dma_start3A_45] : memref<327680x16xf32, #tpu.memory_space<hbm>> -> memref<128x16xf32, #tpu.memory_space<hbm>>
    tpu.enqueue_dma source(%dma_start3A_46 : memref<128x16xf32, #tpu.memory_space<hbm>>) target(%arg21 : memref<128x16xf32, #tpu.memory_space<vmem>>) target_semaphore(%arg31 : memref<!tpu.dma_semaphore, #tpu.memory_space<semaphore_mem>>)
    %add3A_47 = arith.constant 128 : i32
    %add3A_48 = arith.addi %mul3A_35, %add3A_47 : i32
    %dma_start3A_49 = tpu.memref_slice %arg4[%add3A_48] : memref<327680xi32, #tpu.memory_space<hbm>> -> memref<128xi32, #tpu.memory_space<hbm>>
    %dma_start3A_50 = tpu.memref_slice %arg4[%add3A_48] : memref<327680xi32, #tpu.memory_space<hbm>> -> memref<128xi32, #tpu.memory_space<hbm>>
    tpu.enqueue_dma source(%dma_start3A_50 : memref<128xi32, #tpu.memory_space<hbm>>) target(%arg14 : memref<128xi32, #tpu.memory_space<vmem>>) target_semaphore(%arg32 : memref<!tpu.dma_semaphore, #tpu.memory_space<semaphore_mem>>)
    %dma_start3A_51 = tpu.memref_slice %arg5[%add3A_48] : memref<327680xi32, #tpu.memory_space<hbm>> -> memref<128xi32, #tpu.memory_space<hbm>>
    %dma_start3A_52 = tpu.memref_slice %arg5[%add3A_48] : memref<327680xi32, #tpu.memory_space<hbm>> -> memref<128xi32, #tpu.memory_space<hbm>>
    tpu.enqueue_dma source(%dma_start3A_52 : memref<128xi32, #tpu.memory_space<hbm>>) target(%arg16 : memref<128xi32, #tpu.memory_space<vmem>>) target_semaphore(%arg32 : memref<!tpu.dma_semaphore, #tpu.memory_space<semaphore_mem>>)
    %dma_start3A_53 = arith.constant 0 : i32
    %dma_start3A_54 = tpu.memref_slice %arg6[%add3A_48, %dma_start3A_53] : memref<327680x16xf32, #tpu.memory_space<hbm>> -> memref<128x16xf32, #tpu.memory_space<hbm>>
    %dma_start3A_55 = arith.constant 0 : i32
    %dma_start3A_56 = tpu.memref_slice %arg6[%add3A_48, %dma_start3A_55] : memref<327680x16xf32, #tpu.memory_space<hbm>> -> memref<128x16xf32, #tpu.memory_space<hbm>>
    tpu.enqueue_dma source(%dma_start3A_56 : memref<128x16xf32, #tpu.memory_space<hbm>>) target(%arg20 : memref<128x16xf32, #tpu.memory_space<vmem>>) target_semaphore(%arg32 : memref<!tpu.dma_semaphore, #tpu.memory_space<semaphore_mem>>)
    %dma_start3A_57 = arith.constant 0 : i32
    %dma_start3A_58 = tpu.memref_slice %arg7[%add3A_48, %dma_start3A_57] : memref<327680x16xf32, #tpu.memory_space<hbm>> -> memref<128x16xf32, #tpu.memory_space<hbm>>
    %dma_start3A_59 = arith.constant 0 : i32
    %dma_start3A_60 = tpu.memref_slice %arg7[%add3A_48, %dma_start3A_59] : memref<327680x16xf32, #tpu.memory_space<hbm>> -> memref<128x16xf32, #tpu.memory_space<hbm>>
    tpu.enqueue_dma source(%dma_start3A_60 : memref<128x16xf32, #tpu.memory_space<hbm>>) target(%arg22 : memref<128x16xf32, #tpu.memory_space<vmem>>) target_semaphore(%arg32 : memref<!tpu.dma_semaphore, #tpu.memory_space<semaphore_mem>>)
    %dma_wait3A = tpu.memref_slice %arg4[%mul3A_35] : memref<327680xi32, #tpu.memory_space<hbm>> -> memref<128xi32, #tpu.memory_space<hbm>>
    %dma_wait3A_61 = tpu.memref_slice %arg4[%mul3A_35] : memref<327680xi32, #tpu.memory_space<hbm>> -> memref<128xi32, #tpu.memory_space<hbm>>
    tpu.wait_dma2 semaphore(%arg31 : memref<!tpu.dma_semaphore, #tpu.memory_space<semaphore_mem>>) src(%dma_wait3A_61 : memref<128xi32, #tpu.memory_space<hbm>>) dst(%arg13 : memref<128xi32, #tpu.memory_space<vmem>>)
    %dma_wait3A_62 = tpu.memref_slice %arg5[%mul3A_35] : memref<327680xi32, #tpu.memory_space<hbm>> -> memref<128xi32, #tpu.memory_space<hbm>>
    %dma_wait3A_63 = tpu.memref_slice %arg5[%mul3A_35] : memref<327680xi32, #tpu.memory_space<hbm>> -> memref<128xi32, #tpu.memory_space<hbm>>
    tpu.wait_dma2 semaphore(%arg31 : memref<!tpu.dma_semaphore, #tpu.memory_space<semaphore_mem>>) src(%dma_wait3A_63 : memref<128xi32, #tpu.memory_space<hbm>>) dst(%arg15 : memref<128xi32, #tpu.memory_space<vmem>>)
    %dma_wait3A_64 = arith.constant 0 : i32
    %dma_wait3A_65 = tpu.memref_slice %arg6[%mul3A_35, %dma_wait3A_64] : memref<327680x16xf32, #tpu.memory_space<hbm>> -> memref<128x16xf32, #tpu.memory_space<hbm>>
    %dma_wait3A_66 = arith.constant 0 : i32
    %dma_wait3A_67 = tpu.memref_slice %arg6[%mul3A_35, %dma_wait3A_66] : memref<327680x16xf32, #tpu.memory_space<hbm>> -> memref<128x16xf32, #tpu.memory_space<hbm>>
    tpu.wait_dma2 semaphore(%arg31 : memref<!tpu.dma_semaphore, #tpu.memory_space<semaphore_mem>>) src(%dma_wait3A_67 : memref<128x16xf32, #tpu.memory_space<hbm>>) dst(%arg19 : memref<128x16xf32, #tpu.memory_space<vmem>>)
    %dma_wait3A_68 = arith.constant 0 : i32
    %dma_wait3A_69 = tpu.memref_slice %arg7[%mul3A_35, %dma_wait3A_68] : memref<327680x16xf32, #tpu.memory_space<hbm>> -> memref<128x16xf32, #tpu.memory_space<hbm>>
    %dma_wait3A_70 = arith.constant 0 : i32
    %dma_wait3A_71 = tpu.memref_slice %arg7[%mul3A_35, %dma_wait3A_70] : memref<327680x16xf32, #tpu.memory_space<hbm>> -> memref<128x16xf32, #tpu.memory_space<hbm>>
    tpu.wait_dma2 semaphore(%arg31 : memref<!tpu.dma_semaphore, #tpu.memory_space<semaphore_mem>>) src(%dma_wait3A_71 : memref<128x16xf32, #tpu.memory_space<hbm>>) dst(%arg21 : memref<128x16xf32, #tpu.memory_space<vmem>>)
    %dma_start3A_72 = arith.constant 0 : i32
    %dma_start3A_73 = arith.constant 0 : i32
    %dma_start3A_74 = tpu.memref_slice %arg2[%dma_start3A_72, %dma_start3A_73] : memref<10112x48xf32, #tpu.memory_space<hbm>> -> memref<10112x48xf32, #tpu.memory_space<hbm>>
    tpu.enqueue_indirect_dma source(%dma_start3A_74 : memref<10112x48xf32, #tpu.memory_space<hbm>>) target(%arg23 : memref<128x48xf32, #tpu.memory_space<vmem>>) offsets(%arg13 : memref<128xi32, #tpu.memory_space<vmem>>) semaphore(%arg33 : memref<!tpu.dma_semaphore, #tpu.memory_space<semaphore_mem>>)
    %dma_start3A_75 = arith.constant 0 : i32
    %dma_start3A_76 = arith.constant 0 : i32
    %dma_start3A_77 = tpu.memref_slice %arg3[%dma_start3A_75, %dma_start3A_76] : memref<10112x48xf32, #tpu.memory_space<hbm>> -> memref<10112x48xf32, #tpu.memory_space<hbm>>
    tpu.enqueue_indirect_dma source(%dma_start3A_77 : memref<10112x48xf32, #tpu.memory_space<hbm>>) target(%arg25 : memref<128x48xf32, #tpu.memory_space<vmem>>) offsets(%arg15 : memref<128xi32, #tpu.memory_space<vmem>>) semaphore(%arg33 : memref<!tpu.dma_semaphore, #tpu.memory_space<semaphore_mem>>)
    %scan3A = arith.constant 0 : i32
    %scan3A_78 = arith.constant 0 : i32
    %scan3A_79 = arith.constant 40 : i32
    %scan3A_80 = arith.addi %scan3A_78, %scan3A_79 : i32
    %scan3A_81 = arith.constant 1 : i32
    scf.for %scan3A_94 = %scan3A_78 to %scan3A_80 step %scan3A_81  : i32 {
      %mul3A_95 = arith.constant 2 : i32
      %mul3A_96 = arith.muli %mul3A_95, %scan3A_94 : i32
      %mul3A_97 = arith.constant 10240 : i32
      %mul3A_98 = arith.muli %add3A, %mul3A_97 : i32
      %mul3A_99 = arith.constant 128 : i32
      %mul3A_100 = arith.muli %mul3A_96, %mul3A_99 : i32
      %add3A_101 = arith.addi %mul3A_98, %mul3A_100 : i32
      %add3A_102 = arith.constant 128 : i32
      %add3A_103 = arith.addi %add3A_101, %add3A_102 : i32
      %ge3A = arith.constant 1 : i32
      %ge3A_104 = arith.cmpi sge, %scan3A_94, %ge3A : i32
      %convert_element_type3A = arith.extui %ge3A_104 : i1 to i32
      %cond3A = arith.constant 0 : i32
      %cond3A_105 = arith.cmpi ne, %convert_element_type3A, %cond3A : i32
      scf.if %cond3A_105 {
        %dma_wait3A_242 = arith.constant 0 : i32
        %dma_wait3A_243 = arith.constant 0 : i32
        %dma_wait3A_244 = tpu.memref_slice %arg12[%dma_wait3A_242, %dma_wait3A_243] : memref<10112x64xf32, #tpu.memory_space<vmem_shared>> -> memref<10112x64xf32, #tpu.memory_space<vmem_shared>>
        tpu.wait_indirect_dma semaphore(%arg35 : memref<!tpu.dma_semaphore, #tpu.memory_space<semaphore_mem>>) src(%arg27 : memref<128x64xf32, #tpu.memory_space<vmem>>) dst(%dma_wait3A_244 : memref<10112x64xf32, #tpu.memory_space<vmem_shared>>)
      } else {
      }
      %dma_wait3A_106 = arith.constant 0 : i32
      %dma_wait3A_107 = arith.constant 0 : i32
      %dma_wait3A_108 = tpu.memref_slice %arg2[%dma_wait3A_106, %dma_wait3A_107] : memref<10112x48xf32, #tpu.memory_space<hbm>> -> memref<10112x48xf32, #tpu.memory_space<hbm>>
      tpu.wait_indirect_dma semaphore(%arg33 : memref<!tpu.dma_semaphore, #tpu.memory_space<semaphore_mem>>) src(%dma_wait3A_108 : memref<10112x48xf32, #tpu.memory_space<hbm>>) dst(%arg23 : memref<128x48xf32, #tpu.memory_space<vmem>>)
      %dma_wait3A_109 = arith.constant 0 : i32
      %dma_wait3A_110 = arith.constant 0 : i32
      %dma_wait3A_111 = tpu.memref_slice %arg3[%dma_wait3A_109, %dma_wait3A_110] : memref<10112x48xf32, #tpu.memory_space<hbm>> -> memref<10112x48xf32, #tpu.memory_space<hbm>>
      tpu.wait_indirect_dma semaphore(%arg33 : memref<!tpu.dma_semaphore, #tpu.memory_space<semaphore_mem>>) src(%dma_wait3A_111 : memref<10112x48xf32, #tpu.memory_space<hbm>>) dst(%arg25 : memref<128x48xf32, #tpu.memory_space<vmem>>)
      %dma_wait3A_112 = tpu.memref_slice %arg4[%add3A_103] : memref<327680xi32, #tpu.memory_space<hbm>> -> memref<128xi32, #tpu.memory_space<hbm>>
      %dma_wait3A_113 = tpu.memref_slice %arg4[%add3A_103] : memref<327680xi32, #tpu.memory_space<hbm>> -> memref<128xi32, #tpu.memory_space<hbm>>
      tpu.wait_dma2 semaphore(%arg32 : memref<!tpu.dma_semaphore, #tpu.memory_space<semaphore_mem>>) src(%dma_wait3A_113 : memref<128xi32, #tpu.memory_space<hbm>>) dst(%arg14 : memref<128xi32, #tpu.memory_space<vmem>>)
      %dma_wait3A_114 = tpu.memref_slice %arg5[%add3A_103] : memref<327680xi32, #tpu.memory_space<hbm>> -> memref<128xi32, #tpu.memory_space<hbm>>
      %dma_wait3A_115 = tpu.memref_slice %arg5[%add3A_103] : memref<327680xi32, #tpu.memory_space<hbm>> -> memref<128xi32, #tpu.memory_space<hbm>>
      tpu.wait_dma2 semaphore(%arg32 : memref<!tpu.dma_semaphore, #tpu.memory_space<semaphore_mem>>) src(%dma_wait3A_115 : memref<128xi32, #tpu.memory_space<hbm>>) dst(%arg16 : memref<128xi32, #tpu.memory_space<vmem>>)
      %dma_wait3A_116 = arith.constant 0 : i32
      %dma_wait3A_117 = tpu.memref_slice %arg6[%add3A_103, %dma_wait3A_116] : memref<327680x16xf32, #tpu.memory_space<hbm>> -> memref<128x16xf32, #tpu.memory_space<hbm>>
      %dma_wait3A_118 = arith.constant 0 : i32
      %dma_wait3A_119 = tpu.memref_slice %arg6[%add3A_103, %dma_wait3A_118] : memref<327680x16xf32, #tpu.memory_space<hbm>> -> memref<128x16xf32, #tpu.memory_space<hbm>>
      tpu.wait_dma2 semaphore(%arg32 : memref<!tpu.dma_semaphore, #tpu.memory_space<semaphore_mem>>) src(%dma_wait3A_119 : memref<128x16xf32, #tpu.memory_space<hbm>>) dst(%arg20 : memref<128x16xf32, #tpu.memory_space<vmem>>)
      %dma_wait3A_120 = arith.constant 0 : i32
      %dma_wait3A_121 = tpu.memref_slice %arg7[%add3A_103, %dma_wait3A_120] : memref<327680x16xf32, #tpu.memory_space<hbm>> -> memref<128x16xf32, #tpu.memory_space<hbm>>
      %dma_wait3A_122 = arith.constant 0 : i32
      %dma_wait3A_123 = tpu.memref_slice %arg7[%add3A_103, %dma_wait3A_122] : memref<327680x16xf32, #tpu.memory_space<hbm>> -> memref<128x16xf32, #tpu.memory_space<hbm>>
      tpu.wait_dma2 semaphore(%arg32 : memref<!tpu.dma_semaphore, #tpu.memory_space<semaphore_mem>>) src(%dma_wait3A_123 : memref<128x16xf32, #tpu.memory_space<hbm>>) dst(%arg22 : memref<128x16xf32, #tpu.memory_space<vmem>>)
      %dma_start3A_124 = arith.constant 0 : i32
      %dma_start3A_125 = arith.constant 0 : i32
      %dma_start3A_126 = tpu.memref_slice %arg2[%dma_start3A_124, %dma_start3A_125] : memref<10112x48xf32, #tpu.memory_space<hbm>> -> memref<10112x48xf32, #tpu.memory_space<hbm>>
      tpu.enqueue_indirect_dma source(%dma_start3A_126 : memref<10112x48xf32, #tpu.memory_space<hbm>>) target(%arg24 : memref<128x48xf32, #tpu.memory_space<vmem>>) offsets(%arg14 : memref<128xi32, #tpu.memory_space<vmem>>) semaphore(%arg34 : memref<!tpu.dma_semaphore, #tpu.memory_space<semaphore_mem>>)
      %dma_start3A_127 = arith.constant 0 : i32
      %dma_start3A_128 = arith.constant 0 : i32
      %dma_start3A_129 = tpu.memref_slice %arg3[%dma_start3A_127, %dma_start3A_128] : memref<10112x48xf32, #tpu.memory_space<hbm>> -> memref<10112x48xf32, #tpu.memory_space<hbm>>
      tpu.enqueue_indirect_dma source(%dma_start3A_129 : memref<10112x48xf32, #tpu.memory_space<hbm>>) target(%arg26 : memref<128x48xf32, #tpu.memory_space<vmem>>) offsets(%arg16 : memref<128xi32, #tpu.memory_space<vmem>>) semaphore(%arg34 : memref<!tpu.dma_semaphore, #tpu.memory_space<semaphore_mem>>)
      %get3A_130 = arith.constant 0 : index
      %get3A_131 = tpu.vector_load %arg15[%get3A_130] {strides = array<i32>} : memref<128xi32, #tpu.memory_space<vmem>>, vector<16xi32>,
      %swap3A = arith.constant 0 : index
      %swap3A_132 = tpu.vector_load %arg17[%swap3A] {strides = array<i32>} : memref<128xi32, #tpu.memory_space<vmem>>, vector<16xi32>,
      tpu.vector_store %arg17[%swap3A], %get3A_131 {strides = array<i32>} : memref<128xi32, #tpu.memory_space<vmem>>, vector<16xi32>,
      %get3A_133 = arith.constant 16 : index
      %get3A_134 = tpu.vector_load %arg15[%get3A_133] {strides = array<i32>} : memref<128xi32, #tpu.memory_space<vmem>>, vector<16xi32>,
      %swap3A_135 = arith.constant 16 : index
      %swap3A_136 = tpu.vector_load %arg17[%swap3A_135] {strides = array<i32>} : memref<128xi32, #tpu.memory_space<vmem>>, vector<16xi32>,
      tpu.vector_store %arg17[%swap3A_135], %get3A_134 {strides = array<i32>} : memref<128xi32, #tpu.memory_space<vmem>>, vector<16xi32>,
      %get3A_137 = arith.constant 32 : index
      %get3A_138 = tpu.vector_load %arg15[%get3A_137] {strides = array<i32>} : memref<128xi32, #tpu.memory_space<vmem>>, vector<16xi32>,
      %swap3A_139 = arith.constant 32 : index
      %swap3A_140 = tpu.vector_load %arg17[%swap3A_139] {strides = array<i32>} : memref<128xi32, #tpu.memory_space<vmem>>, vector<16xi32>,
      tpu.vector_store %arg17[%swap3A_139], %get3A_138 {strides = array<i32>} : memref<128xi32, #tpu.memory_space<vmem>>, vector<16xi32>,
      %get3A_141 = arith.constant 48 : index
      %get3A_142 = tpu.vector_load %arg15[%get3A_141] {strides = array<i32>} : memref<128xi32, #tpu.memory_space<vmem>>, vector<16xi32>,
      %swap3A_143 = arith.constant 48 : index
      %swap3A_144 = tpu.vector_load %arg17[%swap3A_143] {strides = array<i32>} : memref<128xi32, #tpu.memory_space<vmem>>, vector<16xi32>,
      tpu.vector_store %arg17[%swap3A_143], %get3A_142 {strides = array<i32>} : memref<128xi32, #tpu.memory_space<vmem>>, vector<16xi32>,
      %get3A_145 = arith.constant 64 : index
      %get3A_146 = tpu.vector_load %arg15[%get3A_145] {strides = array<i32>} : memref<128xi32, #tpu.memory_space<vmem>>, vector<16xi32>,
      %swap3A_147 = arith.constant 64 : index
      %swap3A_148 = tpu.vector_load %arg17[%swap3A_147] {strides = array<i32>} : memref<128xi32, #tpu.memory_space<vmem>>, vector<16xi32>,
      tpu.vector_store %arg17[%swap3A_147], %get3A_146 {strides = array<i32>} : memref<128xi32, #tpu.memory_space<vmem>>, vector<16xi32>,
      %get3A_149 = arith.constant 80 : index
      %get3A_150 = tpu.vector_load %arg15[%get3A_149] {strides = array<i32>} : memref<128xi32, #tpu.memory_space<vmem>>, vector<16xi32>,
      %swap3A_151 = arith.constant 80 : index
      %swap3A_152 = tpu.vector_load %arg17[%swap3A_151] {strides = array<i32>} : memref<128xi32, #tpu.memory_space<vmem>>, vector<16xi32>,
      tpu.vector_store %arg17[%swap3A_151], %get3A_150 {strides = array<i32>} : memref<128xi32, #tpu.memory_space<vmem>>, vector<16xi32>,
      %get3A_153 = arith.constant 96 : index
      %get3A_154 = tpu.vector_load %arg15[%get3A_153] {strides = array<i32>} : memref<128xi32, #tpu.memory_space<vmem>>, vector<16xi32>,
      %swap3A_155 = arith.constant 96 : index
      %swap3A_156 = tpu.vector_load %arg17[%swap3A_155] {strides = array<i32>} : memref<128xi32, #tpu.memory_space<vmem>>, vector<16xi32>,
      tpu.vector_store %arg17[%swap3A_155], %get3A_154 {strides = array<i32>} : memref<128xi32, #tpu.memory_space<vmem>>, vector<16xi32>,
      %get3A_157 = arith.constant 112 : index
      %get3A_158 = tpu.vector_load %arg15[%get3A_157] {strides = array<i32>} : memref<128xi32, #tpu.memory_space<vmem>>, vector<16xi32>,
      %swap3A_159 = arith.constant 112 : index
      %swap3A_160 = tpu.vector_load %arg17[%swap3A_159] {strides = array<i32>} : memref<128xi32, #tpu.memory_space<vmem>>, vector<16xi32>,
      tpu.vector_store %arg17[%swap3A_159], %get3A_158 {strides = array<i32>} : memref<128xi32, #tpu.memory_space<vmem>>, vector<16xi32>,
      %scan3A_161 = arith.constant 0 : i32
      %scan3A_162 = arith.constant 0 : i32
      %scan3A_163 = arith.constant 128 : i32
      %scan3A_164 = arith.addi %scan3A_162, %scan3A_163 : i32
      %scan3A_165 = arith.constant 1 : i32
      scf.for %scan3A_242 = %scan3A_162 to %scan3A_164 step %scan3A_165  : i32 {
        %get3A_243 = arith.index_cast %scan3A_242 : i32 to index
        %get3A_244 = arith.constant 0 : index
        %get3A_245 = tpu.vector_load %arg19[%get3A_243, %get3A_244] {strides = array<i32>} : memref<128x16xf32, #tpu.memory_space<vmem>>, vector<16xf32>,
        %get3A_246 = arith.index_cast %scan3A_242 : i32 to index
        %get3A_247 = arith.constant 0 : index
        %get3A_248 = tpu.vector_load %arg21[%get3A_246, %get3A_247] {strides = array<i32>} : memref<128x16xf32, #tpu.memory_space<vmem>>, vector<16xf32>,
        %get3A_249 = arith.index_cast %scan3A_242 : i32 to index
        %get3A_250 = arith.constant 0 : index
        %get3A_251 = tpu.vector_load %arg23[%get3A_249, %get3A_250] {strides = array<i32>} : memref<128x48xf32, #tpu.memory_space<vmem>>, vector<16xf32>,
        %get3A_252 = arith.index_cast %scan3A_242 : i32 to index
        %get3A_253 = arith.constant 16 : index
        %get3A_254 = tpu.vector_load %arg23[%get3A_252, %get3A_253] {strides = array<i32>} : memref<128x48xf32, #tpu.memory_space<vmem>>, vector<16xf32>,
        %get3A_255 = arith.index_cast %scan3A_242 : i32 to index
        %get3A_256 = arith.constant 32 : index
        %get3A_257 = tpu.vector_load %arg23[%get3A_255, %get3A_256] {strides = array<i32>} : memref<128x48xf32, #tpu.memory_space<vmem>>, vector<16xf32>,
        %get3A_258 = arith.index_cast %scan3A_242 : i32 to index
        %get3A_259 = arith.constant 0 : index
        %get3A_260 = tpu.vector_load %arg25[%get3A_258, %get3A_259] {strides = array<i32>} : memref<128x48xf32, #tpu.memory_space<vmem>>, vector<16xf32>,
        %get3A_261 = arith.index_cast %scan3A_242 : i32 to index
        %get3A_262 = arith.constant 16 : index
        %get3A_263 = tpu.vector_load %arg25[%get3A_261, %get3A_262] {strides = array<i32>} : memref<128x48xf32, #tpu.memory_space<vmem>>, vector<16xf32>,
        %get3A_264 = arith.index_cast %scan3A_242 : i32 to index
        %get3A_265 = arith.constant 32 : index
        %get3A_266 = tpu.vector_load %arg25[%get3A_264, %get3A_265] {strides = array<i32>} : memref<128x48xf32, #tpu.memory_space<vmem>>, vector<16xf32>,
        %add3A_267 = arith.addf %get3A_251, %get3A_260 : vector<16xf32>
        %mul3A_268 = arith.mulf %get3A_245, %get3A_7 : vector<16xf32>
        %add3A_269 = arith.addf %add3A_267, %mul3A_268 : vector<16xf32>
        %mul3A_270 = arith.mulf %get3A_248, %get3A_19 : vector<16xf32>
        %add3A_271 = arith.addf %add3A_269, %mul3A_270 : vector<16xf32>
        %mul3A_272 = arith.constant 2.000000e-01 : f32
        %mul3A_273 = vector.broadcast %mul3A_272 : f32 to vector<16xf32>
        %mul3A_274 = arith.mulf %mul3A_273, %add3A_271 : vector<16xf32>
        %max3A = arith.maximumf %add3A_271, %mul3A_274 : vector<16xf32>
        %mul3A_275 = arith.mulf %max3A, %get3A_29 : vector<16xf32>
        %add3A_276 = arith.addf %get3A_254, %get3A_263 : vector<16xf32>
        %mul3A_277 = arith.mulf %get3A_245, %get3A_11 : vector<16xf32>
        %add3A_278 = arith.addf %add3A_276, %mul3A_277 : vector<16xf32>
        %mul3A_279 = arith.mulf %get3A_248, %get3A_23 : vector<16xf32>
        %add3A_280 = arith.addf %add3A_278, %mul3A_279 : vector<16xf32>
        %mul3A_281 = arith.constant 2.000000e-01 : f32
        %mul3A_282 = vector.broadcast %mul3A_281 : f32 to vector<16xf32>
        %mul3A_283 = arith.mulf %mul3A_282, %add3A_280 : vector<16xf32>
        %max3A_284 = arith.maximumf %add3A_280, %mul3A_283 : vector<16xf32>
        %mul3A_285 = arith.mulf %max3A_284, %get3A_31 : vector<16xf32>
        %add3A_286 = arith.addf %mul3A_275, %mul3A_285 : vector<16xf32>
        %add3A_287 = arith.addf %get3A_257, %get3A_266 : vector<16xf32>
        %mul3A_288 = arith.mulf %get3A_245, %get3A_15 : vector<16xf32>
        %add3A_289 = arith.addf %add3A_287, %mul3A_288 : vector<16xf32>
        %mul3A_290 = arith.mulf %get3A_248, %get3A_27 : vector<16xf32>
        %add3A_291 = arith.addf %add3A_289, %mul3A_290 : vector<16xf32>
        %mul3A_292 = arith.constant 2.000000e-01 : f32
        %mul3A_293 = vector.broadcast %mul3A_292 : f32 to vector<16xf32>
        %mul3A_294 = arith.mulf %mul3A_293, %add3A_291 : vector<16xf32>
        %max3A_295 = arith.maximumf %add3A_291, %mul3A_294 : vector<16xf32>
        %mul3A_296 = arith.mulf %max3A_295, %get3A_33 : vector<16xf32>
        %add3A_297 = arith.addf %add3A_286, %mul3A_296 : vector<16xf32>
        %reduce_sum3A = arith.constant true
        %reduce_sum3A_298 = vector.broadcast %reduce_sum3A : i1 to vector<16xi1>
        %reduce_sum3A_299 = tpu.scan <sum>, %add3A_297 masked %reduce_sum3A_298 : vector<16xf32>, vector<16xi1> -> vector<16xf32>
        %reduce_sum3A_300 = vector.extract %reduce_sum3A_299[15] : f32 from vector<16xf32>
        %broadcast_in_dim3A = vector.broadcast %reduce_sum3A_300 : f32 to vector<16xf32>
        %exp3A = math.exp %broadcast_in_dim3A : vector<16xf32>
        %mul3A_301 = arith.mulf %get3A_251, %exp3A : vector<16xf32>
        %swap3A_302 = arith.index_cast %scan3A_242 : i32 to index
        %swap3A_303 = arith.constant 0 : index
        %swap3A_304 = tpu.vector_load %arg27[%swap3A_302, %swap3A_303] {strides = array<i32>} : memref<128x64xf32, #tpu.memory_space<vmem>>, vector<16xf32>,
        tpu.vector_store %arg27[%swap3A_302, %swap3A_303], %mul3A_301 {strides = array<i32>} : memref<128x64xf32, #tpu.memory_space<vmem>>, vector<16xf32>,
        %mul3A_305 = arith.mulf %get3A_254, %exp3A : vector<16xf32>
        %swap3A_306 = arith.index_cast %scan3A_242 : i32 to index
        %swap3A_307 = arith.constant 16 : index
        %swap3A_308 = tpu.vector_load %arg27[%swap3A_306, %swap3A_307] {strides = array<i32>} : memref<128x64xf32, #tpu.memory_space<vmem>>, vector<16xf32>,
        tpu.vector_store %arg27[%swap3A_306, %swap3A_307], %mul3A_305 {strides = array<i32>} : memref<128x64xf32, #tpu.memory_space<vmem>>, vector<16xf32>,
        %mul3A_309 = arith.mulf %get3A_257, %exp3A : vector<16xf32>
        %swap3A_310 = arith.index_cast %scan3A_242 : i32 to index
        %swap3A_311 = arith.constant 32 : index
        %swap3A_312 = tpu.vector_load %arg27[%swap3A_310, %swap3A_311] {strides = array<i32>} : memref<128x64xf32, #tpu.memory_space<vmem>>, vector<16xf32>,
        tpu.vector_store %arg27[%swap3A_310, %swap3A_311], %mul3A_309 {strides = array<i32>} : memref<128x64xf32, #tpu.memory_space<vmem>>, vector<16xf32>,
        %eq3A = arith.constant 0 : i32
        %eq3A_313 = vector.broadcast %eq3A : i32 to vector<16xi32>
        %eq3A_314 = arith.cmpi eq, %iota3A, %eq3A_313 : vector<16xi32>
        %jit3A = arith.constant 0.000000e+00 : f32
        %broadcast_in_dim3A_315 = vector.broadcast %jit3A : f32 to vector<16xf32>
        %select_n3A = arith.select %eq3A_314, %exp3A, %broadcast_in_dim3A_315 : vector<16xi1>, vector<16xf32>
        %swap3A_316 = arith.index_cast %scan3A_242 : i32 to index
        %swap3A_317 = arith.constant 48 : index
        %swap3A_318 = tpu.vector_load %arg27[%swap3A_316, %swap3A_317] {strides = array<i32>} : memref<128x64xf32, #tpu.memory_space<vmem>>, vector<16xf32>,
        tpu.vector_store %arg27[%swap3A_316, %swap3A_317], %select_n3A {strides = array<i32>} : memref<128x64xf32, #tpu.memory_space<vmem>>, vector<16xf32>,
      }
      %scan3A_166 = arith.constant 128 : i32
      %dma_start3A_167 = arith.constant 0 : i32
      %dma_start3A_168 = arith.constant 0 : i32
      %dma_start3A_169 = tpu.memref_slice %arg12[%dma_start3A_167, %dma_start3A_168] : memref<10112x64xf32, #tpu.memory_space<vmem_shared>> -> memref<10112x64xf32, #tpu.memory_space<vmem_shared>>
      tpu.enqueue_indirect_dma source(%arg27 : memref<128x64xf32, #tpu.memory_space<vmem>>) target(%dma_start3A_169 : memref<10112x64xf32, #tpu.memory_space<vmem_shared>>) offsets(%arg17 : memref<128xi32, #tpu.memory_space<vmem>>) semaphore(%arg35 : memref<!tpu.dma_semaphore, #tpu.memory_space<semaphore_mem>>) {add = true}
      %add3A_170 = arith.constant 2 : i32
      %add3A_171 = arith.addi %mul3A_96, %add3A_170 : i32
      %lt3A = arith.constant 80 : i32
      %lt3A_172 = arith.cmpi slt, %add3A_171, %lt3A : i32
      %convert_element_type3A_173 = arith.extui %lt3A_172 : i1 to i32
      %cond3A_174 = arith.constant 0 : i32
      %cond3A_175 = arith.cmpi ne, %convert_element_type3A_173, %cond3A_174 : i32
      scf.if %cond3A_175 {
        %add3A_242 = arith.constant 256 : i32
        %add3A_243 = arith.addi %add3A_101, %add3A_242 : i32
        %dma_start3A_244 = tpu.memref_slice %arg4[%add3A_243] : memref<327680xi32, #tpu.memory_space<hbm>> -> memref<128xi32, #tpu.memory_space<hbm>>
        %dma_start3A_245 = tpu.memref_slice %arg4[%add3A_243] : memref<327680xi32, #tpu.memory_space<hbm>> -> memref<128xi32, #tpu.memory_space<hbm>>
        tpu.enqueue_dma source(%dma_start3A_245 : memref<128xi32, #tpu.memory_space<hbm>>) target(%arg13 : memref<128xi32, #tpu.memory_space<vmem>>) target_semaphore(%arg31 : memref<!tpu.dma_semaphore, #tpu.memory_space<semaphore_mem>>)
        %dma_start3A_246 = tpu.memref_slice %arg5[%add3A_243] : memref<327680xi32, #tpu.memory_space<hbm>> -> memref<128xi32, #tpu.memory_space<hbm>>
        %dma_start3A_247 = tpu.memref_slice %arg5[%add3A_243] : memref<327680xi32, #tpu.memory_space<hbm>> -> memref<128xi32, #tpu.memory_space<hbm>>
        tpu.enqueue_dma source(%dma_start3A_247 : memref<128xi32, #tpu.memory_space<hbm>>) target(%arg15 : memref<128xi32, #tpu.memory_space<vmem>>) target_semaphore(%arg31 : memref<!tpu.dma_semaphore, #tpu.memory_space<semaphore_mem>>)
        %dma_start3A_248 = arith.constant 0 : i32
        %dma_start3A_249 = tpu.memref_slice %arg6[%add3A_243, %dma_start3A_248] : memref<327680x16xf32, #tpu.memory_space<hbm>> -> memref<128x16xf32, #tpu.memory_space<hbm>>
        %dma_start3A_250 = arith.constant 0 : i32
        %dma_start3A_251 = tpu.memref_slice %arg6[%add3A_243, %dma_start3A_250] : memref<327680x16xf32, #tpu.memory_space<hbm>> -> memref<128x16xf32, #tpu.memory_space<hbm>>
        tpu.enqueue_dma source(%dma_start3A_251 : memref<128x16xf32, #tpu.memory_space<hbm>>) target(%arg19 : memref<128x16xf32, #tpu.memory_space<vmem>>) target_semaphore(%arg31 : memref<!tpu.dma_semaphore, #tpu.memory_space<semaphore_mem>>)
        %dma_start3A_252 = arith.constant 0 : i32
        %dma_start3A_253 = tpu.memref_slice %arg7[%add3A_243, %dma_start3A_252] : memref<327680x16xf32, #tpu.memory_space<hbm>> -> memref<128x16xf32, #tpu.memory_space<hbm>>
        %dma_start3A_254 = arith.constant 0 : i32
        %dma_start3A_255 = tpu.memref_slice %arg7[%add3A_243, %dma_start3A_254] : memref<327680x16xf32, #tpu.memory_space<hbm>> -> memref<128x16xf32, #tpu.memory_space<hbm>>
        tpu.enqueue_dma source(%dma_start3A_255 : memref<128x16xf32, #tpu.memory_space<hbm>>) target(%arg21 : memref<128x16xf32, #tpu.memory_space<vmem>>) target_semaphore(%arg31 : memref<!tpu.dma_semaphore, #tpu.memory_space<semaphore_mem>>)
      } else {
      }
      %ge3A_176 = arith.constant 1 : i32
      %ge3A_177 = arith.cmpi sge, %scan3A_94, %ge3A_176 : i32
      %convert_element_type3A_178 = arith.extui %ge3A_177 : i1 to i32
      %cond3A_179 = arith.constant 0 : i32
      %cond3A_180 = arith.cmpi ne, %convert_element_type3A_178, %cond3A_179 : i32
      scf.if %cond3A_180 {
        %dma_wait3A_242 = arith.constant 0 : i32
        %dma_wait3A_243 = arith.constant 0 : i32
        %dma_wait3A_244 = tpu.memref_slice %arg12[%dma_wait3A_242, %dma_wait3A_243] : memref<10112x64xf32, #tpu.memory_space<vmem_shared>> -> memref<10112x64xf32, #tpu.memory_space<vmem_shared>>
        tpu.wait_indirect_dma semaphore(%arg36 : memref<!tpu.dma_semaphore, #tpu.memory_space<semaphore_mem>>) src(%arg28 : memref<128x64xf32, #tpu.memory_space<vmem>>) dst(%dma_wait3A_244 : memref<10112x64xf32, #tpu.memory_space<vmem_shared>>)
      } else {
      }
      %dma_wait3A_181 = arith.constant 0 : i32
      %dma_wait3A_182 = arith.constant 0 : i32
      %dma_wait3A_183 = tpu.memref_slice %arg2[%dma_wait3A_181, %dma_wait3A_182] : memref<10112x48xf32, #tpu.memory_space<hbm>> -> memref<10112x48xf32, #tpu.memory_space<hbm>>
      tpu.wait_indirect_dma semaphore(%arg34 : memref<!tpu.dma_semaphore, #tpu.memory_space<semaphore_mem>>) src(%dma_wait3A_183 : memref<10112x48xf32, #tpu.memory_space<hbm>>) dst(%arg24 : memref<128x48xf32, #tpu.memory_space<vmem>>)
      %dma_wait3A_184 = arith.constant 0 : i32
      %dma_wait3A_185 = arith.constant 0 : i32
      %dma_wait3A_186 = tpu.memref_slice %arg3[%dma_wait3A_184, %dma_wait3A_185] : memref<10112x48xf32, #tpu.memory_space<hbm>> -> memref<10112x48xf32, #tpu.memory_space<hbm>>
      tpu.wait_indirect_dma semaphore(%arg34 : memref<!tpu.dma_semaphore, #tpu.memory_space<semaphore_mem>>) src(%dma_wait3A_186 : memref<10112x48xf32, #tpu.memory_space<hbm>>) dst(%arg26 : memref<128x48xf32, #tpu.memory_space<vmem>>)
      %add3A_187 = arith.constant 2 : i32
      %add3A_188 = arith.addi %mul3A_96, %add3A_187 : i32
      %lt3A_189 = arith.constant 80 : i32
      %lt3A_190 = arith.cmpi slt, %add3A_188, %lt3A_189 : i32
      %convert_element_type3A_191 = arith.extui %lt3A_190 : i1 to i32
      %cond3A_192 = arith.constant 0 : i32
      %cond3A_193 = arith.cmpi ne, %convert_element_type3A_191, %cond3A_192 : i32
      scf.if %cond3A_193 {
        %add3A_242 = arith.constant 256 : i32
        %add3A_243 = arith.addi %add3A_101, %add3A_242 : i32
        %dma_wait3A_244 = tpu.memref_slice %arg4[%add3A_243] : memref<327680xi32, #tpu.memory_space<hbm>> -> memref<128xi32, #tpu.memory_space<hbm>>
        %dma_wait3A_245 = tpu.memref_slice %arg4[%add3A_243] : memref<327680xi32, #tpu.memory_space<hbm>> -> memref<128xi32, #tpu.memory_space<hbm>>
        tpu.wait_dma2 semaphore(%arg31 : memref<!tpu.dma_semaphore, #tpu.memory_space<semaphore_mem>>) src(%dma_wait3A_245 : memref<128xi32, #tpu.memory_space<hbm>>) dst(%arg13 : memref<128xi32, #tpu.memory_space<vmem>>)
        %dma_wait3A_246 = tpu.memref_slice %arg5[%add3A_243] : memref<327680xi32, #tpu.memory_space<hbm>> -> memref<128xi32, #tpu.memory_space<hbm>>
        %dma_wait3A_247 = tpu.memref_slice %arg5[%add3A_243] : memref<327680xi32, #tpu.memory_space<hbm>> -> memref<128xi32, #tpu.memory_space<hbm>>
        tpu.wait_dma2 semaphore(%arg31 : memref<!tpu.dma_semaphore, #tpu.memory_space<semaphore_mem>>) src(%dma_wait3A_247 : memref<128xi32, #tpu.memory_space<hbm>>) dst(%arg15 : memref<128xi32, #tpu.memory_space<vmem>>)
        %dma_wait3A_248 = arith.constant 0 : i32
        %dma_wait3A_249 = tpu.memref_slice %arg6[%add3A_243, %dma_wait3A_248] : memref<327680x16xf32, #tpu.memory_space<hbm>> -> memref<128x16xf32, #tpu.memory_space<hbm>>
        %dma_wait3A_250 = arith.constant 0 : i32
        %dma_wait3A_251 = tpu.memref_slice %arg6[%add3A_243, %dma_wait3A_250] : memref<327680x16xf32, #tpu.memory_space<hbm>> -> memref<128x16xf32, #tpu.memory_space<hbm>>
        tpu.wait_dma2 semaphore(%arg31 : memref<!tpu.dma_semaphore, #tpu.memory_space<semaphore_mem>>) src(%dma_wait3A_251 : memref<128x16xf32, #tpu.memory_space<hbm>>) dst(%arg19 : memref<128x16xf32, #tpu.memory_space<vmem>>)
        %dma_wait3A_252 = arith.constant 0 : i32
        %dma_wait3A_253 = tpu.memref_slice %arg7[%add3A_243, %dma_wait3A_252] : memref<327680x16xf32, #tpu.memory_space<hbm>> -> memref<128x16xf32, #tpu.memory_space<hbm>>
        %dma_wait3A_254 = arith.constant 0 : i32
        %dma_wait3A_255 = tpu.memref_slice %arg7[%add3A_243, %dma_wait3A_254] : memref<327680x16xf32, #tpu.memory_space<hbm>> -> memref<128x16xf32, #tpu.memory_space<hbm>>
        tpu.wait_dma2 semaphore(%arg31 : memref<!tpu.dma_semaphore, #tpu.memory_space<semaphore_mem>>) src(%dma_wait3A_255 : memref<128x16xf32, #tpu.memory_space<hbm>>) dst(%arg21 : memref<128x16xf32, #tpu.memory_space<vmem>>)
        %dma_start3A_256 = arith.constant 0 : i32
        %dma_start3A_257 = arith.constant 0 : i32
        %dma_start3A_258 = tpu.memref_slice %arg2[%dma_start3A_256, %dma_start3A_257] : memref<10112x48xf32, #tpu.memory_space<hbm>> -> memref<10112x48xf32, #tpu.memory_space<hbm>>
        tpu.enqueue_indirect_dma source(%dma_start3A_258 : memref<10112x48xf32, #tpu.memory_space<hbm>>) target(%arg23 : memref<128x48xf32, #tpu.memory_space<vmem>>) offsets(%arg13 : memref<128xi32, #tpu.memory_space<vmem>>) semaphore(%arg33 : memref<!tpu.dma_semaphore, #tpu.memory_space<semaphore_mem>>)
        %dma_start3A_259 = arith.constant 0 : i32
        %dma_start3A_260 = arith.constant 0 : i32
        %dma_start3A_261 = tpu.memref_slice %arg3[%dma_start3A_259, %dma_start3A_260] : memref<10112x48xf32, #tpu.memory_space<hbm>> -> memref<10112x48xf32, #tpu.memory_space<hbm>>
        tpu.enqueue_indirect_dma source(%dma_start3A_261 : memref<10112x48xf32, #tpu.memory_space<hbm>>) target(%arg25 : memref<128x48xf32, #tpu.memory_space<vmem>>) offsets(%arg15 : memref<128xi32, #tpu.memory_space<vmem>>) semaphore(%arg33 : memref<!tpu.dma_semaphore, #tpu.memory_space<semaphore_mem>>)
      } else {
      }
      %get3A_194 = arith.constant 0 : index
      %get3A_195 = tpu.vector_load %arg16[%get3A_194] {strides = array<i32>} : memref<128xi32, #tpu.memory_space<vmem>>, vector<16xi32>,
      %swap3A_196 = arith.constant 0 : index
      %swap3A_197 = tpu.vector_load %arg18[%swap3A_196] {strides = array<i32>} : memref<128xi32, #tpu.memory_space<vmem>>, vector<16xi32>,
      tpu.vector_store %arg18[%swap3A_196], %get3A_195 {strides = array<i32>} : memref<128xi32, #tpu.memory_space<vmem>>, vector<16xi32>,
      %get3A_198 = arith.constant 16 : index
      %get3A_199 = tpu.vector_load %arg16[%get3A_198] {strides = array<i32>} : memref<128xi32, #tpu.memory_space<vmem>>, vector<16xi32>,
      %swap3A_200 = arith.constant 16 : index
      %swap3A_201 = tpu.vector_load %arg18[%swap3A_200] {strides = array<i32>} : memref<128xi32, #tpu.memory_space<vmem>>, vector<16xi32>,
      tpu.vector_store %arg18[%swap3A_200], %get3A_199 {strides = array<i32>} : memref<128xi32, #tpu.memory_space<vmem>>, vector<16xi32>,
      %get3A_202 = arith.constant 32 : index
      %get3A_203 = tpu.vector_load %arg16[%get3A_202] {strides = array<i32>} : memref<128xi32, #tpu.memory_space<vmem>>, vector<16xi32>,
      %swap3A_204 = arith.constant 32 : index
      %swap3A_205 = tpu.vector_load %arg18[%swap3A_204] {strides = array<i32>} : memref<128xi32, #tpu.memory_space<vmem>>, vector<16xi32>,
      tpu.vector_store %arg18[%swap3A_204], %get3A_203 {strides = array<i32>} : memref<128xi32, #tpu.memory_space<vmem>>, vector<16xi32>,
      %get3A_206 = arith.constant 48 : index
      %get3A_207 = tpu.vector_load %arg16[%get3A_206] {strides = array<i32>} : memref<128xi32, #tpu.memory_space<vmem>>, vector<16xi32>,
      %swap3A_208 = arith.constant 48 : index
      %swap3A_209 = tpu.vector_load %arg18[%swap3A_208] {strides = array<i32>} : memref<128xi32, #tpu.memory_space<vmem>>, vector<16xi32>,
      tpu.vector_store %arg18[%swap3A_208], %get3A_207 {strides = array<i32>} : memref<128xi32, #tpu.memory_space<vmem>>, vector<16xi32>,
      %get3A_210 = arith.constant 64 : index
      %get3A_211 = tpu.vector_load %arg16[%get3A_210] {strides = array<i32>} : memref<128xi32, #tpu.memory_space<vmem>>, vector<16xi32>,
      %swap3A_212 = arith.constant 64 : index
      %swap3A_213 = tpu.vector_load %arg18[%swap3A_212] {strides = array<i32>} : memref<128xi32, #tpu.memory_space<vmem>>, vector<16xi32>,
      tpu.vector_store %arg18[%swap3A_212], %get3A_211 {strides = array<i32>} : memref<128xi32, #tpu.memory_space<vmem>>, vector<16xi32>,
      %get3A_214 = arith.constant 80 : index
      %get3A_215 = tpu.vector_load %arg16[%get3A_214] {strides = array<i32>} : memref<128xi32, #tpu.memory_space<vmem>>, vector<16xi32>,
      %swap3A_216 = arith.constant 80 : index
      %swap3A_217 = tpu.vector_load %arg18[%swap3A_216] {strides = array<i32>} : memref<128xi32, #tpu.memory_space<vmem>>, vector<16xi32>,
      tpu.vector_store %arg18[%swap3A_216], %get3A_215 {strides = array<i32>} : memref<128xi32, #tpu.memory_space<vmem>>, vector<16xi32>,
      %get3A_218 = arith.constant 96 : index
      %get3A_219 = tpu.vector_load %arg16[%get3A_218] {strides = array<i32>} : memref<128xi32, #tpu.memory_space<vmem>>, vector<16xi32>,
      %swap3A_220 = arith.constant 96 : index
      %swap3A_221 = tpu.vector_load %arg18[%swap3A_220] {strides = array<i32>} : memref<128xi32, #tpu.memory_space<vmem>>, vector<16xi32>,
      tpu.vector_store %arg18[%swap3A_220], %get3A_219 {strides = array<i32>} : memref<128xi32, #tpu.memory_space<vmem>>, vector<16xi32>,
      %get3A_222 = arith.constant 112 : index
      %get3A_223 = tpu.vector_load %arg16[%get3A_222] {strides = array<i32>} : memref<128xi32, #tpu.memory_space<vmem>>, vector<16xi32>,
      %swap3A_224 = arith.constant 112 : index
      %swap3A_225 = tpu.vector_load %arg18[%swap3A_224] {strides = array<i32>} : memref<128xi32, #tpu.memory_space<vmem>>, vector<16xi32>,
      tpu.vector_store %arg18[%swap3A_224], %get3A_223 {strides = array<i32>} : memref<128xi32, #tpu.memory_space<vmem>>, vector<16xi32>,
      %scan3A_226 = arith.constant 0 : i32
      %scan3A_227 = arith.constant 0 : i32
      %scan3A_228 = arith.constant 128 : i32
      %scan3A_229 = arith.addi %scan3A_227, %scan3A_228 : i32
      %scan3A_230 = arith.constant 1 : i32
      scf.for %scan3A_242 = %scan3A_227 to %scan3A_229 step %scan3A_230  : i32 {
        %get3A_243 = arith.index_cast %scan3A_242 : i32 to index
        %get3A_244 = arith.constant 0 : index
        %get3A_245 = tpu.vector_load %arg20[%get3A_243, %get3A_244] {strides = array<i32>} : memref<128x16xf32, #tpu.memory_space<vmem>>, vector<16xf32>,
        %get3A_246 = arith.index_cast %scan3A_242 : i32 to index
        %get3A_247 = arith.constant 0 : index
        %get3A_248 = tpu.vector_load %arg22[%get3A_246, %get3A_247] {strides = array<i32>} : memref<128x16xf32, #tpu.memory_space<vmem>>, vector<16xf32>,
        %get3A_249 = arith.index_cast %scan3A_242 : i32 to index
        %get3A_250 = arith.constant 0 : index
        %get3A_251 = tpu.vector_load %arg24[%get3A_249, %get3A_250] {strides = array<i32>} : memref<128x48xf32, #tpu.memory_space<vmem>>, vector<16xf32>,
        %get3A_252 = arith.index_cast %scan3A_242 : i32 to index
        %get3A_253 = arith.constant 16 : index
        %get3A_254 = tpu.vector_load %arg24[%get3A_252, %get3A_253] {strides = array<i32>} : memref<128x48xf32, #tpu.memory_space<vmem>>, vector<16xf32>,
        %get3A_255 = arith.index_cast %scan3A_242 : i32 to index
        %get3A_256 = arith.constant 32 : index
        %get3A_257 = tpu.vector_load %arg24[%get3A_255, %get3A_256] {strides = array<i32>} : memref<128x48xf32, #tpu.memory_space<vmem>>, vector<16xf32>,
        %get3A_258 = arith.index_cast %scan3A_242 : i32 to index
        %get3A_259 = arith.constant 0 : index
        %get3A_260 = tpu.vector_load %arg26[%get3A_258, %get3A_259] {strides = array<i32>} : memref<128x48xf32, #tpu.memory_space<vmem>>, vector<16xf32>,
        %get3A_261 = arith.index_cast %scan3A_242 : i32 to index
        %get3A_262 = arith.constant 16 : index
        %get3A_263 = tpu.vector_load %arg26[%get3A_261, %get3A_262] {strides = array<i32>} : memref<128x48xf32, #tpu.memory_space<vmem>>, vector<16xf32>,
        %get3A_264 = arith.index_cast %scan3A_242 : i32 to index
        %get3A_265 = arith.constant 32 : index
        %get3A_266 = tpu.vector_load %arg26[%get3A_264, %get3A_265] {strides = array<i32>} : memref<128x48xf32, #tpu.memory_space<vmem>>, vector<16xf32>,
        %add3A_267 = arith.addf %get3A_251, %get3A_260 : vector<16xf32>
        %mul3A_268 = arith.mulf %get3A_245, %get3A_7 : vector<16xf32>
        %add3A_269 = arith.addf %add3A_267, %mul3A_268 : vector<16xf32>
        %mul3A_270 = arith.mulf %get3A_248, %get3A_19 : vector<16xf32>
        %add3A_271 = arith.addf %add3A_269, %mul3A_270 : vector<16xf32>
        %mul3A_272 = arith.constant 2.000000e-01 : f32
        %mul3A_273 = vector.broadcast %mul3A_272 : f32 to vector<16xf32>
        %mul3A_274 = arith.mulf %mul3A_273, %add3A_271 : vector<16xf32>
        %max3A = arith.maximumf %add3A_271, %mul3A_274 : vector<16xf32>
        %mul3A_275 = arith.mulf %max3A, %get3A_29 : vector<16xf32>
        %add3A_276 = arith.addf %get3A_254, %get3A_263 : vector<16xf32>
        %mul3A_277 = arith.mulf %get3A_245, %get3A_11 : vector<16xf32>
        %add3A_278 = arith.addf %add3A_276, %mul3A_277 : vector<16xf32>
        %mul3A_279 = arith.mulf %get3A_248, %get3A_23 : vector<16xf32>
        %add3A_280 = arith.addf %add3A_278, %mul3A_279 : vector<16xf32>
        %mul3A_281 = arith.constant 2.000000e-01 : f32
        %mul3A_282 = vector.broadcast %mul3A_281 : f32 to vector<16xf32>
        %mul3A_283 = arith.mulf %mul3A_282, %add3A_280 : vector<16xf32>
        %max3A_284 = arith.maximumf %add3A_280, %mul3A_283 : vector<16xf32>
        %mul3A_285 = arith.mulf %max3A_284, %get3A_31 : vector<16xf32>
        %add3A_286 = arith.addf %mul3A_275, %mul3A_285 : vector<16xf32>
        %add3A_287 = arith.addf %get3A_257, %get3A_266 : vector<16xf32>
        %mul3A_288 = arith.mulf %get3A_245, %get3A_15 : vector<16xf32>
        %add3A_289 = arith.addf %add3A_287, %mul3A_288 : vector<16xf32>
        %mul3A_290 = arith.mulf %get3A_248, %get3A_27 : vector<16xf32>
        %add3A_291 = arith.addf %add3A_289, %mul3A_290 : vector<16xf32>
        %mul3A_292 = arith.constant 2.000000e-01 : f32
        %mul3A_293 = vector.broadcast %mul3A_292 : f32 to vector<16xf32>
        %mul3A_294 = arith.mulf %mul3A_293, %add3A_291 : vector<16xf32>
        %max3A_295 = arith.maximumf %add3A_291, %mul3A_294 : vector<16xf32>
        %mul3A_296 = arith.mulf %max3A_295, %get3A_33 : vector<16xf32>
        %add3A_297 = arith.addf %add3A_286, %mul3A_296 : vector<16xf32>
        %reduce_sum3A = arith.constant true
        %reduce_sum3A_298 = vector.broadcast %reduce_sum3A : i1 to vector<16xi1>
        %reduce_sum3A_299 = tpu.scan <sum>, %add3A_297 masked %reduce_sum3A_298 : vector<16xf32>, vector<16xi1> -> vector<16xf32>
        %reduce_sum3A_300 = vector.extract %reduce_sum3A_299[15] : f32 from vector<16xf32>
        %broadcast_in_dim3A = vector.broadcast %reduce_sum3A_300 : f32 to vector<16xf32>
        %exp3A = math.exp %broadcast_in_dim3A : vector<16xf32>
        %mul3A_301 = arith.mulf %get3A_251, %exp3A : vector<16xf32>
        %swap3A_302 = arith.index_cast %scan3A_242 : i32 to index
        %swap3A_303 = arith.constant 0 : index
        %swap3A_304 = tpu.vector_load %arg28[%swap3A_302, %swap3A_303] {strides = array<i32>} : memref<128x64xf32, #tpu.memory_space<vmem>>, vector<16xf32>,
        tpu.vector_store %arg28[%swap3A_302, %swap3A_303], %mul3A_301 {strides = array<i32>} : memref<128x64xf32, #tpu.memory_space<vmem>>, vector<16xf32>,
        %mul3A_305 = arith.mulf %get3A_254, %exp3A : vector<16xf32>
        %swap3A_306 = arith.index_cast %scan3A_242 : i32 to index
        %swap3A_307 = arith.constant 16 : index
        %swap3A_308 = tpu.vector_load %arg28[%swap3A_306, %swap3A_307] {strides = array<i32>} : memref<128x64xf32, #tpu.memory_space<vmem>>, vector<16xf32>,
        tpu.vector_store %arg28[%swap3A_306, %swap3A_307], %mul3A_305 {strides = array<i32>} : memref<128x64xf32, #tpu.memory_space<vmem>>, vector<16xf32>,
        %mul3A_309 = arith.mulf %get3A_257, %exp3A : vector<16xf32>
        %swap3A_310 = arith.index_cast %scan3A_242 : i32 to index
        %swap3A_311 = arith.constant 32 : index
        %swap3A_312 = tpu.vector_load %arg28[%swap3A_310, %swap3A_311] {strides = array<i32>} : memref<128x64xf32, #tpu.memory_space<vmem>>, vector<16xf32>,
        tpu.vector_store %arg28[%swap3A_310, %swap3A_311], %mul3A_309 {strides = array<i32>} : memref<128x64xf32, #tpu.memory_space<vmem>>, vector<16xf32>,
        %eq3A = arith.constant 0 : i32
        %eq3A_313 = vector.broadcast %eq3A : i32 to vector<16xi32>
        %eq3A_314 = arith.cmpi eq, %iota3A, %eq3A_313 : vector<16xi32>
        %jit3A = arith.constant 0.000000e+00 : f32
        %broadcast_in_dim3A_315 = vector.broadcast %jit3A : f32 to vector<16xf32>
        %select_n3A = arith.select %eq3A_314, %exp3A, %broadcast_in_dim3A_315 : vector<16xi1>, vector<16xf32>
        %swap3A_316 = arith.index_cast %scan3A_242 : i32 to index
        %swap3A_317 = arith.constant 48 : index
        %swap3A_318 = tpu.vector_load %arg28[%swap3A_316, %swap3A_317] {strides = array<i32>} : memref<128x64xf32, #tpu.memory_space<vmem>>, vector<16xf32>,
        tpu.vector_store %arg28[%swap3A_316, %swap3A_317], %select_n3A {strides = array<i32>} : memref<128x64xf32, #tpu.memory_space<vmem>>, vector<16xf32>,
      }
      %scan3A_231 = arith.constant 128 : i32
      %dma_start3A_232 = arith.constant 0 : i32
      %dma_start3A_233 = arith.constant 0 : i32
      %dma_start3A_234 = tpu.memref_slice %arg12[%dma_start3A_232, %dma_start3A_233] : memref<10112x64xf32, #tpu.memory_space<vmem_shared>> -> memref<10112x64xf32, #tpu.memory_space<vmem_shared>>
      tpu.enqueue_indirect_dma source(%arg28 : memref<128x64xf32, #tpu.memory_space<vmem>>) target(%dma_start3A_234 : memref<10112x64xf32, #tpu.memory_space<vmem_shared>>) offsets(%arg18 : memref<128xi32, #tpu.memory_space<vmem>>) semaphore(%arg36 : memref<!tpu.dma_semaphore, #tpu.memory_space<semaphore_mem>>) {add = true}
      %add3A_235 = arith.constant 3 : i32
      %add3A_236 = arith.addi %mul3A_96, %add3A_235 : i32
      %lt3A_237 = arith.constant 80 : i32
      %lt3A_238 = arith.cmpi slt, %add3A_236, %lt3A_237 : i32
      %convert_element_type3A_239 = arith.extui %lt3A_238 : i1 to i32
      %cond3A_240 = arith.constant 0 : i32
      %cond3A_241 = arith.cmpi ne, %convert_element_type3A_239, %cond3A_240 : i32
      scf.if %cond3A_241 {
        %add3A_242 = arith.constant 256 : i32
        %add3A_243 = arith.addi %add3A_103, %add3A_242 : i32
        %dma_start3A_244 = tpu.memref_slice %arg4[%add3A_243] : memref<327680xi32, #tpu.memory_space<hbm>> -> memref<128xi32, #tpu.memory_space<hbm>>
        %dma_start3A_245 = tpu.memref_slice %arg4[%add3A_243] : memref<327680xi32, #tpu.memory_space<hbm>> -> memref<128xi32, #tpu.memory_space<hbm>>
        tpu.enqueue_dma source(%dma_start3A_245 : memref<128xi32, #tpu.memory_space<hbm>>) target(%arg14 : memref<128xi32, #tpu.memory_space<vmem>>) target_semaphore(%arg32 : memref<!tpu.dma_semaphore, #tpu.memory_space<semaphore_mem>>)
        %dma_start3A_246 = tpu.memref_slice %arg5[%add3A_243] : memref<327680xi32, #tpu.memory_space<hbm>> -> memref<128xi32, #tpu.memory_space<hbm>>
        %dma_start3A_247 = tpu.memref_slice %arg5[%add3A_243] : memref<327680xi32, #tpu.memory_space<hbm>> -> memref<128xi32, #tpu.memory_space<hbm>>
        tpu.enqueue_dma source(%dma_start3A_247 : memref<128xi32, #tpu.memory_space<hbm>>) target(%arg16 : memref<128xi32, #tpu.memory_space<vmem>>) target_semaphore(%arg32 : memref<!tpu.dma_semaphore, #tpu.memory_space<semaphore_mem>>)
        %dma_start3A_248 = arith.constant 0 : i32
        %dma_start3A_249 = tpu.memref_slice %arg6[%add3A_243, %dma_start3A_248] : memref<327680x16xf32, #tpu.memory_space<hbm>> -> memref<128x16xf32, #tpu.memory_space<hbm>>
        %dma_start3A_250 = arith.constant 0 : i32
        %dma_start3A_251 = tpu.memref_slice %arg6[%add3A_243, %dma_start3A_250] : memref<327680x16xf32, #tpu.memory_space<hbm>> -> memref<128x16xf32, #tpu.memory_space<hbm>>
        tpu.enqueue_dma source(%dma_start3A_251 : memref<128x16xf32, #tpu.memory_space<hbm>>) target(%arg20 : memref<128x16xf32, #tpu.memory_space<vmem>>) target_semaphore(%arg32 : memref<!tpu.dma_semaphore, #tpu.memory_space<semaphore_mem>>)
        %dma_start3A_252 = arith.constant 0 : i32
        %dma_start3A_253 = tpu.memref_slice %arg7[%add3A_243, %dma_start3A_252] : memref<327680x16xf32, #tpu.memory_space<hbm>> -> memref<128x16xf32, #tpu.memory_space<hbm>>
        %dma_start3A_254 = arith.constant 0 : i32
        %dma_start3A_255 = tpu.memref_slice %arg7[%add3A_243, %dma_start3A_254] : memref<327680x16xf32, #tpu.memory_space<hbm>> -> memref<128x16xf32, #tpu.memory_space<hbm>>
        tpu.enqueue_dma source(%dma_start3A_255 : memref<128x16xf32, #tpu.memory_space<hbm>>) target(%arg22 : memref<128x16xf32, #tpu.memory_space<vmem>>) target_semaphore(%arg32 : memref<!tpu.dma_semaphore, #tpu.memory_space<semaphore_mem>>)
      } else {
      }
    }
    %scan3A_82 = arith.constant 40 : i32
    %dma_wait3A_83 = arith.constant 0 : i32
    %dma_wait3A_84 = arith.constant 0 : i32
    %dma_wait3A_85 = tpu.memref_slice %arg12[%dma_wait3A_83, %dma_wait3A_84] : memref<10112x64xf32, #tpu.memory_space<vmem_shared>> -> memref<10112x64xf32, #tpu.memory_space<vmem_shared>>
    tpu.wait_indirect_dma semaphore(%arg35 : memref<!tpu.dma_semaphore, #tpu.memory_space<semaphore_mem>>) src(%arg27 : memref<128x64xf32, #tpu.memory_space<vmem>>) dst(%dma_wait3A_85 : memref<10112x64xf32, #tpu.memory_space<vmem_shared>>)
    %dma_wait3A_86 = arith.constant 0 : i32
    %dma_wait3A_87 = arith.constant 0 : i32
    %dma_wait3A_88 = tpu.memref_slice %arg12[%dma_wait3A_86, %dma_wait3A_87] : memref<10112x64xf32, #tpu.memory_space<vmem_shared>> -> memref<10112x64xf32, #tpu.memory_space<vmem_shared>>
    tpu.wait_indirect_dma semaphore(%arg36 : memref<!tpu.dma_semaphore, #tpu.memory_space<semaphore_mem>>) src(%arg28 : memref<128x64xf32, #tpu.memory_space<vmem>>) dst(%dma_wait3A_88 : memref<10112x64xf32, #tpu.memory_space<vmem_shared>>)
    %barrier3A_89 = arith.constant 0 : index
    tpu.barrier barrier_id(%barrier3A_89)
    %mul3A_90 = arith.constant 632 : i32
    %mul3A_91 = arith.muli %arg1, %mul3A_90 : i32
    %mul3A_92 = arith.constant 632 : i32
    %mul3A_93 = arith.muli %arg1, %mul3A_92 : i32
    "tpu.region"() ({
      %run_scoped3A = tpu.sem_alloc : memref<!tpu.dma_semaphore, #tpu.memory_space<semaphore_mem>>
      %dma_start3A_94 = arith.constant 0 : i32
      %dma_start3A_95 = tpu.memref_slice %arg11[%arg0, %mul3A_93, %dma_start3A_94] : memref<2x10112x64xf32, #tpu.memory_space<hbm>> -> memref<1x632x64xf32, #tpu.memory_space<hbm>>
      %dma_start3A_96 = tpu.memref_squeeze %dma_start3A_95 : memref<1x632x64xf32, #tpu.memory_space<hbm>> -> memref<632x64xf32, #tpu.memory_space<hbm>>
      %dma_start3A_97 = arith.constant 0 : i32
      %dma_start3A_98 = tpu.memref_slice %arg12[%mul3A_91, %dma_start3A_97] : memref<10112x64xf32, #tpu.memory_space<vmem_shared>> -> memref<632x64xf32, #tpu.memory_space<vmem_shared>>
      tpu.enqueue_dma source(%dma_start3A_98 : memref<632x64xf32, #tpu.memory_space<vmem_shared>>) target(%dma_start3A_96 : memref<632x64xf32, #tpu.memory_space<hbm>>) target_semaphore(%run_scoped3A : memref<!tpu.dma_semaphore, #tpu.memory_space<semaphore_mem>>)
      %dma_wait3A_99 = arith.constant 0 : i32
      %dma_wait3A_100 = tpu.memref_slice %arg11[%arg0, %mul3A_93, %dma_wait3A_99] : memref<2x10112x64xf32, #tpu.memory_space<hbm>> -> memref<1x632x64xf32, #tpu.memory_space<hbm>>
      %dma_wait3A_101 = tpu.memref_squeeze %dma_wait3A_100 : memref<1x632x64xf32, #tpu.memory_space<hbm>> -> memref<632x64xf32, #tpu.memory_space<hbm>>
      %dma_wait3A_102 = arith.constant 0 : i32
      %dma_wait3A_103 = tpu.memref_slice %arg12[%mul3A_91, %dma_wait3A_102] : memref<10112x64xf32, #tpu.memory_space<vmem_shared>> -> memref<632x64xf32, #tpu.memory_space<vmem_shared>>
      tpu.wait_dma2 semaphore(%run_scoped3A : memref<!tpu.dma_semaphore, #tpu.memory_space<semaphore_mem>>) src(%dma_wait3A_103 : memref<632x64xf32, #tpu.memory_space<vmem_shared>>) dst(%dma_wait3A_101 : memref<632x64xf32, #tpu.memory_space<hbm>>)
      tpu.yield
    }) : () -> ()
    return
  }
}

module attributes {stable_mosaic.version = 14 : i64} {
  func.func @_encoder_body(%arg0: memref<10000x128xf32, #tpu.memory_space<vmem>>, %arg1: memref<10000x1xi32, #tpu.memory_space<vmem>>, %arg2: memref<5000x128xf32, #tpu.memory_space<vmem>>, %arg3: memref<384x32xf32, #tpu.memory_space<vmem>>, %arg4: memref<1x32xf32, #tpu.memory_space<vmem>>, %arg5: memref<96x32xf32, #tpu.memory_space<vmem>>, %arg6: memref<1x32xf32, #tpu.memory_space<vmem>>, %arg7: memref<1x32xf32, #tpu.memory_space<vmem>>, %arg8: memref<1x32xf32, #tpu.memory_space<vmem>>, %arg9: memref<32x96xf32, #tpu.memory_space<vmem>>, %arg10: memref<1x96xf32, #tpu.memory_space<vmem>>, %arg11: memref<32x96xf32, #tpu.memory_space<vmem>>, %arg12: memref<1x96xf32, #tpu.memory_space<vmem>>, %arg13: memref<10000x96xf32, #tpu.memory_space<vmem>>, %arg14: memref<10000x96xf32, #tpu.memory_space<vmem>>, %arg15: memref<1x2xf32, #tpu.memory_space<vmem>>, %arg16: memref<64x32xf32, #tpu.memory_space<vmem>>, %arg17: memref<64x32xf32, #tpu.memory_space<vmem>>) attributes {dimension_semantics = [], scalar_prefetch = 0 : i64, scratch_operands = 2 : i64, tpu.core_type = #tpu.core_type<tc>} {
    %get3A = arith.constant 0 : index
    %get3A_0 = arith.constant 0 : index
    %get3A_1 = vector.load %arg0[%get3A, %get3A_0] : memref<10000x128xf32, #tpu.memory_space<vmem>>, vector<10000x128xf32>
    %get3A_2 = arith.constant 0 : index
    %get3A_3 = arith.constant 0 : index
    %get3A_4 = vector.load %arg1[%get3A_2, %get3A_3] : memref<10000x1xi32, #tpu.memory_space<vmem>>, vector<10000x1xi32>
    %broadcast_in_dim3A = arith.constant -1 : i32
    %broadcast_in_dim3A_5 = vector.broadcast %broadcast_in_dim3A : i32 to vector<1x1xi32>
    %broadcast_in_dim3A_6 = arith.constant -2 : i32
    %broadcast_in_dim3A_7 = vector.broadcast %broadcast_in_dim3A_6 : i32 to vector<1x1xi32>
    %slice3A = vector.extract_strided_slice %get3A_4 {offsets = [0, 0], sizes = [9999, 1], strides = [1, 1]} : vector<10000x1xi32> to vector<9999x1xi32>
    %concatenate3A = tpu.concatenate %broadcast_in_dim3A_5, %slice3A in 0 : vector<1x1xi32>, vector<9999x1xi32> -> vector<10000x1xi32>
    %slice3A_8 = vector.extract_strided_slice %get3A_4 {offsets = [1, 0], sizes = [9999, 1], strides = [1, 1]} : vector<10000x1xi32> to vector<9999x1xi32>
    %concatenate3A_9 = tpu.concatenate %slice3A_8, %broadcast_in_dim3A_7 in 0 : vector<9999x1xi32>, vector<1x1xi32> -> vector<10000x1xi32>
    %slice3A_10 = vector.extract_strided_slice %get3A_4 {offsets = [0, 0], sizes = [9998, 1], strides = [1, 1]} : vector<10000x1xi32> to vector<9998x1xi32>
    %concatenate3A_11 = tpu.concatenate %broadcast_in_dim3A_5, %broadcast_in_dim3A_5, %slice3A_10 in 0 : vector<1x1xi32>, vector<1x1xi32>, vector<9998x1xi32> -> vector<10000x1xi32>
    %slice3A_12 = vector.extract_strided_slice %get3A_4 {offsets = [2, 0], sizes = [9998, 1], strides = [1, 1]} : vector<10000x1xi32> to vector<9998x1xi32>
    %concatenate3A_13 = tpu.concatenate %slice3A_12, %broadcast_in_dim3A_7, %broadcast_in_dim3A_7 in 0 : vector<9998x1xi32>, vector<1x1xi32>, vector<1x1xi32> -> vector<10000x1xi32>
    %eq3A = arith.cmpi eq, %concatenate3A, %get3A_4 : vector<10000x1xi32>
    %convert_element_type3A = arith.extui %eq3A : vector<10000x1xi1> to vector<10000x1xi32>
    %convert_element_type3A_14 = arith.sitofp %convert_element_type3A : vector<10000x1xi32> to vector<10000x1xf32>
    %eq3A_15 = arith.cmpi eq, %concatenate3A_9, %get3A_4 : vector<10000x1xi32>
    %convert_element_type3A_16 = arith.extui %eq3A_15 : vector<10000x1xi1> to vector<10000x1xi32>
    %convert_element_type3A_17 = arith.sitofp %convert_element_type3A_16 : vector<10000x1xi32> to vector<10000x1xf32>
    %eq3A_18 = arith.cmpi eq, %concatenate3A_11, %get3A_4 : vector<10000x1xi32>
    %convert_element_type3A_19 = arith.extui %eq3A_18 : vector<10000x1xi1> to vector<10000x1xi32>
    %convert_element_type3A_20 = arith.sitofp %convert_element_type3A_19 : vector<10000x1xi32> to vector<10000x1xf32>
    %eq3A_21 = arith.cmpi eq, %concatenate3A_13, %get3A_4 : vector<10000x1xi32>
    %convert_element_type3A_22 = arith.extui %eq3A_21 : vector<10000x1xi1> to vector<10000x1xi32>
    %convert_element_type3A_23 = arith.sitofp %convert_element_type3A_22 : vector<10000x1xi32> to vector<10000x1xf32>
    %broadcast_in_dim3A_24 = arith.constant 0.000000e+00 : f32
    %broadcast_in_dim3A_25 = vector.broadcast %broadcast_in_dim3A_24 : f32 to vector<1x128xf32>
    %slice3A_26 = vector.extract_strided_slice %get3A_1 {offsets = [0, 0], sizes = [9999, 128], strides = [1, 1]} : vector<10000x128xf32> to vector<9999x128xf32>
    %concatenate3A_27 = tpu.concatenate %broadcast_in_dim3A_25, %slice3A_26 in 0 : vector<1x128xf32>, vector<9999x128xf32> -> vector<10000x128xf32>
    %mul3A = vector.broadcast %convert_element_type3A_14 : vector<10000x1xf32> to vector<10000x128xf32>
    %mul3A_28 = arith.mulf %concatenate3A_27, %mul3A : vector<10000x128xf32>
    %slice3A_29 = vector.extract_strided_slice %get3A_1 {offsets = [1, 0], sizes = [9999, 128], strides = [1, 1]} : vector<10000x128xf32> to vector<9999x128xf32>
    %concatenate3A_30 = tpu.concatenate %slice3A_29, %broadcast_in_dim3A_25 in 0 : vector<9999x128xf32>, vector<1x128xf32> -> vector<10000x128xf32>
    %mul3A_31 = vector.broadcast %convert_element_type3A_17 : vector<10000x1xf32> to vector<10000x128xf32>
    %mul3A_32 = arith.mulf %concatenate3A_30, %mul3A_31 : vector<10000x128xf32>
    %concatenate3A_33 = tpu.concatenate %mul3A_28, %get3A_1, %mul3A_32 in 1 : vector<10000x128xf32>, vector<10000x128xf32>, vector<10000x128xf32> -> vector<10000x384xf32>
    %get3A_34 = arith.constant 0 : index
    %get3A_35 = arith.constant 0 : index
    %get3A_36 = vector.load %arg3[%get3A_34, %get3A_35] : memref<384x32xf32, #tpu.memory_space<vmem>>, vector<384x32xf32>
    %dot_general3A = arith.constant dense<0.000000e+00> : vector<10000x32xf32>
    %dot_general3A_37 = tpu.matmul %concatenate3A_33, %get3A_36, %dot_general3A {dimension_numbers = #tpu.dot_dimension_numbers<[1], [0], [0], [1], [0, 0, 1, 1], [], []>, transpose_lhs_hint = false} : vector<10000x384xf32>, vector<384x32xf32>, vector<10000x32xf32> -> vector<10000x32xf32>
    %get3A_38 = arith.constant 0 : index
    %get3A_39 = arith.constant 0 : index
    %get3A_40 = vector.load %arg4[%get3A_38, %get3A_39] : memref<1x32xf32, #tpu.memory_space<vmem>>, vector<1x32xf32>
    %add3A = vector.broadcast %get3A_40 : vector<1x32xf32> to vector<10000x32xf32>
    %add3A_41 = arith.addf %dot_general3A_37, %add3A : vector<10000x32xf32>
    %max3A = arith.constant 0.000000e+00 : f32
    %max3A_42 = vector.broadcast %max3A : f32 to vector<10000x32xf32>
    %max3A_43 = arith.maximumf %add3A_41, %max3A_42 : vector<10000x32xf32>
    %broadcast_in_dim3A_44 = arith.constant 0.000000e+00 : f32
    %broadcast_in_dim3A_45 = vector.broadcast %broadcast_in_dim3A_44 : f32 to vector<2x32xf32>
    %slice3A_46 = vector.extract_strided_slice %max3A_43 {offsets = [0, 0], sizes = [9998, 32], strides = [1, 1]} : vector<10000x32xf32> to vector<9998x32xf32>
    %concatenate3A_47 = tpu.concatenate %broadcast_in_dim3A_45, %slice3A_46 in 0 : vector<2x32xf32>, vector<9998x32xf32> -> vector<10000x32xf32>
    %mul3A_48 = vector.broadcast %convert_element_type3A_20 : vector<10000x1xf32> to vector<10000x32xf32>
    %mul3A_49 = arith.mulf %concatenate3A_47, %mul3A_48 : vector<10000x32xf32>
    %slice3A_50 = vector.extract_strided_slice %max3A_43 {offsets = [2, 0], sizes = [9998, 32], strides = [1, 1]} : vector<10000x32xf32> to vector<9998x32xf32>
    %concatenate3A_51 = tpu.concatenate %slice3A_50, %broadcast_in_dim3A_45 in 0 : vector<9998x32xf32>, vector<2x32xf32> -> vector<10000x32xf32>
    %mul3A_52 = vector.broadcast %convert_element_type3A_23 : vector<10000x1xf32> to vector<10000x32xf32>
    %mul3A_53 = arith.mulf %concatenate3A_51, %mul3A_52 : vector<10000x32xf32>
    %concatenate3A_54 = tpu.concatenate %mul3A_49, %max3A_43, %mul3A_53 in 1 : vector<10000x32xf32>, vector<10000x32xf32>, vector<10000x32xf32> -> vector<10000x96xf32>
    %get3A_55 = arith.constant 0 : index
    %get3A_56 = arith.constant 0 : index
    %get3A_57 = vector.load %arg5[%get3A_55, %get3A_56] : memref<96x32xf32, #tpu.memory_space<vmem>>, vector<96x32xf32>
    %dot_general3A_58 = arith.constant dense<0.000000e+00> : vector<10000x32xf32>
    %dot_general3A_59 = tpu.matmul %concatenate3A_54, %get3A_57, %dot_general3A_58 {dimension_numbers = #tpu.dot_dimension_numbers<[1], [0], [0], [1], [0, 0, 1, 1], [], []>, transpose_lhs_hint = false} : vector<10000x96xf32>, vector<96x32xf32>, vector<10000x32xf32> -> vector<10000x32xf32>
    %get3A_60 = arith.constant 0 : index
    %get3A_61 = arith.constant 0 : index
    %get3A_62 = vector.load %arg6[%get3A_60, %get3A_61] : memref<1x32xf32, #tpu.memory_space<vmem>>, vector<1x32xf32>
    %add3A_63 = vector.broadcast %get3A_62 : vector<1x32xf32> to vector<10000x32xf32>
    %add3A_64 = arith.addf %dot_general3A_59, %add3A_63 : vector<10000x32xf32>
    %max3A_65 = arith.constant 0.000000e+00 : f32
    %max3A_66 = vector.broadcast %max3A_65 : f32 to vector<10000x32xf32>
    %max3A_67 = arith.maximumf %add3A_64, %max3A_66 : vector<10000x32xf32>
    %iota3A = tpu.iota {dimensions = array<i32: 1>} : vector<1x64xi32>
    %eq3A_68 = vector.broadcast %get3A_4 : vector<10000x1xi32> to vector<10000x64xi32>
    %eq3A_69 = vector.broadcast %iota3A : vector<1x64xi32> to vector<10000x64xi32>
    %eq3A_70 = arith.cmpi eq, %eq3A_68, %eq3A_69 : vector<10000x64xi32>
    %convert_element_type3A_71 = arith.extui %eq3A_70 : vector<10000x64xi1> to vector<10000x64xi32>
    %convert_element_type3A_72 = arith.sitofp %convert_element_type3A_71 : vector<10000x64xi32> to vector<10000x64xf32>
    %reduce_sum3A = arith.constant dense<0.000000e+00> : vector<64xf32>
    %reduce_sum3A_73 = vector.multi_reduction <add>, %convert_element_type3A_72, %reduce_sum3A [0] : vector<10000x64xf32> to vector<64xf32>
    %broadcast_in_dim3A_74 = vector.shape_cast %reduce_sum3A_73 : vector<64xf32> to vector<1x64xf32>
    %max3A_75 = arith.constant 1.000000e+00 : f32
    %max3A_76 = vector.broadcast %max3A_75 : f32 to vector<1x64xf32>
    %max3A_77 = arith.maximumf %broadcast_in_dim3A_74, %max3A_76 : vector<1x64xf32>
    %reshape3A = vector.shape_cast %max3A_77 : vector<1x64xf32> to vector<64x1xf32>
    %scan3A = arith.constant 0 : i32
    %scan3A_78 = arith.constant 64 : i32
    %scan3A_79 = arith.addi %scan3A, %scan3A_78 : i32
    %scan3A_80 = arith.constant 1 : i32
    scf.for %scan3A_221 = %scan3A to %scan3A_79 step %scan3A_80  : i32 {
      %eq3A_222 = vector.broadcast %scan3A_221 : i32 to vector<10000x1xi32>
      %eq3A_223 = arith.cmpi eq, %get3A_4, %eq3A_222 : vector<10000x1xi32>
      %jit3A_224 = arith.constant 0.000000e+00 : f32
      %broadcast_in_dim3A_225 = vector.shape_cast %eq3A_223 : vector<10000x1xi1> to vector<10000x1xi1>
      %broadcast_in_dim3A_226 = vector.broadcast %broadcast_in_dim3A_225 : vector<10000x1xi1> to vector<10000x32xi1>
      %broadcast_in_dim3A_227 = vector.broadcast %jit3A_224 : f32 to vector<10000x32xf32>
      %select_n3A_228 = arith.select %broadcast_in_dim3A_226, %max3A_67, %broadcast_in_dim3A_227 : vector<10000x32xi1>, vector<10000x32xf32>
      %reduce_sum3A_229 = arith.constant dense<0.000000e+00> : vector<32xf32>
      %reduce_sum3A_230 = vector.multi_reduction <add>, %select_n3A_228, %reduce_sum3A_229 [0] : vector<10000x32xf32> to vector<32xf32>
      %broadcast_in_dim3A_231 = vector.shape_cast %reduce_sum3A_230 : vector<32xf32> to vector<1x32xf32>
      %swap3A_232 = arith.index_cast %scan3A_221 : i32 to index
      %swap3A_233 = arith.constant 0 : index
      %swap3A_234 = vector.load %arg16[%swap3A_232, %swap3A_233] : memref<64x32xf32, #tpu.memory_space<vmem>>, vector<1x32xf32>
      tpu.vector_store %arg16[%swap3A_232, %swap3A_233], %broadcast_in_dim3A_231 {strides = array<i32>} : memref<64x32xf32, #tpu.memory_space<vmem>>, vector<1x32xf32>,
    }
    %scan3A_81 = arith.constant 64 : i32
    %get3A_82 = arith.constant 0 : index
    %get3A_83 = arith.constant 0 : index
    %get3A_84 = vector.load %arg16[%get3A_82, %get3A_83] : memref<64x32xf32, #tpu.memory_space<vmem>>, vector<64x32xf32>
    %div3A = vector.broadcast %reshape3A : vector<64x1xf32> to vector<64x32xf32>
    %div3A_85 = arith.divf %get3A_84, %div3A : vector<64x32xf32>
    %swap3A = arith.constant 0 : index
    %swap3A_86 = arith.constant 0 : index
    %swap3A_87 = vector.load %arg16[%swap3A, %swap3A_86] : memref<64x32xf32, #tpu.memory_space<vmem>>, vector<64x32xf32>
    tpu.vector_store %arg16[%swap3A, %swap3A_86], %div3A_85 {strides = array<i32>} : memref<64x32xf32, #tpu.memory_space<vmem>>, vector<64x32xf32>,
    %broadcast_in_dim3A_88 = arith.constant 0.000000e+00 : f32
    %broadcast_in_dim3A_89 = vector.broadcast %broadcast_in_dim3A_88 : f32 to vector<10000x32xf32>
    %scan3A_90 = arith.constant 0 : i32
    %scan3A_91 = arith.constant 64 : i32
    %scan3A_92 = arith.addi %scan3A_90, %scan3A_91 : i32
    %scan3A_93 = arith.constant 1 : i32
    %scan3A_94 = scf.for %scan3A_221 = %scan3A_90 to %scan3A_92 step %scan3A_93 iter_args(%scan3A_222 = %broadcast_in_dim3A_89) -> (vector<10000x32xf32>)  : i32 {
      %eq3A_223 = vector.broadcast %scan3A_221 : i32 to vector<10000x1xi32>
      %eq3A_224 = arith.cmpi eq, %get3A_4, %eq3A_223 : vector<10000x1xi32>
      %get3A_225 = arith.index_cast %scan3A_221 : i32 to index
      %get3A_226 = arith.constant 0 : index
      %get3A_227 = vector.load %arg16[%get3A_225, %get3A_226] : memref<64x32xf32, #tpu.memory_space<vmem>>, vector<1x32xf32>
      %broadcast_in_dim3A_228 = vector.shape_cast %eq3A_224 : vector<10000x1xi1> to vector<10000x1xi1>
      %broadcast_in_dim3A_229 = vector.broadcast %broadcast_in_dim3A_228 : vector<10000x1xi1> to vector<10000x32xi1>
      %broadcast_in_dim3A_230 = vector.shape_cast %get3A_227 : vector<1x32xf32> to vector<1x32xf32>
      %broadcast_in_dim3A_231 = vector.broadcast %broadcast_in_dim3A_230 : vector<1x32xf32> to vector<10000x32xf32>
      %select_n3A_232 = arith.select %broadcast_in_dim3A_229, %broadcast_in_dim3A_231, %scan3A_222 : vector<10000x32xi1>, vector<10000x32xf32>
      scf.yield %select_n3A_232 : vector<10000x32xf32>
    }
    %scan3A_95 = arith.constant 64 : i32
    %sub3A = arith.subf %max3A_67, %scan3A_94 : vector<10000x32xf32>
    %mul3A_96 = arith.mulf %sub3A, %sub3A : vector<10000x32xf32>
    %scan3A_97 = arith.constant 0 : i32
    %scan3A_98 = arith.constant 64 : i32
    %scan3A_99 = arith.addi %scan3A_97, %scan3A_98 : i32
    %scan3A_100 = arith.constant 1 : i32
    scf.for %scan3A_221 = %scan3A_97 to %scan3A_99 step %scan3A_100  : i32 {
      %eq3A_222 = vector.broadcast %scan3A_221 : i32 to vector<10000x1xi32>
      %eq3A_223 = arith.cmpi eq, %get3A_4, %eq3A_222 : vector<10000x1xi32>
      %jit3A_224 = arith.constant 0.000000e+00 : f32
      %broadcast_in_dim3A_225 = vector.shape_cast %eq3A_223 : vector<10000x1xi1> to vector<10000x1xi1>
      %broadcast_in_dim3A_226 = vector.broadcast %broadcast_in_dim3A_225 : vector<10000x1xi1> to vector<10000x32xi1>
      %broadcast_in_dim3A_227 = vector.broadcast %jit3A_224 : f32 to vector<10000x32xf32>
      %select_n3A_228 = arith.select %broadcast_in_dim3A_226, %mul3A_96, %broadcast_in_dim3A_227 : vector<10000x32xi1>, vector<10000x32xf32>
      %reduce_sum3A_229 = arith.constant dense<0.000000e+00> : vector<32xf32>
      %reduce_sum3A_230 = vector.multi_reduction <add>, %select_n3A_228, %reduce_sum3A_229 [0] : vector<10000x32xf32> to vector<32xf32>
      %broadcast_in_dim3A_231 = vector.shape_cast %reduce_sum3A_230 : vector<32xf32> to vector<1x32xf32>
      %swap3A_232 = arith.index_cast %scan3A_221 : i32 to index
      %swap3A_233 = arith.constant 0 : index
      %swap3A_234 = vector.load %arg17[%swap3A_232, %swap3A_233] : memref<64x32xf32, #tpu.memory_space<vmem>>, vector<1x32xf32>
      tpu.vector_store %arg17[%swap3A_232, %swap3A_233], %broadcast_in_dim3A_231 {strides = array<i32>} : memref<64x32xf32, #tpu.memory_space<vmem>>, vector<1x32xf32>,
    }
    %scan3A_101 = arith.constant 64 : i32
    %get3A_102 = arith.constant 0 : index
    %get3A_103 = arith.constant 0 : index
    %get3A_104 = vector.load %arg17[%get3A_102, %get3A_103] : memref<64x32xf32, #tpu.memory_space<vmem>>, vector<64x32xf32>
    %div3A_105 = vector.broadcast %reshape3A : vector<64x1xf32> to vector<64x32xf32>
    %div3A_106 = arith.divf %get3A_104, %div3A_105 : vector<64x32xf32>
    %add3A_107 = arith.constant 9.99999974E-6 : f32
    %add3A_108 = vector.broadcast %add3A_107 : f32 to vector<64x32xf32>
    %add3A_109 = arith.addf %div3A_106, %add3A_108 : vector<64x32xf32>
    %rsqrt3A = math.rsqrt %add3A_109 : vector<64x32xf32>
    %mul3A_110 = arith.constant 5.000000e-01 : f32
    %mul3A_111 = vector.broadcast %mul3A_110 : f32 to vector<64x32xf32>
    %mul3A_112 = arith.mulf %mul3A_111, %add3A_109 : vector<64x32xf32>
    %mul3A_113 = arith.mulf %mul3A_112, %rsqrt3A : vector<64x32xf32>
    %mul3A_114 = arith.mulf %mul3A_113, %rsqrt3A : vector<64x32xf32>
    %sub3A_115 = arith.constant 1.500000e+00 : f32
    %sub3A_116 = vector.broadcast %sub3A_115 : f32 to vector<64x32xf32>
    %sub3A_117 = arith.subf %sub3A_116, %mul3A_114 : vector<64x32xf32>
    %mul3A_118 = arith.mulf %rsqrt3A, %sub3A_117 : vector<64x32xf32>
    %mul3A_119 = arith.constant 5.000000e-01 : f32
    %mul3A_120 = vector.broadcast %mul3A_119 : f32 to vector<64x32xf32>
    %mul3A_121 = arith.mulf %mul3A_120, %add3A_109 : vector<64x32xf32>
    %mul3A_122 = arith.mulf %mul3A_121, %mul3A_118 : vector<64x32xf32>
    %mul3A_123 = arith.mulf %mul3A_122, %mul3A_118 : vector<64x32xf32>
    %sub3A_124 = arith.constant 1.500000e+00 : f32
    %sub3A_125 = vector.broadcast %sub3A_124 : f32 to vector<64x32xf32>
    %sub3A_126 = arith.subf %sub3A_125, %mul3A_123 : vector<64x32xf32>
    %mul3A_127 = arith.mulf %mul3A_118, %sub3A_126 : vector<64x32xf32>
    %get3A_128 = arith.constant 0 : index
    %get3A_129 = arith.constant 0 : index
    %get3A_130 = vector.load %arg7[%get3A_128, %get3A_129] : memref<1x32xf32, #tpu.memory_space<vmem>>, vector<1x32xf32>
    %mul3A_131 = vector.broadcast %get3A_130 : vector<1x32xf32> to vector<64x32xf32>
    %mul3A_132 = arith.mulf %mul3A_131, %mul3A_127 : vector<64x32xf32>
    %swap3A_133 = arith.constant 0 : index
    %swap3A_134 = arith.constant 0 : index
    %swap3A_135 = vector.load %arg17[%swap3A_133, %swap3A_134] : memref<64x32xf32, #tpu.memory_space<vmem>>, vector<64x32xf32>
    tpu.vector_store %arg17[%swap3A_133, %swap3A_134], %mul3A_132 {strides = array<i32>} : memref<64x32xf32, #tpu.memory_space<vmem>>, vector<64x32xf32>,
    %broadcast_in_dim3A_136 = arith.constant 0.000000e+00 : f32
    %broadcast_in_dim3A_137 = vector.broadcast %broadcast_in_dim3A_136 : f32 to vector<10000x32xf32>
    %scan3A_138 = arith.constant 0 : i32
    %scan3A_139 = arith.constant 64 : i32
    %scan3A_140 = arith.addi %scan3A_138, %scan3A_139 : i32
    %scan3A_141 = arith.constant 1 : i32
    %scan3A_142 = scf.for %scan3A_221 = %scan3A_138 to %scan3A_140 step %scan3A_141 iter_args(%scan3A_222 = %broadcast_in_dim3A_137) -> (vector<10000x32xf32>)  : i32 {
      %eq3A_223 = vector.broadcast %scan3A_221 : i32 to vector<10000x1xi32>
      %eq3A_224 = arith.cmpi eq, %get3A_4, %eq3A_223 : vector<10000x1xi32>
      %get3A_225 = arith.index_cast %scan3A_221 : i32 to index
      %get3A_226 = arith.constant 0 : index
      %get3A_227 = vector.load %arg17[%get3A_225, %get3A_226] : memref<64x32xf32, #tpu.memory_space<vmem>>, vector<1x32xf32>
      %broadcast_in_dim3A_228 = vector.shape_cast %eq3A_224 : vector<10000x1xi1> to vector<10000x1xi1>
      %broadcast_in_dim3A_229 = vector.broadcast %broadcast_in_dim3A_228 : vector<10000x1xi1> to vector<10000x32xi1>
      %broadcast_in_dim3A_230 = vector.shape_cast %get3A_227 : vector<1x32xf32> to vector<1x32xf32>
      %broadcast_in_dim3A_231 = vector.broadcast %broadcast_in_dim3A_230 : vector<1x32xf32> to vector<10000x32xf32>
      %select_n3A_232 = arith.select %broadcast_in_dim3A_229, %broadcast_in_dim3A_231, %scan3A_222 : vector<10000x32xi1>, vector<10000x32xf32>
      scf.yield %select_n3A_232 : vector<10000x32xf32>
    }
    %scan3A_143 = arith.constant 64 : i32
    %mul3A_144 = arith.mulf %sub3A, %scan3A_142 : vector<10000x32xf32>
    %get3A_145 = arith.constant 0 : index
    %get3A_146 = arith.constant 0 : index
    %get3A_147 = vector.load %arg8[%get3A_145, %get3A_146] : memref<1x32xf32, #tpu.memory_space<vmem>>, vector<1x32xf32>
    %add3A_148 = vector.broadcast %get3A_147 : vector<1x32xf32> to vector<10000x32xf32>
    %add3A_149 = arith.addf %mul3A_144, %add3A_148 : vector<10000x32xf32>
    %get3A_150 = arith.constant 0 : index
    %get3A_151 = arith.constant 0 : index
    %get3A_152 = vector.load %arg9[%get3A_150, %get3A_151] : memref<32x96xf32, #tpu.memory_space<vmem>>, vector<32x96xf32>
    %dot_general3A_153 = arith.constant dense<0.000000e+00> : vector<10000x96xf32>
    %dot_general3A_154 = tpu.matmul %add3A_149, %get3A_152, %dot_general3A_153 {dimension_numbers = #tpu.dot_dimension_numbers<[1], [0], [0], [1], [0, 0, 1, 1], [], []>, transpose_lhs_hint = false} : vector<10000x32xf32>, vector<32x96xf32>, vector<10000x96xf32> -> vector<10000x96xf32>
    %get3A_155 = arith.constant 0 : index
    %get3A_156 = arith.constant 0 : index
    %get3A_157 = vector.load %arg10[%get3A_155, %get3A_156] : memref<1x96xf32, #tpu.memory_space<vmem>>, vector<1x96xf32>
    %add3A_158 = vector.broadcast %get3A_157 : vector<1x96xf32> to vector<10000x96xf32>
    %add3A_159 = arith.addf %dot_general3A_154, %add3A_158 : vector<10000x96xf32>
    %swap3A_160 = arith.constant 0 : index
    %swap3A_161 = arith.constant 0 : index
    %swap3A_162 = vector.load %arg13[%swap3A_160, %swap3A_161] : memref<10000x96xf32, #tpu.memory_space<vmem>>, vector<10000x96xf32>
    tpu.vector_store %arg13[%swap3A_160, %swap3A_161], %add3A_159 {strides = array<i32>} : memref<10000x96xf32, #tpu.memory_space<vmem>>, vector<10000x96xf32>,
    %get3A_163 = arith.constant 0 : index
    %get3A_164 = arith.constant 0 : index
    %get3A_165 = vector.load %arg11[%get3A_163, %get3A_164] : memref<32x96xf32, #tpu.memory_space<vmem>>, vector<32x96xf32>
    %dot_general3A_166 = arith.constant dense<0.000000e+00> : vector<10000x96xf32>
    %dot_general3A_167 = tpu.matmul %add3A_149, %get3A_165, %dot_general3A_166 {dimension_numbers = #tpu.dot_dimension_numbers<[1], [0], [0], [1], [0, 0, 1, 1], [], []>, transpose_lhs_hint = false} : vector<10000x32xf32>, vector<32x96xf32>, vector<10000x96xf32> -> vector<10000x96xf32>
    %get3A_168 = arith.constant 0 : index
    %get3A_169 = arith.constant 0 : index
    %get3A_170 = vector.load %arg12[%get3A_168, %get3A_169] : memref<1x96xf32, #tpu.memory_space<vmem>>, vector<1x96xf32>
    %add3A_171 = vector.broadcast %get3A_170 : vector<1x96xf32> to vector<10000x96xf32>
    %add3A_172 = arith.addf %dot_general3A_167, %add3A_171 : vector<10000x96xf32>
    %swap3A_173 = arith.constant 0 : index
    %swap3A_174 = arith.constant 0 : index
    %swap3A_175 = vector.load %arg14[%swap3A_173, %swap3A_174] : memref<10000x96xf32, #tpu.memory_space<vmem>>, vector<10000x96xf32>
    tpu.vector_store %arg14[%swap3A_173, %swap3A_174], %add3A_172 {strides = array<i32>} : memref<10000x96xf32, #tpu.memory_space<vmem>>, vector<10000x96xf32>,
    %get3A_176 = arith.constant 0 : index
    %get3A_177 = arith.constant 0 : index
    %get3A_178 = vector.load %arg2[%get3A_176, %get3A_177] : memref<5000x128xf32, #tpu.memory_space<vmem>>, vector<5000x128xf32>
    %reduce_sum3A_179 = arith.constant dense<0.000000e+00> : vector<128xf32>
    %reduce_sum3A_180 = vector.multi_reduction <add>, %get3A_178, %reduce_sum3A_179 [0] : vector<5000x128xf32> to vector<128xf32>
    %broadcast_in_dim3A_181 = vector.shape_cast %reduce_sum3A_180 : vector<128xf32> to vector<1x128xf32>
    %iota3A_182 = tpu.iota {dimensions = array<i32: 1>} : vector<1x128xi32>
    %jit3A = arith.constant 2 : i32
    %eq3A_183 = arith.constant 0 : i32
    %eq3A_184 = arith.cmpi eq, %jit3A, %eq3A_183 : i32
    %jit3A_185 = arith.constant 1 : i32
    %select_n3A = arith.select %eq3A_184, %jit3A_185, %jit3A : i32
    %rem3A = vector.broadcast %select_n3A : i32 to vector<1x128xi32>
    %rem3A_186 = arith.remsi %iota3A_182, %rem3A : vector<1x128xi32>
    %ne3A = arith.constant 0 : i32
    %ne3A_187 = vector.broadcast %ne3A : i32 to vector<1x128xi32>
    %ne3A_188 = arith.cmpi ne, %rem3A_186, %ne3A_187 : vector<1x128xi32>
    %lt3A = arith.constant 0 : i32
    %lt3A_189 = vector.broadcast %lt3A : i32 to vector<1x128xi32>
    %lt3A_190 = arith.cmpi slt, %rem3A_186, %lt3A_189 : vector<1x128xi32>
    %lt3A_191 = arith.constant 0 : i32
    %lt3A_192 = arith.cmpi slt, %select_n3A, %lt3A_191 : i32
    %ne3A_193 = vector.broadcast %lt3A_192 : i1 to vector<1x128xi1>
    %ne3A_194 = vector.broadcast %ne3A_193 : vector<1x128xi1> to vector<1x128xi1>
    %ne3A_195 = arith.xori %lt3A_190, %ne3A_194 : vector<1x128xi1>
    %and3A = arith.andi %ne3A_195, %ne3A_188 : vector<1x128xi1>
    %add3A_196 = vector.broadcast %select_n3A : i32 to vector<1x128xi32>
    %add3A_197 = arith.addi %rem3A_186, %add3A_196 : vector<1x128xi32>
    %select_n3A_198 = arith.select %and3A, %add3A_197, %rem3A_186 : vector<1x128xi1>, vector<1x128xi32>
    %eq3A_199 = arith.constant 0 : i32
    %eq3A_200 = vector.broadcast %eq3A_199 : i32 to vector<1x128xi32>
    %eq3A_201 = arith.cmpi eq, %select_n3A_198, %eq3A_200 : vector<1x128xi32>
    %jit3A_202 = arith.constant 0.000000e+00 : f32
    %broadcast_in_dim3A_203 = vector.broadcast %jit3A_202 : f32 to vector<1x128xf32>
    %select_n3A_204 = arith.select %eq3A_201, %broadcast_in_dim3A_181, %broadcast_in_dim3A_203 : vector<1x128xi1>, vector<1x128xf32>
    %reduce_sum3A_205 = arith.constant dense<0.000000e+00> : vector<1xf32>
    %reduce_sum3A_206 = vector.multi_reduction <add>, %select_n3A_204, %reduce_sum3A_205 [1] : vector<1x128xf32> to vector<1xf32>
    %broadcast_in_dim3A_207 = vector.shape_cast %reduce_sum3A_206 : vector<1xf32> to vector<1x1xf32>
    %jit3A_208 = arith.constant 0.000000e+00 : f32
    %broadcast_in_dim3A_209 = vector.broadcast %jit3A_208 : f32 to vector<1x128xf32>
    %select_n3A_210 = arith.select %eq3A_201, %broadcast_in_dim3A_209, %broadcast_in_dim3A_181 : vector<1x128xi1>, vector<1x128xf32>
    %reduce_sum3A_211 = arith.constant dense<0.000000e+00> : vector<1xf32>
    %reduce_sum3A_212 = vector.multi_reduction <add>, %select_n3A_210, %reduce_sum3A_211 [1] : vector<1x128xf32> to vector<1xf32>
    %broadcast_in_dim3A_213 = vector.shape_cast %reduce_sum3A_212 : vector<1xf32> to vector<1x1xf32>
    %concatenate3A_214 = tpu.concatenate %broadcast_in_dim3A_207, %broadcast_in_dim3A_213 in 1 : vector<1x1xf32>, vector<1x1xf32> -> vector<1x2xf32>
    %mul3A_215 = arith.constant 3.125000e-06 : f32
    %mul3A_216 = vector.broadcast %mul3A_215 : f32 to vector<1x2xf32>
    %mul3A_217 = arith.mulf %concatenate3A_214, %mul3A_216 : vector<1x2xf32>
    %swap3A_218 = arith.constant 0 : index
    %swap3A_219 = arith.constant 0 : index
    %swap3A_220 = vector.load %arg15[%swap3A_218, %swap3A_219] : memref<1x2xf32, #tpu.memory_space<vmem>>, vector<1x2xf32>
    tpu.vector_store %arg15[%swap3A_218, %swap3A_219], %mul3A_217 {strides = array<i32>} : memref<1x2xf32, #tpu.memory_space<vmem>>, vector<1x2xf32>,
    return
  }
}

module attributes {stable_mosaic.version = 14 : i64} {
  func.func @_mid_body(%arg0: memref<2x10112x112xf32, #tpu.memory_space<vmem>>, %arg1: memref<10000x96xf32, #tpu.memory_space<vmem>>, %arg2: memref<10000x96xf32, #tpu.memory_space<vmem>>, %arg3: memref<2x1xf32, #tpu.memory_space<vmem>>, %arg4: memref<2x96xf32, #tpu.memory_space<vmem>>, %arg5: memref<1x96xf32, #tpu.memory_space<vmem>>, %arg6: memref<1x96xf32, #tpu.memory_space<vmem>>, %arg7: memref<96x48xf32, #tpu.memory_space<vmem>>, %arg8: memref<1x48xf32, #tpu.memory_space<vmem>>, %arg9: memref<96x48xf32, #tpu.memory_space<vmem>>, %arg10: memref<1x48xf32, #tpu.memory_space<vmem>>, %arg11: memref<2x48xf32, #tpu.memory_space<vmem>>, %arg12: memref<1x48xf32, #tpu.memory_space<vmem>>, %arg13: memref<10000x48xf32, #tpu.memory_space<vmem>>, %arg14: memref<10000x48xf32, #tpu.memory_space<vmem>>, %arg15: memref<10000x48xf32, #tpu.memory_space<vmem>>, %arg16: memref<10000x1xf32, #tpu.memory_space<vmem>>) attributes {dimension_semantics = [], scalar_prefetch = 0 : i64, scratch_operands = 0 : i64, tpu.core_type = #tpu.core_type<tc>} {
    %get3A = arith.constant 0 : index
    %get3A_0 = arith.constant 0 : index
    %get3A_1 = arith.constant 0 : index
    %get3A_2 = vector.load %arg0[%get3A, %get3A_0, %get3A_1] : memref<2x10112x112xf32, #tpu.memory_space<vmem>>, vector<1x10000x96xf32>
    %get3A_3 = vector.shape_cast %get3A_2 : vector<1x10000x96xf32> to vector<10000x96xf32>
    %get3A_4 = arith.constant 1 : index
    %get3A_5 = arith.constant 0 : index
    %get3A_6 = arith.constant 0 : index
    %get3A_7 = vector.load %arg0[%get3A_4, %get3A_5, %get3A_6] : memref<2x10112x112xf32, #tpu.memory_space<vmem>>, vector<1x10000x96xf32>
    %get3A_8 = vector.shape_cast %get3A_7 : vector<1x10000x96xf32> to vector<10000x96xf32>
    %add3A = arith.addf %get3A_3, %get3A_8 : vector<10000x96xf32>
    %get3A_9 = arith.constant 0 : index
    %get3A_10 = arith.constant 0 : index
    %get3A_11 = arith.constant 96 : index
    %get3A_12 = vector.load %arg0[%get3A_9, %get3A_10, %get3A_11] : memref<2x10112x112xf32, #tpu.memory_space<vmem>>, vector<1x10000x2xf32>
    %get3A_13 = vector.shape_cast %get3A_12 : vector<1x10000x2xf32> to vector<10000x2xf32>
    %get3A_14 = arith.constant 1 : index
    %get3A_15 = arith.constant 0 : index
    %get3A_16 = arith.constant 96 : index
    %get3A_17 = vector.load %arg0[%get3A_14, %get3A_15, %get3A_16] : memref<2x10112x112xf32, #tpu.memory_space<vmem>>, vector<1x10000x2xf32>
    %get3A_18 = vector.shape_cast %get3A_17 : vector<1x10000x2xf32> to vector<10000x2xf32>
    %add3A_19 = arith.addf %get3A_13, %get3A_18 : vector<10000x2xf32>
    %get3A_20 = arith.constant 0 : index
    %get3A_21 = arith.constant 0 : index
    %get3A_22 = vector.load %arg1[%get3A_20, %get3A_21] : memref<10000x96xf32, #tpu.memory_space<vmem>>, vector<10000x96xf32>
    %get3A_23 = arith.constant 0 : index
    %get3A_24 = arith.constant 0 : index
    %get3A_25 = vector.load %arg2[%get3A_23, %get3A_24] : memref<10000x96xf32, #tpu.memory_space<vmem>>, vector<10000x96xf32>
    %get3A_26 = arith.constant 0 : index
    %get3A_27 = arith.constant 0 : index
    %get3A_28 = vector.load %arg3[%get3A_26, %get3A_27] : memref<2x1xf32, #tpu.memory_space<vmem>>, vector<2x1xf32>
    %get3A_29 = arith.constant 0 : index
    %get3A_30 = arith.constant 0 : index
    %get3A_31 = vector.load %arg4[%get3A_29, %get3A_30] : memref<2x96xf32, #tpu.memory_space<vmem>>, vector<2x96xf32>
    %mul3A = vector.broadcast %get3A_28 : vector<2x1xf32> to vector<2x96xf32>
    %mul3A_32 = arith.mulf %mul3A, %get3A_31 : vector<2x96xf32>
    %reduce_sum3A = arith.constant dense<0.000000e+00> : vector<96xf32>
    %reduce_sum3A_33 = vector.multi_reduction <add>, %mul3A_32, %reduce_sum3A [0] : vector<2x96xf32> to vector<96xf32>
    %broadcast_in_dim3A = vector.shape_cast %reduce_sum3A_33 : vector<96xf32> to vector<1x96xf32>
    %add3A_34 = arith.addf %get3A_22, %get3A_25 : vector<10000x96xf32>
    %add3A_35 = vector.broadcast %broadcast_in_dim3A : vector<1x96xf32> to vector<10000x96xf32>
    %add3A_36 = arith.addf %add3A_34, %add3A_35 : vector<10000x96xf32>
    %mul3A_37 = arith.constant 2.000000e-01 : f32
    %mul3A_38 = vector.broadcast %mul3A_37 : f32 to vector<10000x96xf32>
    %mul3A_39 = arith.mulf %mul3A_38, %add3A_36 : vector<10000x96xf32>
    %max3A = arith.maximumf %add3A_36, %mul3A_39 : vector<10000x96xf32>
    %get3A_40 = arith.constant 0 : index
    %get3A_41 = arith.constant 0 : index
    %get3A_42 = vector.load %arg5[%get3A_40, %get3A_41] : memref<1x96xf32, #tpu.memory_space<vmem>>, vector<1x96xf32>
    %mul3A_43 = vector.broadcast %get3A_42 : vector<1x96xf32> to vector<10000x96xf32>
    %mul3A_44 = arith.mulf %max3A, %mul3A_43 : vector<10000x96xf32>
    %slice3A = vector.extract_strided_slice %mul3A_44 {offsets = [0, 0], sizes = [10000, 48], strides = [1, 1]} : vector<10000x96xf32> to vector<10000x48xf32>
    %reduce_sum3A_45 = arith.constant dense<0.000000e+00> : vector<10000xf32>
    %reduce_sum3A_46 = vector.multi_reduction <add>, %slice3A, %reduce_sum3A_45 [1] : vector<10000x48xf32> to vector<10000xf32>
    %broadcast_in_dim3A_47 = vector.shape_cast %reduce_sum3A_46 : vector<10000xf32> to vector<10000x1xf32>
    %exp3A = math.exp %broadcast_in_dim3A_47 : vector<10000x1xf32>
    %slice3A_48 = vector.extract_strided_slice %mul3A_44 {offsets = [0, 48], sizes = [10000, 48], strides = [1, 1]} : vector<10000x96xf32> to vector<10000x48xf32>
    %reduce_sum3A_49 = arith.constant dense<0.000000e+00> : vector<10000xf32>
    %reduce_sum3A_50 = vector.multi_reduction <add>, %slice3A_48, %reduce_sum3A_49 [1] : vector<10000x48xf32> to vector<10000xf32>
    %broadcast_in_dim3A_51 = vector.shape_cast %reduce_sum3A_50 : vector<10000xf32> to vector<10000x1xf32>
    %exp3A_52 = math.exp %broadcast_in_dim3A_51 : vector<10000x1xf32>
    %slice3A_53 = vector.extract_strided_slice %get3A_22 {offsets = [0, 0], sizes = [10000, 48], strides = [1, 1]} : vector<10000x96xf32> to vector<10000x48xf32>
    %mul3A_54 = vector.broadcast %exp3A : vector<10000x1xf32> to vector<10000x48xf32>
    %mul3A_55 = arith.mulf %slice3A_53, %mul3A_54 : vector<10000x48xf32>
    %slice3A_56 = vector.extract_strided_slice %get3A_22 {offsets = [0, 48], sizes = [10000, 48], strides = [1, 1]} : vector<10000x96xf32> to vector<10000x48xf32>
    %mul3A_57 = vector.broadcast %exp3A_52 : vector<10000x1xf32> to vector<10000x48xf32>
    %mul3A_58 = arith.mulf %slice3A_56, %mul3A_57 : vector<10000x48xf32>
    %concatenate3A = tpu.concatenate %mul3A_55, %mul3A_58 in 1 : vector<10000x48xf32>, vector<10000x48xf32> -> vector<10000x96xf32>
    %add3A_59 = arith.addf %add3A, %concatenate3A : vector<10000x96xf32>
    %slice3A_60 = vector.extract_strided_slice %add3A_19 {offsets = [0, 0], sizes = [10000, 1], strides = [1, 1]} : vector<10000x2xf32> to vector<10000x1xf32>
    %add3A_61 = arith.addf %slice3A_60, %exp3A : vector<10000x1xf32>
    %add3A_62 = arith.constant 1.000000e-16 : f32
    %add3A_63 = vector.broadcast %add3A_62 : f32 to vector<10000x1xf32>
    %add3A_64 = arith.addf %add3A_61, %add3A_63 : vector<10000x1xf32>
    %slice3A_65 = vector.extract_strided_slice %add3A_19 {offsets = [0, 1], sizes = [10000, 1], strides = [1, 1]} : vector<10000x2xf32> to vector<10000x1xf32>
    %add3A_66 = arith.addf %slice3A_65, %exp3A_52 : vector<10000x1xf32>
    %add3A_67 = arith.constant 1.000000e-16 : f32
    %add3A_68 = vector.broadcast %add3A_67 : f32 to vector<10000x1xf32>
    %add3A_69 = arith.addf %add3A_66, %add3A_68 : vector<10000x1xf32>
    %slice3A_70 = vector.extract_strided_slice %add3A_59 {offsets = [0, 0], sizes = [10000, 48], strides = [1, 1]} : vector<10000x96xf32> to vector<10000x48xf32>
    %div3A = vector.broadcast %add3A_64 : vector<10000x1xf32> to vector<10000x48xf32>
    %div3A_71 = arith.divf %slice3A_70, %div3A : vector<10000x48xf32>
    %slice3A_72 = vector.extract_strided_slice %add3A_59 {offsets = [0, 48], sizes = [10000, 48], strides = [1, 1]} : vector<10000x96xf32> to vector<10000x48xf32>
    %div3A_73 = vector.broadcast %add3A_69 : vector<10000x1xf32> to vector<10000x48xf32>
    %div3A_74 = arith.divf %slice3A_72, %div3A_73 : vector<10000x48xf32>
    %concatenate3A_75 = tpu.concatenate %div3A_71, %div3A_74 in 1 : vector<10000x48xf32>, vector<10000x48xf32> -> vector<10000x96xf32>
    %get3A_76 = arith.constant 0 : index
    %get3A_77 = arith.constant 0 : index
    %get3A_78 = vector.load %arg6[%get3A_76, %get3A_77] : memref<1x96xf32, #tpu.memory_space<vmem>>, vector<1x96xf32>
    %add3A_79 = vector.broadcast %get3A_78 : vector<1x96xf32> to vector<10000x96xf32>
    %add3A_80 = arith.addf %concatenate3A_75, %add3A_79 : vector<10000x96xf32>
    %gt3A = arith.constant 0.000000e+00 : f32
    %gt3A_81 = vector.broadcast %gt3A : f32 to vector<10000x96xf32>
    %gt3A_82 = arith.cmpf ogt, %add3A_80, %gt3A_81 : vector<10000x96xf32>
    %min3A = arith.constant 0.000000e+00 : f32
    %min3A_83 = vector.broadcast %min3A : f32 to vector<10000x96xf32>
    %min3A_84 = arith.minimumf %add3A_80, %min3A_83 : vector<10000x96xf32>
    %exp3A_85 = math.exp %min3A_84 : vector<10000x96xf32>
    %sub3A = arith.constant 1.000000e+00 : f32
    %sub3A_86 = vector.broadcast %sub3A : f32 to vector<10000x96xf32>
    %sub3A_87 = arith.subf %exp3A_85, %sub3A_86 : vector<10000x96xf32>
    %select_n3A = arith.select %gt3A_82, %add3A_80, %sub3A_87 : vector<10000x96xi1>, vector<10000x96xf32>
    %get3A_88 = arith.constant 0 : index
    %get3A_89 = arith.constant 0 : index
    %get3A_90 = vector.load %arg7[%get3A_88, %get3A_89] : memref<96x48xf32, #tpu.memory_space<vmem>>, vector<96x48xf32>
    %dot_general3A = arith.constant dense<0.000000e+00> : vector<10000x48xf32>
    %dot_general3A_91 = tpu.matmul %select_n3A, %get3A_90, %dot_general3A {dimension_numbers = #tpu.dot_dimension_numbers<[1], [0], [0], [1], [0, 0, 1, 1], [], []>, transpose_lhs_hint = false} : vector<10000x96xf32>, vector<96x48xf32>, vector<10000x48xf32> -> vector<10000x48xf32>
    %get3A_92 = arith.constant 0 : index
    %get3A_93 = arith.constant 0 : index
    %get3A_94 = vector.load %arg8[%get3A_92, %get3A_93] : memref<1x48xf32, #tpu.memory_space<vmem>>, vector<1x48xf32>
    %add3A_95 = vector.broadcast %get3A_94 : vector<1x48xf32> to vector<10000x48xf32>
    %add3A_96 = arith.addf %dot_general3A_91, %add3A_95 : vector<10000x48xf32>
    %get3A_97 = arith.constant 0 : index
    %get3A_98 = arith.constant 0 : index
    %get3A_99 = vector.load %arg9[%get3A_97, %get3A_98] : memref<96x48xf32, #tpu.memory_space<vmem>>, vector<96x48xf32>
    %dot_general3A_100 = arith.constant dense<0.000000e+00> : vector<10000x48xf32>
    %dot_general3A_101 = tpu.matmul %select_n3A, %get3A_99, %dot_general3A_100 {dimension_numbers = #tpu.dot_dimension_numbers<[1], [0], [0], [1], [0, 0, 1, 1], [], []>, transpose_lhs_hint = false} : vector<10000x96xf32>, vector<96x48xf32>, vector<10000x48xf32> -> vector<10000x48xf32>
    %get3A_102 = arith.constant 0 : index
    %get3A_103 = arith.constant 0 : index
    %get3A_104 = vector.load %arg10[%get3A_102, %get3A_103] : memref<1x48xf32, #tpu.memory_space<vmem>>, vector<1x48xf32>
    %add3A_105 = vector.broadcast %get3A_104 : vector<1x48xf32> to vector<10000x48xf32>
    %add3A_106 = arith.addf %dot_general3A_101, %add3A_105 : vector<10000x48xf32>
    %get3A_107 = arith.constant 0 : index
    %get3A_108 = arith.constant 0 : index
    %get3A_109 = vector.load %arg11[%get3A_107, %get3A_108] : memref<2x48xf32, #tpu.memory_space<vmem>>, vector<2x48xf32>
    %mul3A_110 = vector.broadcast %get3A_28 : vector<2x1xf32> to vector<2x48xf32>
    %mul3A_111 = arith.mulf %mul3A_110, %get3A_109 : vector<2x48xf32>
    %reduce_sum3A_112 = arith.constant dense<0.000000e+00> : vector<48xf32>
    %reduce_sum3A_113 = vector.multi_reduction <add>, %mul3A_111, %reduce_sum3A_112 [0] : vector<2x48xf32> to vector<48xf32>
    %broadcast_in_dim3A_114 = vector.shape_cast %reduce_sum3A_113 : vector<48xf32> to vector<1x48xf32>
    %add3A_115 = arith.addf %add3A_96, %add3A_106 : vector<10000x48xf32>
    %add3A_116 = vector.broadcast %broadcast_in_dim3A_114 : vector<1x48xf32> to vector<10000x48xf32>
    %add3A_117 = arith.addf %add3A_115, %add3A_116 : vector<10000x48xf32>
    %mul3A_118 = arith.constant 2.000000e-01 : f32
    %mul3A_119 = vector.broadcast %mul3A_118 : f32 to vector<10000x48xf32>
    %mul3A_120 = arith.mulf %mul3A_119, %add3A_117 : vector<10000x48xf32>
    %max3A_121 = arith.maximumf %add3A_117, %mul3A_120 : vector<10000x48xf32>
    %get3A_122 = arith.constant 0 : index
    %get3A_123 = arith.constant 0 : index
    %get3A_124 = vector.load %arg12[%get3A_122, %get3A_123] : memref<1x48xf32, #tpu.memory_space<vmem>>, vector<1x48xf32>
    %mul3A_125 = vector.broadcast %get3A_124 : vector<1x48xf32> to vector<10000x48xf32>
    %mul3A_126 = arith.mulf %max3A_121, %mul3A_125 : vector<10000x48xf32>
    %reduce_sum3A_127 = arith.constant dense<0.000000e+00> : vector<10000xf32>
    %reduce_sum3A_128 = vector.multi_reduction <add>, %mul3A_126, %reduce_sum3A_127 [1] : vector<10000x48xf32> to vector<10000xf32>
    %broadcast_in_dim3A_129 = vector.shape_cast %reduce_sum3A_128 : vector<10000xf32> to vector<10000x1xf32>
    %exp3A_130 = math.exp %broadcast_in_dim3A_129 : vector<10000x1xf32>
    %swap3A = arith.constant 0 : index
    %swap3A_131 = arith.constant 0 : index
    %swap3A_132 = vector.load %arg13[%swap3A, %swap3A_131] : memref<10000x48xf32, #tpu.memory_space<vmem>>, vector<10000x48xf32>
    tpu.vector_store %arg13[%swap3A, %swap3A_131], %add3A_96 {strides = array<i32>} : memref<10000x48xf32, #tpu.memory_space<vmem>>, vector<10000x48xf32>,
    %swap3A_133 = arith.constant 0 : index
    %swap3A_134 = arith.constant 0 : index
    %swap3A_135 = vector.load %arg14[%swap3A_133, %swap3A_134] : memref<10000x48xf32, #tpu.memory_space<vmem>>, vector<10000x48xf32>
    tpu.vector_store %arg14[%swap3A_133, %swap3A_134], %add3A_106 {strides = array<i32>} : memref<10000x48xf32, #tpu.memory_space<vmem>>, vector<10000x48xf32>,
    %mul3A_136 = vector.broadcast %exp3A_130 : vector<10000x1xf32> to vector<10000x48xf32>
    %mul3A_137 = arith.mulf %add3A_96, %mul3A_136 : vector<10000x48xf32>
    %swap3A_138 = arith.constant 0 : index
    %swap3A_139 = arith.constant 0 : index
    %swap3A_140 = vector.load %arg15[%swap3A_138, %swap3A_139] : memref<10000x48xf32, #tpu.memory_space<vmem>>, vector<10000x48xf32>
    tpu.vector_store %arg15[%swap3A_138, %swap3A_139], %mul3A_137 {strides = array<i32>} : memref<10000x48xf32, #tpu.memory_space<vmem>>, vector<10000x48xf32>,
    %swap3A_141 = arith.constant 0 : index
    %swap3A_142 = arith.constant 0 : index
    %swap3A_143 = vector.load %arg16[%swap3A_141, %swap3A_142] : memref<10000x1xf32, #tpu.memory_space<vmem>>, vector<10000x1xf32>
    tpu.vector_store %arg16[%swap3A_141, %swap3A_142], %exp3A_130 {strides = array<i32>} : memref<10000x1xf32, #tpu.memory_space<vmem>>, vector<10000x1xf32>,
    return
  }
}

module attributes {stable_mosaic.version = 14 : i64} {
  func.func @_final_body(%arg0: memref<2x10112x64xf32, #tpu.memory_space<vmem>>, %arg1: memref<10000x48xf32, #tpu.memory_space<vmem>>, %arg2: memref<10000x1xf32, #tpu.memory_space<vmem>>, %arg3: memref<1x48xf32, #tpu.memory_space<vmem>>, %arg4: memref<10000x1xi32, #tpu.memory_space<vmem>>, %arg5: memref<96x128xf32, #tpu.memory_space<vmem>>, %arg6: memref<1x128xf32, #tpu.memory_space<vmem>>, %arg7: memref<128x1xf32, #tpu.memory_space<vmem>>, %arg8: memref<1x1xf32, #tpu.memory_space<vmem>>, %arg9: memref<64x1xf32, #tpu.memory_space<vmem>>, %arg10: memref<64x48xf32, #tpu.memory_space<vmem>>) attributes {dimension_semantics = [], scalar_prefetch = 0 : i64, scratch_operands = 1 : i64, tpu.core_type = #tpu.core_type<tc>} {
    %get3A = arith.constant 0 : index
    %get3A_0 = arith.constant 0 : index
    %get3A_1 = arith.constant 0 : index
    %get3A_2 = vector.load %arg0[%get3A, %get3A_0, %get3A_1] : memref<2x10112x64xf32, #tpu.memory_space<vmem>>, vector<1x10000x48xf32>
    %get3A_3 = vector.shape_cast %get3A_2 : vector<1x10000x48xf32> to vector<10000x48xf32>
    %get3A_4 = arith.constant 1 : index
    %get3A_5 = arith.constant 0 : index
    %get3A_6 = arith.constant 0 : index
    %get3A_7 = vector.load %arg0[%get3A_4, %get3A_5, %get3A_6] : memref<2x10112x64xf32, #tpu.memory_space<vmem>>, vector<1x10000x48xf32>
    %get3A_8 = vector.shape_cast %get3A_7 : vector<1x10000x48xf32> to vector<10000x48xf32>
    %add3A = arith.addf %get3A_3, %get3A_8 : vector<10000x48xf32>
    %get3A_9 = arith.constant 0 : index
    %get3A_10 = arith.constant 0 : index
    %get3A_11 = vector.load %arg1[%get3A_9, %get3A_10] : memref<10000x48xf32, #tpu.memory_space<vmem>>, vector<10000x48xf32>
    %add3A_12 = arith.addf %add3A, %get3A_11 : vector<10000x48xf32>
    %get3A_13 = arith.constant 0 : index
    %get3A_14 = arith.constant 0 : index
    %get3A_15 = arith.constant 48 : index
    %get3A_16 = vector.load %arg0[%get3A_13, %get3A_14, %get3A_15] : memref<2x10112x64xf32, #tpu.memory_space<vmem>>, vector<1x10000x1xf32>
    %get3A_17 = vector.shape_cast %get3A_16 : vector<1x10000x1xf32> to vector<10000x1xf32>
    %get3A_18 = arith.constant 1 : index
    %get3A_19 = arith.constant 0 : index
    %get3A_20 = arith.constant 48 : index
    %get3A_21 = vector.load %arg0[%get3A_18, %get3A_19, %get3A_20] : memref<2x10112x64xf32, #tpu.memory_space<vmem>>, vector<1x10000x1xf32>
    %get3A_22 = vector.shape_cast %get3A_21 : vector<1x10000x1xf32> to vector<10000x1xf32>
    %add3A_23 = arith.addf %get3A_17, %get3A_22 : vector<10000x1xf32>
    %get3A_24 = arith.constant 0 : index
    %get3A_25 = arith.constant 0 : index
    %get3A_26 = vector.load %arg2[%get3A_24, %get3A_25] : memref<10000x1xf32, #tpu.memory_space<vmem>>, vector<10000x1xf32>
    %add3A_27 = arith.addf %add3A_23, %get3A_26 : vector<10000x1xf32>
    %add3A_28 = arith.constant 1.000000e-16 : f32
    %add3A_29 = vector.broadcast %add3A_28 : f32 to vector<10000x1xf32>
    %add3A_30 = arith.addf %add3A_27, %add3A_29 : vector<10000x1xf32>
    %div3A = vector.broadcast %add3A_30 : vector<10000x1xf32> to vector<10000x48xf32>
    %div3A_31 = arith.divf %add3A_12, %div3A : vector<10000x48xf32>
    %get3A_32 = arith.constant 0 : index
    %get3A_33 = arith.constant 0 : index
    %get3A_34 = vector.load %arg3[%get3A_32, %get3A_33] : memref<1x48xf32, #tpu.memory_space<vmem>>, vector<1x48xf32>
    %add3A_35 = vector.broadcast %get3A_34 : vector<1x48xf32> to vector<10000x48xf32>
    %add3A_36 = arith.addf %div3A_31, %add3A_35 : vector<10000x48xf32>
    %gt3A = arith.constant 0.000000e+00 : f32
    %gt3A_37 = vector.broadcast %gt3A : f32 to vector<10000x48xf32>
    %gt3A_38 = arith.cmpf ogt, %add3A_36, %gt3A_37 : vector<10000x48xf32>
    %min3A = arith.constant 0.000000e+00 : f32
    %min3A_39 = vector.broadcast %min3A : f32 to vector<10000x48xf32>
    %min3A_40 = arith.minimumf %add3A_36, %min3A_39 : vector<10000x48xf32>
    %exp3A = math.exp %min3A_40 : vector<10000x48xf32>
    %sub3A = arith.constant 1.000000e+00 : f32
    %sub3A_41 = vector.broadcast %sub3A : f32 to vector<10000x48xf32>
    %sub3A_42 = arith.subf %exp3A, %sub3A_41 : vector<10000x48xf32>
    %select_n3A = arith.select %gt3A_38, %add3A_36, %sub3A_42 : vector<10000x48xi1>, vector<10000x48xf32>
    %get3A_43 = arith.constant 0 : index
    %get3A_44 = arith.constant 0 : index
    %get3A_45 = vector.load %arg4[%get3A_43, %get3A_44] : memref<10000x1xi32, #tpu.memory_space<vmem>>, vector<10000x1xi32>
    %iota3A = tpu.iota {dimensions = array<i32: 1>} : vector<1x64xi32>
    %eq3A = vector.broadcast %get3A_45 : vector<10000x1xi32> to vector<10000x64xi32>
    %eq3A_46 = vector.broadcast %iota3A : vector<1x64xi32> to vector<10000x64xi32>
    %eq3A_47 = arith.cmpi eq, %eq3A, %eq3A_46 : vector<10000x64xi32>
    %convert_element_type3A = arith.extui %eq3A_47 : vector<10000x64xi1> to vector<10000x64xi32>
    %convert_element_type3A_48 = arith.sitofp %convert_element_type3A : vector<10000x64xi32> to vector<10000x64xf32>
    %reduce_sum3A = arith.constant dense<0.000000e+00> : vector<64xf32>
    %reduce_sum3A_49 = vector.multi_reduction <add>, %convert_element_type3A_48, %reduce_sum3A [0] : vector<10000x64xf32> to vector<64xf32>
    %broadcast_in_dim3A = vector.shape_cast %reduce_sum3A_49 : vector<64xf32> to vector<1x64xf32>
    %max3A = arith.constant 1.000000e+00 : f32
    %max3A_50 = vector.broadcast %max3A : f32 to vector<1x64xf32>
    %max3A_51 = arith.maximumf %broadcast_in_dim3A, %max3A_50 : vector<1x64xf32>
    %reshape3A = vector.shape_cast %max3A_51 : vector<1x64xf32> to vector<64x1xf32>
    %dot_general3A = arith.constant dense<0.000000e+00> : vector<64x48xf32>
    %dot_general3A_52 = tpu.matmul %convert_element_type3A_48, %select_n3A, %dot_general3A {dimension_numbers = #tpu.dot_dimension_numbers<[0], [0], [1], [1], [0, 1, 1, 1], [], []>, transpose_lhs_hint = false} : vector<10000x64xf32>, vector<10000x48xf32>, vector<64x48xf32> -> vector<64x48xf32>
    %div3A_53 = vector.broadcast %reshape3A : vector<64x1xf32> to vector<64x48xf32>
    %div3A_54 = arith.divf %dot_general3A_52, %div3A_53 : vector<64x48xf32>
    %scan3A = arith.constant 0xFF800000 : f32
    %scan3A_55 = arith.constant 0 : i32
    %scan3A_56 = arith.constant 64 : i32
    %scan3A_57 = arith.addi %scan3A_55, %scan3A_56 : i32
    %scan3A_58 = arith.constant 1 : i32
    scf.for %scan3A_88 = %scan3A_55 to %scan3A_57 step %scan3A_58  : i32 {
      %eq3A_89 = vector.broadcast %scan3A_88 : i32 to vector<10000x1xi32>
      %eq3A_90 = arith.cmpi eq, %get3A_45, %eq3A_89 : vector<10000x1xi32>
      %broadcast_in_dim3A_91 = vector.shape_cast %eq3A_90 : vector<10000x1xi1> to vector<10000x1xi1>
      %broadcast_in_dim3A_92 = vector.broadcast %broadcast_in_dim3A_91 : vector<10000x1xi1> to vector<10000x48xi1>
      %broadcast_in_dim3A_93 = vector.broadcast %scan3A : f32 to vector<10000x48xf32>
      %select_n3A_94 = arith.select %broadcast_in_dim3A_92, %select_n3A, %broadcast_in_dim3A_93 : vector<10000x48xi1>, vector<10000x48xf32>
      %reduce_max3A = arith.constant dense<0xFF800000> : vector<48xf32>
      %reduce_max3A_95 = vector.multi_reduction <maximumf>, %select_n3A_94, %reduce_max3A [0] : vector<10000x48xf32> to vector<48xf32>
      %broadcast_in_dim3A_96 = vector.shape_cast %reduce_max3A_95 : vector<48xf32> to vector<1x48xf32>
      %swap3A_97 = arith.index_cast %scan3A_88 : i32 to index
      %swap3A_98 = arith.constant 0 : index
      %swap3A_99 = vector.load %arg10[%swap3A_97, %swap3A_98] : memref<64x48xf32, #tpu.memory_space<vmem>>, vector<1x48xf32>
      tpu.vector_store %arg10[%swap3A_97, %swap3A_98], %broadcast_in_dim3A_96 {strides = array<i32>} : memref<64x48xf32, #tpu.memory_space<vmem>>, vector<1x48xf32>,
    }
    %scan3A_59 = arith.constant 64 : i32
    %get3A_60 = arith.constant 0 : index
    %get3A_61 = arith.constant 0 : index
    %get3A_62 = vector.load %arg10[%get3A_60, %get3A_61] : memref<64x48xf32, #tpu.memory_space<vmem>>, vector<64x48xf32>
    %concatenate3A = tpu.concatenate %div3A_54, %get3A_62 in 1 : vector<64x48xf32>, vector<64x48xf32> -> vector<64x96xf32>
    %get3A_63 = arith.constant 0 : index
    %get3A_64 = arith.constant 0 : index
    %get3A_65 = vector.load %arg5[%get3A_63, %get3A_64] : memref<96x128xf32, #tpu.memory_space<vmem>>, vector<96x128xf32>
    %dot_general3A_66 = arith.constant dense<0.000000e+00> : vector<64x128xf32>
    %dot_general3A_67 = tpu.matmul %concatenate3A, %get3A_65, %dot_general3A_66 {dimension_numbers = #tpu.dot_dimension_numbers<[1], [0], [0], [1], [0, 0, 1, 1], [], []>, transpose_lhs_hint = false} : vector<64x96xf32>, vector<96x128xf32>, vector<64x128xf32> -> vector<64x128xf32>
    %get3A_68 = arith.constant 0 : index
    %get3A_69 = arith.constant 0 : index
    %get3A_70 = vector.load %arg6[%get3A_68, %get3A_69] : memref<1x128xf32, #tpu.memory_space<vmem>>, vector<1x128xf32>
    %add3A_71 = vector.broadcast %get3A_70 : vector<1x128xf32> to vector<64x128xf32>
    %add3A_72 = arith.addf %dot_general3A_67, %add3A_71 : vector<64x128xf32>
    %max3A_73 = arith.constant 0.000000e+00 : f32
    %max3A_74 = vector.broadcast %max3A_73 : f32 to vector<64x128xf32>
    %max3A_75 = arith.maximumf %add3A_72, %max3A_74 : vector<64x128xf32>
    %get3A_76 = arith.constant 0 : index
    %get3A_77 = arith.constant 0 : index
    %get3A_78 = vector.load %arg7[%get3A_76, %get3A_77] : memref<128x1xf32, #tpu.memory_space<vmem>>, vector<128x1xf32>
    %dot_general3A_79 = arith.constant dense<0.000000e+00> : vector<64x1xf32>
    %dot_general3A_80 = tpu.matmul %max3A_75, %get3A_78, %dot_general3A_79 {dimension_numbers = #tpu.dot_dimension_numbers<[1], [0], [0], [1], [0, 0, 1, 1], [], []>, transpose_lhs_hint = false} : vector<64x128xf32>, vector<128x1xf32>, vector<64x1xf32> -> vector<64x1xf32>
    %get3A_81 = arith.constant 0 : index
    %get3A_82 = arith.constant 0 : index
    %get3A_83 = vector.load %arg8[%get3A_81, %get3A_82] : memref<1x1xf32, #tpu.memory_space<vmem>>, vector<1x1xf32>
    %add3A_84 = vector.broadcast %get3A_83 : vector<1x1xf32> to vector<64x1xf32>
    %add3A_85 = arith.addf %dot_general3A_80, %add3A_84 : vector<64x1xf32>
    %swap3A = arith.constant 0 : index
    %swap3A_86 = arith.constant 0 : index
    %swap3A_87 = vector.load %arg9[%swap3A, %swap3A_86] : memref<64x1xf32, #tpu.memory_space<vmem>>, vector<64x1xf32>
    tpu.vector_store %arg9[%swap3A, %swap3A_86], %add3A_85 {strides = array<i32>} : memref<64x1xf32, #tpu.memory_space<vmem>>, vector<64x1xf32>,
    return
  }
}

</mosaic_0001>

<sc_bundles>
// kernel: kernel.10.cloned.1.call-start
scs
__scs_entry_jumppad:
0x0: {  	(pc) =	sbr.rel $0x88, $3  }
0x1: {  	(tag) =	ssettag $0x0;
	lr =	simm.s32 $0x1  }
0x2: {  	[smem:$0x3F85] =	sst lr;
	_ =	strace $0xD0000000  }
0x3: {  	_ = 	snop  }
0x4: {  	_ = 	snop  }
0x5: {  	_ = 	snop  }
0x6: {  	_ = 	snop  }
0x7: {  	_ = 	snop  }
__scs_overlays_trampoline_lowered:
0x8: {  	[smem:$0x3F94] =	sst s0  }
0x9: {  	[smem:$0x3F95] =	sst s1  }
0xa: {  	[smem:$0x3F96] =	sst s2  }
0xb: {  	[smem:$0x3F97] =	sst s3  }
0xc: {  	[smem:$0x3F98] =	sst s4  }
0xd: {  	[smem:$0x3F99] =	sst s5  }
0xe: {  	[smem:$0x3F9A] =	sst s6  }
0xf: {  	[smem:$0x3F9B] =	sst s7  }
0x10: {  	[smem:$0x3F9C] =	sst s8  }
0x11: {  	[smem:$0x3F9D] =	sst s9;
	s0 =	simm.s32 @!p0 $0x0  }
0x12: {  	s1 =	sld [smem:$0x3F83];
	s0 =	simm.s32 @p0 $0x1  }
0x13: {  	[smem:$0x3F9E] =	sst s0;
	s0 =	simm.s32 @!p1 $0x0  }
0x14: {  	s2 =	sld [smem:$0x3F82];
	s0 =	simm.s32 @p1 $0x1  }
0x15: {  	[smem:$0x3F9F] =	sst s0;
	s0 =	simm.s32 @!p2 $0x0  }
0x16: {  	s3 =	sld [smem:$0x3FDB];
	s0 =	simm.s32 @p2 $0x1  }
0x17: {  	s4 =	simm.s32 $0x1BF5;
	[smem:$0x3FA1] =	sst s0  }
0x18: {  	s0 =	sld [smem:$0x3F84];
	_ =	swait.ge [sflag:s4], $0x0  }
0x19: {  	s7 =	sld [smem:$0x3F85]  }
0x1a: {  	s8 =	sadd.s32 $0xFFFFE003, lr  }
0x1b: {  	s9 =	sadd.s32 $0xFFFFFEF7, lr;
	s5 =	simm.s32 $0xFFFFFFFF;
	p2 =	slt.u32 s8, $0xFFFFF086  }
0x1c: {  	p1 =	slt.u32 s9, $0xF7A;
	s5 =	simm.s32 @!p2 $0x0  }
0x1d: {  	s5 =	simm.s32 @p1 $0x1;
	p0 =	seq.s32 s7, s2  }
0x1e: {  	s7 =	smul.u32 @!p0 $0xF7A, s2;
	p2 =	seq.s32 @!p0 s5, $0x0  }
0x1f: {  	s9 =	smul.u32 $0xF7A, s1;
	s8 =	simm.s32 @!p0 $0x1BF5;
	p2 =	por !p2, p0  }
0x20: {  	[sflag:s8] =	ssyncset.s32 @!p0 $0xFFFFF086;
	s6 =	sadd.s32 @!p0 s3, s7;
	s7 =	simm.s32 @!p0 $0x108  }
0x21: {  	s3 =	sadd.s32 s3, s9;
	s6 =	sadd.s32 @!p0 $0x88, s6;
	s7 =	simm.s32 @p2 $0x1082  }
0x22: {  	[simem:s7], [sflag:s8] =	dma.local @!p0 [hbm:s6], $0xF7A  }
0x23: {  	s9 =	sor.u32 $0xD0000000, s2;
	s6 =	simm.s32 $0x108;
	_ =	swait.ge @!p0 [sflag:s8], $0x0  }
0x24: {  	s3 =	sadd.s32 $0x88, s3;
	s6 =	simm.s32 @!p1 $0x1082;
	[sflag:s4] =	ssyncset.s32 $0xFFFFF086  }
0x25: {  	[simem:s6], [sflag:s4] =	dma.local [hbm:s3], $0xF7A  }
0x26: {  	[smem:$0x3F85] =	sst s1;
	(tag) =	ssettag s2;
	_ =	strace s9  }
0x27: {  	s1 =	sld [smem:$0x3F95]  }
0x28: {  	s2 =	sld [smem:$0x3F96]  }
0x29: {  	s4 =	sld [smem:$0x3F98]  }
0x2a: {  	p0 =	seq.s32 s5, $0x0;
	s5 =	sld [smem:$0x3F99]  }
0x2b: {  	s6 =	sld [smem:$0x3F9A]  }
0x2c: {  	s7 =	sld [smem:$0x3F9B]  }
0x2d: {  	s3 =	simm.s32 $0x108;
	s8 =	sld [smem:$0x3F9C]  }
0x2e: {  	s3 =	simm.s32 @!p0 $0x1082;
	s9 =	sld [smem:$0x3F9D]  }
0x2f: {  	lr =	sadd.s32 s0, s3;
	s0 =	sld [smem:$0x3F94]  }
0x30: {  	s3 =	sld [smem:$0x3F97]  }
0x31: {  	[smem:$0x3FA0] =	sst s10  }
0x32: {  	s10 =	sld [smem:$0x3F9E];
	_ =	sdelay $0x3  }
0x33: {  	p0 =	seq.s32 s10, $0x1;
	s10 =	sld [smem:$0x3FA0];
	_ =	sdelay $0x3  }
0x34: {  	[smem:$0x3FA0] =	sst s10  }
0x35: {  	s10 =	sld [smem:$0x3F9F];
	_ =	sdelay $0x3  }
0x36: {  	p1 =	seq.s32 s10, $0x1;
	s10 =	sld [smem:$0x3FA0];
	_ =	sdelay $0x3  }
0x37: {  	[smem:$0x3FA0] =	sst s10  }
0x38: {  	s10 =	sld [smem:$0x3FA1]  }
0x39: {  	_ = 	snop;
	(pc) =	sbr.ind lr, $3  }
0x3a: {  	_ = 	snop  }
0x3b: {  	_ = 	snop  }
0x3c: {  	p2 =	seq.s32 s10, $0x1;
	s10 =	sld [smem:$0x3FA0]  }
0x3d: {  	_ =	shalt  }
0x3e: {  	_ =	shalt  }
0x3f: {  	_ =	shalt  }
0x40: {  	_ =	shalt  }
0x41: {  	_ =	shalt  }
0x42: {  	_ =	shalt  }
0x43: {  	_ =	shalt  }
0x44: {  	_ =	shalt  }
0x45: {  	_ =	shalt  }
0x46: {  	_ =	shalt  }
0x47: {  	_ =	shalt  }
0x48: {  	_ =	shalt  }
0x49: {  	_ =	shalt  }
0x4a: {  	_ =	shalt  }
0x4b: {  	_ =	shalt  }
0x4c: {  	_ =	shalt  }
0x4d: {  	_ =	shalt  }
0x4e: {  	_ =	shalt  }
0x4f: {  	_ =	shalt  }
0x50: {  	_ =	shalt  }
0x51: {  	_ =	shalt  }
0x52: {  	_ =	shalt  }
0x53: {  	_ =	shalt  }
0x54: {  	_ =	shalt  }
0x55: {  	_ =	shalt  }
0x56: {  	_ =	shalt  }
0x57: {  	_ =	shalt  }
0x58: {  	_ =	shalt  }
0x59: {  	_ =	shalt  }
0x5a: {  	_ =	shalt  }
0x5b: {  	_ =	shalt  }
0x5c: {  	_ =	shalt  }
0x5d: {  	_ =	shalt  }
0x5e: {  	_ =	shalt  }
0x5f: {  	_ =	shalt  }
0x60: {  	_ =	shalt  }
0x61: {  	_ =	shalt  }
0x62: {  	_ =	shalt  }
0x63: {  	_ =	shalt  }
0x64: {  	_ =	shalt  }
0x65: {  	_ =	shalt  }
0x66: {  	_ =	shalt  }
0x67: {  	_ =	shalt  }
0x68: {  	_ =	shalt  }
0x69: {  	_ =	shalt  }
0x6a: {  	_ =	shalt  }
0x6b: {  	_ =	shalt  }
0x6c: {  	_ =	shalt  }
0x6d: {  	_ =	shalt  }
0x6e: {  	_ =	shalt  }
0x6f: {  	_ =	shalt  }
0x70: {  	_ =	shalt  }
0x71: {  	_ =	shalt  }
0x72: {  	_ =	shalt  }
0x73: {  	_ =	shalt  }
0x74: {  	_ =	shalt  }
0x75: {  	_ =	shalt  }
0x76: {  	_ =	shalt  }
0x77: {  	_ =	shalt  }
0x78: {  	_ =	shalt  }
0x79: {  	_ =	shalt  }
0x7a: {  	_ =	shalt  }
0x7b: {  	_ =	shalt  }
0x7c: {  	_ =	shalt  }
0x7d: {  	_ =	shalt  }
0x7e: {  	_ =	shalt  }
0x7f: {  	_ =	shalt  }
0x80: {  	_ =	shalt  }
0x81: {  	_ =	shalt  }
0x82: {  	_ =	shalt  }
0x83: {  	_ =	shalt  }
0x84: {  	_ =	shalt  }
0x85: {  	_ =	shalt  }
0x86: {  	_ =	shalt  }
0x87: {  	_ =	shalt  }
.Lfunc_end0:
.L_simem_size_0:
called_computation.1_lowered:
.L_overlay_start_0:
0x88: {  	s2 =	sld [smem:$0x3FD9]  }
0x89: {  	s3 =	sld [smem:$0x3FFE];
	_ =	sdelay $0x1  }
0x8a: {  	s1 =	srdreg.scid  }
0x8b: {  	s0 =	sand.u32 $0x1, s1  }
0x8c: {  	s17 =	sshll.u32 s0, $0xA;
	s2 =	sadd.s32 s3, s2  }
0x8d: {  	s2 =	sadd.s32 s2, s17  }
0x8e: {  	[smem:$0x3FAC] =	sst s2  }
0x8f: {  	_ = 	snop  }
0x90: {  	s2 =	sld [smem:$0x3FB3]  }
0x91: {  	s18 =	sld [smem:$0x3FD0];
	(tm) =	ssettm $0x1  }
0x92: {  	s4 =	sld [smem:$0x3FFB];
	_ =	sdelay $0x3  }
0x93: {  	_ =	strace s4  }
0x94: {  	s4 =	sld [smem:$0x3FFC];
	_ =	sdelay $0x3  }
0x95: {  	_ =	strace s4  }
0x96: {  	s4 =	sld [smem:$0x3FFD];
	_ =	sdelay $0x3  }
0x97: {  	_ =	strace s4  }
0x98: {  	_ =	strace $0x8FFFFFFF  }
0x99: {  	s19 =	sld [smem:$0x3FDB];
	_ =	sdelay $0x1  }
0x9a: {  	s5 =	simm.s32 $_scs_section_size  }
0x9b: {  	s6 =	simm.s32 $_size__tile_overlayer_lowered;
	s7 =	simm.s32 $_tile_overlayer_lowered  }
0x9c: {  	s22 =	simm.s32 $0x1BFF;
	s21 =	sshll.u32 s7, $0x1;
	s4 =	sadd.s32 s5, s19  }
0x9d: {  	s8 =	simm.s32 $0x0;
	s20 =	sshll.u32 s6, $0x1;
	s6 =	sadd.s32 s21, s4  }
0x9e: {  	[timem:s8], [sflag:s22] =	dma.local [hbm:s6], s20  }
0x9f: {  	_ =	swait.ge [sflag:s22], s20  }
0xa0: {  	s5 =	ssub.s32 $0x0, s20;
	[sflag:s22] =	ssyncset.done $0x0  }
0xa1: {  	[sflag:s22] =	ssyncadd.s32 s5;
	_ =	sdelay $0x1  }
0xa2: {  	s23 =	simm.s32 $0x1B8B  }
0xa3: {  	_ =	swait.ge [sflag:s23], $0x1  }
0xa4: {  	[sflag:s23] =	ssyncset.done $0x0  }
0xa5: {  	s25 =	simm.s32 $0x1B8E;
	s24 =	sld [smem:$0x3FFE];
	[sflag:s23] =	ssyncadd.s32 $0xFFFFFFFF  }
0xa6: {  	s26 =	simm.s32 $execute0_lowered;
	[smem:$0x3FD2] =	sst s25  }
0xa7: {  	s6 =	sshll.u32 s26, $0x1;
	_ =	strace $0x80000049;
	[dreg:$0x1] =	wrdreg $0xFFFFFFFF  }
0xa8: {  	s28 =	simm.s32 $_size_execute0_lowered;
	s4 =	sadd.s32 s4, s6;
	[dreg:$0x0] =	wrdreg $0x0  }
0xa9: {  	s6 =	sshll.u32 s28, $0x1;
	[dreg:$0x2] =	wrdreg s4  }
0xaa: {  	[dreg:$0x3] =	wrdreg s6  }
0xab: {  	[dreg:$0x4] =	wrdreg $0xC0  }
0xac: {  	_ =	task [dreg:s8], $0x5FFFF  }
0xad: {  	[dreg:$0x1] =	wrdreg $0xFFFFFFFF  }
0xae: {  	[dreg:$0x0] =	wrdreg $0x60  }
0xaf: {  	[dreg:$0x2] =	wrdreg s24  }
0xb0: {  	[dreg:$0x3] =	wrdreg s18  }
0xb1: {  	[dreg:$0x4] =	wrdreg s2  }
0xb2: {  	[dreg:$0x5] =	wrdreg $0x0  }
0xb3: {  	[dreg:$0x6] =	wrdreg $0x9  }
0xb4: {  	_ =	task.clear_ibuf [dreg:s8], $0x7FFFF;
	_ =	strace $0x90000049  }
0xb5: {  	s29 =	simm.s32 $0x9;
	_ =	strace $0x8000004B  }
0xb6: {  	_ =	swait.ge [sflag:s29], $0x1  }
0xb7: {  	[sflag:s29] =	ssyncadd.s32 $0xFFFFFFFF  }
0xb8: {  	_ =	strace $0x9000004B  }
0xb9: {  	_ =	sfence  }
0xba: {  	s30 =	sld [smem:$0x0];
	_ =	sdelay $0x2  }
0xbb: {  	s31 =	sshll.u32 s1, $0xD;
	s1 =	sshrl.u32 s1, $0x2  }
0xbc: {  	s3 =	sand.u32 $0x4000, s31;
	s1 =	sadd.s32 s1, s30  }
0xbd: {  	s0 =	sor.u32 s3, s0;
	s1 =	sshll.u32 s1, $0x11  }
0xbe: {  	s0 =	sor.u32 s1, s0  }
0xbf: {  	s0 =	sadd.s32 $0x8F2B, s0  }
0xc0: {  	[sflag:s0] =	ssyncadd.remote.s32 $0x1  }
0xc1: {  	_ =	sfence.sel $0xFFFF  }
0xc2: {  	[dreg:$0x0] =	wrdreg $0xFFFFFFFF;
	(pc) =	sbr.abs _section_cstart, $3  }
0xc3: {  	[dreg:$0x1] =	wrdreg $0xFFFFFFFF  }
0xc4: {  	_ =	task.clear_ibuf [dreg:s8], $0x2FFFF;
	_ =	strace $0x9FFFFFFF  }
0xc5: {  	(tm) =	ssettm $0x7FFFFFFF  }
tec
execute0_lowered:
.L_overlay_start_1:
0x0: {  	(tag) =	ssettag $0x1  }
0x1: {  	s0 =	rddreg [dreg:$0x0]  }
0x2: {  	s3 =	rddreg [dreg:$0x3];
	s4 =	simm.s32 $0x0;
	s12 =	stileid.u32  }
0x3: {  	s1 =	srdreg.scid;
	s28 =	simm.s32 $0xB900;
	s15 =	simm.s32 $0x10900  }
0x4: {  	s29 =	simm.s32 $0x14100;
	[smem:$0x7FF] =	sst s4;
	s6 =	sadd.s32 $0x1E0A00, s0  }
0x5: {  	s30 =	simm.s32 $0x6;
	s7 =	sadd.s32 $0x22EE00, s0;
	s8 =	sadd.s32 $0x1D6A00, s0  }
0x6: {  	s2 =	smul.u32 $0x9E00, s12;
	s1 =	sand.u32 $0x1, s1;
	s9 =	sadd.s32 $0x1CCA00, s0  }
0x7: {  	s10 =	sadd.s32 $0x12CA00, s0;
	s11 =	sadd.s32 $0x8CA00, s0;
	s12 =	sshll.u32 s12, $0x1  }
0x8: {  	_ =	strace $0x8000004A;
	s5 =	smul.u32 $0x9E000, s1;
	s14 =	sor.u32 s1, s12  }
0x9: {  	s1 =	ssub.s32 $0x2, s1;
	s13 =	sshrl.u32 s2, $0x3;
	s12 =	smul.u32 $0x2800, s14  }
0xa: {  	s16 =	sshrl.u32 s1, $0x1;
	s14 =	smul.u32 $0x5000, s14;
	s5 =	sadd.s32 s2, s5  }
0xb: {  	s13 =	sadd.s32 s13, s0;
	s1 =	ssub.s32 s1, s16;
	s2 =	sadd.s32 s2, s3  }
0xc: {  	s16 =	simm.s32 $0xA000;
	s5 =	sshrl.u32 s5, $0x3;
	s17 =	sshrl.u32 s12, $0x3  }
0xd: {  	[dreg:$0x5] =	wrdreg s2;
	s18 =	sadd.s32 $0x1EF800, s13;
	s21 =	sadd.s32 s10, s14  }
0xe: {  	s22 =	sor.u32 $0x80, s12;
	s23 =	sadd.s32 s11, s14;
	[dreg:$0x6] =	wrdreg s18  }
0xf: {  	s31 =	smax.u32 s1, $0x1;
	s1 =	simm.s32 $0x9E80;
	[dreg:$0x9] =	wrdreg s21  }
0x10: {  	s13 =	simm.s32 $0x2;
	s14 =	simm.s32 $0xD900;
	[dreg:$0xa] =	wrdreg s23  }
0x11: {  	s0 =	sadd.s32 s5, s0;
	s19 =	sadd.s32 s8, s17;
	[dreg:$0x10] =	wrdreg s31  }
0x12: {  	s20 =	sadd.s32 s9, s17;
	s24 =	sshrl.u32 s22, $0x3;
	[dreg:$0x7] =	wrdreg s19  }
0x13: {  	s2 =	sshll.u32 s22, $0x1;
	[dreg:$0x8] =	wrdreg s20;
	s25 =	sadd.s32 s8, s24  }
0x14: {  	s22 =	simm.s32 $0x7;
	s5 =	sadd.s32 s9, s24;
	[dreg:$0xb] =	wrdreg s25  }
.Ltmp0:
0x15: {  	s26 =	sadd.s32 s10, s2;
	[dreg:$0xc] =	wrdreg s5;
	(pc) =	sbr.rel .LBB2_1-.Ltmp0, $4  }
0x16: {  	s17 =	simm.s32 $0x12100;
	s2 =	sadd.s32 s11, s2;
	[dreg:$0xd] =	wrdreg s26  }
0x17: {  	s18 =	simm.s32 $0x4;
	s0 =	sadd.s32 $0x23DC00, s0;
	[dreg:$0xe] =	wrdreg s2  }
0x18: {  	s21 =	simm.s32 $0x0;
	s19 =	simm.s32 $0xA080;
	[dreg:$0xf] =	wrdreg s0  }
0x19: {  	vm0 =	vmmov $0x1;
	s2 =	simm.s32 $0x9F80;
	s0 =	simm.s32 $0x80;
	s5 =	simm.s32 $0x3  }
.LBB2_8:
0x1a: {  	s20 =	simm.s32 $0x5  }
0x1b: {  	_ =	swait.ge [sflag:s20], $0x2000  }
0x1c: {  	[sflag:s20] =	ssyncset.done $0x0  }
0x1d: {  	[sflag:s20] =	ssyncadd.s32 $0xFFFFE000  }
0x1e: {  	_ =	swait.ge [sflag:s30], $0x2000  }
0x1f: {  	[sflag:s30] =	ssyncset.done $0x0  }
0x20: {  	[sflag:s30] =	ssyncadd.s32 $0xFFFFE000  }
0x21: {  	[bflag:$0x0] =	sbarrier.arrive $0xFFFF  }
0x22: {  	s25 =	rddreg [dreg:$0xf]  }
0x23: {  	s21 =	rddreg [dreg:$0x12]  }
0x24: {  	s22 =	rddreg [dreg:$0x13]  }
0x25: {  	[hbm:s25], [sflag:s21] =	dma.local [spmem:s22], $0x13C0  }
0x26: {  	s22 =	simm.s32 $0x7  }
0x27: {  	_ =	swait.ge [sflag:s22], $0x13C0  }
0x28: {  	s26 =	rddreg [dreg:$0x11]  }
0x29: {  	s31 =	rddreg [dreg:$0x10];
	s21 =	sadd.s32 $0x1, s26  }
0x2a: {  	p0 =	sne.s32 s21, s31  }
.Ltmp1:
0x2b: {  	_ = 	snop;
	(pc) =	sbr.rel @!p0 .LBB2_9-.Ltmp1, $3  }
0x2c: {  	_ =	sdelay $0x1  }
0x2d: {  	[sflag:s22] =	ssyncset.done $0x0  }
0x2e: {  	[sflag:s22] =	ssyncadd.s32 $0xFFFFEC40  }
.LBB2_1:
0x2f: {  	[dreg:$0x11] =	wrdreg s21  }
0x30: {  	s20 =	rddreg [dreg:$0x1];
	s31 =	simm.s32 $0x16100  }
0x31: {  	[tilespmem:s31], [sflag:$0x7] =	stream.linear.gather [hbm4b:s20+s4], $0x60, $0x38;
	[tilespmem:$0x16190] =	vst v63  }
0x32: {  	_ =	swait.ge [sflag:s22], $0x60  }
0x33: {  	s24 =	stileid.u32;
	[sflag:s22] =	ssyncset.done $0x0  }
0x34: {  	s20 =	sshll.u32 s24, $0x6;
	[sflag:s22] =	ssyncadd.s32 $0xFFFFFFA0  }
0x35: {  	s23 =	simm.s32 $0x16160;
	s25 =	sor.u32 $0x1C07, s20;
	s21 =	rddreg [dreg:$0x2]  }
0x36: {  	[tilespmem:s23], [sflag:$0x7] =	stream.linear.gather [hbm4b:s21+s4], $0x30, $0x38;
	[tilespmem:$0x16190] =	vst v63  }
0x37: {  	_ =	swait.ge [sflag:s22], $0x30;
	[dreg:$0x12] =	wrdreg s25  }
0x38: {  	s26 =	rddreg [dreg:$0x5]  }
0x39: {  	[sflag:s22] =	ssyncset.done $0x0;
	s31 =	rddreg [dreg:$0x6];
	s23 =	sshrl.u32 s26, $0x3  }
0x3a: {  	[sflag:s22] =	ssyncadd.s32 $0xFFFFFFD0;
	[dreg:$0x13] =	wrdreg s23  }
0x3b: {  	[spmem:s23], [sflag:s25] =	dma.local [hbm:s31], $0x13C0  }
0x3c: {  	_ =	swait.ge [sflag:s22], $0x13C0  }
0x3d: {  	[sflag:s22] =	ssyncset.done $0x0  }
0x3e: {  	[sflag:s22] =	ssyncadd.s32 $0xFFFFEC40  }
0x3f: {  	[bflag:$0x0] =	sbarrier.arrive $0xFFFF  }
0x40: {  	v0 =	vld [tilespmem:$0x16100]  }
0x41: {  	v1 =	vld [tilespmem:$0x16110]  }
0x42: {  	v2 =	vld [tilespmem:$0x16120]  }
0x43: {  	v3 =	vld [tilespmem:$0x16130]  }
0x44: {  	v4 =	vld [tilespmem:$0x16140]  }
0x45: {  	v5 =	vld [tilespmem:$0x16150]  }
0x46: {  	v6 =	vld [tilespmem:$0x16160]  }
0x47: {  	s21 =	simm.s32 $0x9E00;
	v7 =	vld [tilespmem:$0x16170];
	s22 =	rddreg [dreg:$0x7]  }
0x48: {  	v8 =	vld [tilespmem:$0x16180];
	[tilespmem:s21], [sflag:$0x1] =	stream.linear.gather [hbm4b:s22+s4], $0x80, $0x38  }
0x49: {  	s23 =	rddreg [dreg:$0x8];
	s22 =	simm.s32 $0x9F00  }
0x4a: {  	[tilespmem:s22], [sflag:$0x1] =	stream.linear.gather [hbm4b:s23+s4], $0x80, $0x38;
	[tilespmem:$0x16190] =	vst v63  }
0x4b: {  	s25 =	simm.s32 $0xA100;
	s24 =	rddreg [dreg:$0x9]  }
0x4c: {  	[tilespmem:s25], [sflag:$0x1] =	stream.linear.gather [hbm4b:s24+s4], $0x800, $0x38;
	[tilespmem:$0x16190] =	vst v63  }
0x4d: {  	s31 =	simm.s32 $0xB100;
	s26 =	rddreg [dreg:$0xa]  }
0x4e: {  	[tilespmem:s31], [sflag:$0x1] =	stream.linear.gather [hbm4b:s26+s4], $0x800, $0x38;
	[tilespmem:$0x16190] =	vst v63  }
0x4f: {  	s24 =	rddreg [dreg:$0xb]  }
0x50: {  	[tilespmem:s1], [sflag:$0x2] =	stream.linear.gather [hbm4b:s24+s4], $0x80, $0x38;
	[tilespmem:$0x16190] =	vst v63  }
0x51: {  	s25 =	rddreg [dreg:$0xc]  }
0x52: {  	[tilespmem:s2], [sflag:$0x2] =	stream.linear.gather [hbm4b:s25+s4], $0x80, $0x38;
	[tilespmem:$0x16190] =	vst v63  }
0x53: {  	s26 =	rddreg [dreg:$0xd];
	s31 =	simm.s32 $0xA900  }
0x54: {  	[tilespmem:s31], [sflag:$0x2] =	stream.linear.gather [hbm4b:s26+s4], $0x800, $0x38;
	[tilespmem:$0x16190] =	vst v63  }
0x55: {  	s24 =	rddreg [dreg:$0xe];
	s25 =	simm.s32 $0x1  }
0x56: {  	[tilespmem:s28], [sflag:$0x2] =	stream.linear.gather [hbm4b:s24+s4], $0x800, $0x38;
	[tilespmem:$0x16190] =	vst v63  }
0x57: {  	_ =	swait.ge [sflag:s25], $0x80  }
0x58: {  	[sflag:s25] =	ssyncset.done $0x0  }
0x59: {  	[sflag:s25] =	ssyncadd.s32 $0xFFFFFF80  }
0x5a: {  	_ =	swait.ge [sflag:s25], $0x80  }
0x5b: {  	[sflag:s25] =	ssyncset.done $0x0  }
0x5c: {  	[sflag:s25] =	ssyncadd.s32 $0xFFFFFF80  }
0x5d: {  	_ =	swait.ge [sflag:s25], $0x800  }
0x5e: {  	[sflag:s25] =	ssyncset.done $0x0  }
0x5f: {  	[sflag:s25] =	ssyncadd.s32 $0xFFFFF800  }
0x60: {  	_ =	swait.ge [sflag:s25], $0x800  }
0x61: {  	[sflag:s25] =	ssyncset.done $0x0  }
0x62: {  	s26 =	simm.s32 $0xC100;
	[sflag:s25] =	ssyncadd.s32 $0xFFFFF800  }
0x63: {  	[tilespmem:s26], [sflag:$0x3] =	stream.indirect.gather [hbm4b:s6+s0], $0x30, s21, s0, $0xb8;
	[tilespmem:$0x16190] =	vst v63  }
0x64: {  	s31 =	simm.s32 $0xF100;
	s24 =	simm.s32 $0x0  }
0x65: {  	[tilespmem:s31], [sflag:$0x3] =	stream.indirect.gather [hbm4b:s7+s0], $0x30, s22, s0, $0xb8;
	[tilespmem:$0x16190] =	vst v63  }
.LBB2_2:
0x66: {  	p0 =	seq.s32 s24, $0x0  }
0x67: {  	s20 =	simm.s32 @!p0 $0x5  }
0x68: {  	_ =	swait.ge @!p0 [sflag:s20], $0x2000  }
0x69: {  	[sflag:s20] =	ssyncset.done @!p0 $0x0  }
0x6a: {  	[sflag:s20] =	ssyncadd.s32 @!p0 $0xFFFFE000  }
0x6b: {  	_ =	swait.ge [sflag:s5], $0x1800  }
0x6c: {  	[sflag:s5] =	ssyncset.done $0x0  }
0x6d: {  	[sflag:s5] =	ssyncadd.s32 $0xFFFFE800  }
0x6e: {  	_ =	swait.ge [sflag:s5], $0x1800  }
0x6f: {  	[sflag:s5] =	ssyncset.done $0x0  }
0x70: {  	[sflag:s5] =	ssyncadd.s32 $0xFFFFE800  }
0x71: {  	_ =	swait.ge [sflag:s13], $0x80  }
0x72: {  	[sflag:s13] =	ssyncset.done $0x0  }
0x73: {  	[sflag:s13] =	ssyncadd.s32 $0xFFFFFF80  }
0x74: {  	_ =	swait.ge [sflag:s13], $0x80  }
0x75: {  	[sflag:s13] =	ssyncset.done $0x0  }
0x76: {  	[sflag:s13] =	ssyncadd.s32 $0xFFFFFF80  }
0x77: {  	_ =	swait.ge [sflag:s13], $0x800  }
0x78: {  	[sflag:s13] =	ssyncset.done $0x0  }
0x79: {  	[sflag:s13] =	ssyncadd.s32 $0xFFFFF800  }
0x7a: {  	_ =	swait.ge [sflag:s13], $0x800  }
0x7b: {  	[sflag:s13] =	ssyncset.done $0x0  }
0x7c: {  	[sflag:s13] =	ssyncadd.s32 $0xFFFFF800  }
0x7d: {  	[tilespmem:s14], [sflag:$0x4] =	stream.indirect.gather [hbm4b:s6+s0], $0x30, s1, s0, $0xb8;
	[tilespmem:$0x16190] =	vst v63  }
0x7e: {  	_ = 	snop  }
0x7f: {  	[tilespmem:s15], [sflag:$0x4] =	stream.indirect.gather [hbm4b:s7+s0], $0x30, s2, s0, $0xb8;
	[tilespmem:$0x16190] =	vst v63  }
0x80: {  	v9 =	vld [tilespmem:$0x9F00]  }
0x81: {  	v10 =	vld [tilespmem:$0x9F10]  }
0x82: {  	v11 =	vld [tilespmem:$0x9F20]  }
0x83: {  	v12 =	vld [tilespmem:$0x9F30]  }
0x84: {  	v13 =	vld [tilespmem:$0x9F40]  }
0x85: {  	[tilespmem:$0xA000] =	vst v9;
	v9 =	vld [tilespmem:$0x9F50]  }
0x86: {  	[tilespmem:$0xA010] =	vst v10;
	v10 =	vld [tilespmem:$0x9F60]  }
0x87: {  	[tilespmem:$0xA020] =	vst v11;
	v11 =	vld [tilespmem:$0x9F70]  }
0x88: {  	[tilespmem:$0xA030] =	vst v12  }
0x89: {  	[tilespmem:$0xA040] =	vst v13  }
0x8a: {  	[tilespmem:$0xA050] =	vst v9  }
0x8b: {  	[tilespmem:$0xA060] =	vst v10  }
0x8c: {  	s25 =	simm.s32 $0x0;
	[tilespmem:$0xA070] =	vst v11  }
0x8d: {  	v12 =	vld [tilespmem:s25+$0xB100]  }
0x8e: {  	s22 =	simm.s32 $0xC120;
	v13 =	vld [tilespmem:s25+$0xA100]  }
0x8f: {  	v9 =	vld [tilespmem:s22+$0xFFFFFFF0]  }
0x90: {  	s23 =	simm.s32 $0xF110;
	v10 =	vld [tilespmem:s22+$0xFFFFFFE0]  }
0x91: {  	v14 =	vld [tilespmem:s23+$0x0]  }
0x92: {  	v15 =	vld [tilespmem:s23+$0xFFFFFFF0]  }
0x93: {  	v16 =	vld [tilespmem:s23+$0x10]  }
0x94: {  	v11 =	vld [tilespmem:s22+$0x0];
	_ =	sdelay $0x2  }
0x95: {  	v14 =	vadd.f32 v14, v9  }
0x96: {  	v17 =	vmul.f32 v13, v1;
	v18 =	vmul.f32 v13, v0;
	v15 =	vadd.f32 v15, v10  }
0x97: {  	v19 =	vmul.f32 v12, v3;
	v16 =	vadd.f32 v16, v11;
	v13 =	vmul.f32 v13, v2  }
0x98: {  	v20 =	vmul.f32 v12, v4;
	v14 =	vadd.f32 v14, v17;
	v15 =	vadd.f32 v15, v18  }
0x99: {  	v13 =	vadd.f32 v16, v13  }
0x9a: {  	v12 =	vmul.f32 v12, v5;
	v14 =	vadd.f32 v14, v20;
	v15 =	vadd.f32 v15, v19;
	_ =	sdelay $0x1  }
0x9b: {  	v12 =	vadd.f32 v13, v12;
	v62 =	vmul.f32 $2.000000030e-01, v14;
	v63 =	vmul.f32 $2.000000030e-01, v15;
	_ =	sdelay $0x1  }
0x9c: {  	v13 =	vmax.f32 v14, v62;
	v14 =	vmax.f32 v15, v63;
	v15 =	vmul.f32 $2.000000030e-01, v12  }
0x9d: {  	v13 =	vmul.f32 v13, v7;
	v14 =	vmul.f32 v14, v6  }
0x9e: {  	v12 =	vmax.f32 v12, v15  }
0x9f: {  	v13 =	vadd.f32 v13, v14;
	v12 =	vmul.f32 v12, v8;
	_ =	sdelay $0x1  }
0xa0: {  	v12 =	vadd.f32 v12, v13;
	_ =	sdelay $0x1  }
0xa1: {  	(xrf2) =	vadd.scan.msk.f32 $0xffff, v12;
	_ =	sdelay $0x9  }
0xa2: {  	s26 =	sshll.u32 s24, $0x8;
	s31 =	simm.s32 $0x12120;
	v12, _, _ =	vpop (xrf2)  }
0xa3: {  	s21 =	simm.s32 $0x40;
	s20 =	sadd.s32 s12, s26;
	s26 =	simm.s32 $0x12120;
	v12 =	vmul.f32 $1.442695020e+00, v12  }
.LBB2_3:
0xa4: {  	_ = 	snop  }
0xa5: {  	s31 =	sadd.s32 $0x40, s31;
	s23 =	sadd.s32 $0x30, s23;
	s22 =	sadd.s32 $0x30, s22;
	v12 =	vbroadcast v12, $0xF  }
0xa6: {  	p0 =	sne.s32 s21, $0x1FC0;
	s25 =	smov.u32 s21;
	s21 =	sadd.s32 $0x40, s21  }
0xa7: {  	(erf) = vpow2.f32 v12;
	_ =	sdelay $0x4  }
0xa8: {  	s25 =	sshra.s32 s25, $0x2;
	_ =	sdelay $0x3  }
0xa9: {  	v12 =	vpop (erf)  }
0xaa: {  	v10 =	vmul.f32 v12, v10;
	v11 =	vmul.f32 v12, v11;
	v13 =	vnsel vm0, $0x0, v12  }
0xab: {  	v9 =	vmul.f32 v12, v9;
	[tilespmem:s26+$0x10] =	vst v13  }
0xac: {  	[tilespmem:s26+$0xFFFFFFE0] =	vst v10  }
0xad: {  	[tilespmem:s26+$0xFFFFFFF0] =	vst v9  }
0xae: {  	[tilespmem:s26+$0x0] =	vst v11;
	s26 =	smov.u32 s31  }
0xaf: {  	v12 =	vld [tilespmem:s25+$0xB100]  }
0xb0: {  	v13 =	vld [tilespmem:s25+$0xA100]  }
0xb1: {  	v9 =	vld [tilespmem:s22+$0xFFFFFFF0]  }
0xb2: {  	v10 =	vld [tilespmem:s22+$0xFFFFFFE0]  }
0xb3: {  	v14 =	vld [tilespmem:s23+$0x0]  }
0xb4: {  	v15 =	vld [tilespmem:s23+$0xFFFFFFF0]  }
0xb5: {  	v16 =	vld [tilespmem:s23+$0x10]  }
0xb6: {  	v11 =	vld [tilespmem:s22+$0x0];
	_ =	sdelay $0x1  }
0xb7: {  	v17 =	vmul.f32 v13, v0;
	v18 =	vmul.f32 v13, v1;
	v14 =	vadd.f32 v14, v9  }
0xb8: {  	v19 =	vmul.f32 v12, v3;
	v20 =	vmul.f32 v12, v4;
	v15 =	vadd.f32 v15, v10  }
0xb9: {  	v12 =	vmul.f32 v12, v5;
	v14 =	vadd.f32 v14, v18  }
0xba: {  	v13 =	vmul.f32 v13, v2;
	v15 =	vadd.f32 v15, v17;
	v16 =	vadd.f32 v16, v11  }
0xbb: {  	v14 =	vadd.f32 v14, v20  }
0xbc: {  	v15 =	vadd.f32 v15, v19;
	v13 =	vadd.f32 v16, v13  }
0xbd: {  	v16 =	vmul.f32 $2.000000030e-01, v14  }
0xbe: {  	v17 =	vmul.f32 $2.000000030e-01, v15;
	v12 =	vadd.f32 v13, v12  }
0xbf: {  	v13 =	vmax.f32 v14, v16  }
0xc0: {  	v14 =	vmax.f32 v15, v17;
	v13 =	vmul.f32 v13, v7;
	v15 =	vmul.f32 $2.000000030e-01, v12  }
0xc1: {  	v14 =	vmul.f32 v14, v6  }
0xc2: {  	v12 =	vmax.f32 v12, v15  }
0xc3: {  	v13 =	vadd.f32 v13, v14;
	v12 =	vmul.f32 v12, v8;
	_ =	sdelay $0x1  }
0xc4: {  	v12 =	vadd.f32 v12, v13;
	_ =	sdelay $0x1  }
0xc5: {  	(xrf2) =	vadd.scan.msk.f32 $0xffff, v12;
	_ =	sdelay $0x6  }
.Ltmp2:
0xc6: {  	(pc) =	sbr.rel @p0 .LBB2_3-.Ltmp2, $3  }
0xc7: {  	_ =	sdelay $0x1  }
0xc8: {  	v12, _, _ =	vpop (xrf2)  }
0xc9: {  	v12 =	vmul.f32 $1.442695020e+00, v12  }
0xca: {  	_ = 	snop  }
0xcb: {  	v12 =	vbroadcast v12, $0xF;
	_ =	sdelay $0x1  }
0xcc: {  	(erf) = vpow2.f32 v12;
	_ =	sdelay $0x8  }
0xcd: {  	v12 =	vpop (erf)  }
0xce: {  	v10 =	vmul.f32 v12, v10;
	v13 =	vnsel vm0, $0x0, v12  }
0xcf: {  	v9 =	vmul.f32 v12, v9;
	[tilespmem:s26+$0x10] =	vst v13  }
0xd0: {  	p0 =	seq.s32 s24, $0x27;
	v11 =	vmul.f32 v12, v11;
	[tilespmem:s26+$0xFFFFFFE0] =	vst v10  }
0xd1: {  	s23 =	sadd.s32 @!p0 $0x100, s20;
	[tilespmem:s26+$0xFFFFFFF0] =	vst v9  }
0xd2: {  	s21 =	simm.s32 @!p0 $0x9E00;
	s22 =	sshrl.u32 @!p0 s23, $0x3;
	[tilespmem:s26+$0x0] =	vst v11  }
0xd3: {  	[spmem:s3] =	stream.indirect.scatter.add.f32 [tilespmem:s17], [sflag:$0x5], $0x40, s16, s0, $0xb8;
	[tilespmem:$0x16190] =	vst v63  }
0xd4: {  	s23 =	sshll.u32 @!p0 s23, $0x1;
	s25 =	sadd.s32 @!p0 s8, s22;
	s26 =	simm.s32 @!p0 $0x0  }
0xd5: {  	[tilespmem:s21], [sflag:$0x1] =	stream.linear.gather @!p0 [hbm4b:s25+s26], $0x80, $0x38;
	[tilespmem:$0x16190] =	vst v63  }
0xd6: {  	s23 =	sand.u32 @!p0 $0x1FFFFE00, s23;
	s25 =	sadd.s32 @!p0 s9, s22;
	s22 =	simm.s32 @!p0 $0x9F00  }
0xd7: {  	[tilespmem:s22], [sflag:$0x1] =	stream.linear.gather @!p0 [hbm4b:s25+s26], $0x80, $0x38;
	[tilespmem:$0x16190] =	vst v63  }
0xd8: {  	s31 =	simm.s32 @!p0 $0xA100;
	p1 =	seq.s32 @!p0 s24, $0x0;
	s25 =	sadd.s32 @!p0 s10, s23  }
0xd9: {  	[tilespmem:s31], [sflag:$0x1] =	stream.linear.gather @!p0 [hbm4b:s25+s26], $0x800, $0x38;
	[tilespmem:$0x16190] =	vst v63  }
0xda: {  	p1 =	por p0, !p1;
	s23 =	sadd.s32 @!p0 s11, s23;
	s25 =	simm.s32 @!p0 $0xB100  }
0xdb: {  	[tilespmem:s25], [sflag:$0x1] =	stream.linear.gather @!p0 [hbm4b:s23+s26], $0x800, $0x38;
	[tilespmem:$0x16190] =	vst v63  }
0xdc: {  	_ =	swait.ge @p1 [sflag:s30], $0x2000  }
0xdd: {  	[sflag:s30] =	ssyncset.done @p1 $0x0  }
0xde: {  	[sflag:s30] =	ssyncadd.s32 @p1 $0xFFFFE000  }
0xdf: {  	_ =	swait.ge [sflag:s18], $0x1800  }
0xe0: {  	[sflag:s18] =	ssyncset.done $0x0  }
0xe1: {  	[sflag:s18] =	ssyncadd.s32 $0xFFFFE800  }
0xe2: {  	_ =	swait.ge [sflag:s18], $0x1800  }
0xe3: {  	[sflag:s18] =	ssyncset.done $0x0  }
0xe4: {  	s23 =	simm.s32 @!p0 $0x1;
	[sflag:s18] =	ssyncadd.s32 $0xFFFFE800  }
0xe5: {  	_ =	swait.ge @!p0 [sflag:s23], $0x80  }
0xe6: {  	[sflag:s23] =	ssyncset.done @!p0 $0x0  }
0xe7: {  	[sflag:s23] =	ssyncadd.s32 @!p0 $0xFFFFFF80  }
0xe8: {  	_ =	swait.ge @!p0 [sflag:s23], $0x80  }
0xe9: {  	[sflag:s23] =	ssyncset.done @!p0 $0x0  }
0xea: {  	[sflag:s23] =	ssyncadd.s32 @!p0 $0xFFFFFF80  }
0xeb: {  	_ =	swait.ge @!p0 [sflag:s23], $0x800  }
0xec: {  	[sflag:s23] =	ssyncset.done @!p0 $0x0  }
0xed: {  	[sflag:s23] =	ssyncadd.s32 @!p0 $0xFFFFF800  }
0xee: {  	_ =	swait.ge @!p0 [sflag:s23], $0x800  }
0xef: {  	[sflag:s23] =	ssyncset.done @!p0 $0x0  }
0xf0: {  	s25 =	simm.s32 @!p0 $0xC100;
	[sflag:s23] =	ssyncadd.s32 @!p0 $0xFFFFF800;
	s23 =	simm.s32 @!p0 $0x80  }
0xf1: {  	[tilespmem:s25], [sflag:$0x3] =	stream.indirect.gather @!p0 [hbm4b:s6+s23], $0x30, s21, s23, $0xb8;
	[tilespmem:$0x16190] =	vst v63  }
0xf2: {  	s21 =	simm.s32 @!p0 $0xF100  }
0xf3: {  	[tilespmem:s21], [sflag:$0x3] =	stream.indirect.gather @!p0 [hbm4b:s7+s23], $0x30, s22, s23, $0xb8;
	[tilespmem:$0x16190] =	vst v63  }
0xf4: {  	v9 =	vld [tilespmem:$0x9F80]  }
0xf5: {  	v10 =	vld [tilespmem:$0x9F90]  }
0xf6: {  	v11 =	vld [tilespmem:$0x9FA0]  }
0xf7: {  	v12 =	vld [tilespmem:$0x9FB0]  }
0xf8: {  	v13 =	vld [tilespmem:$0x9FC0]  }
0xf9: {  	[tilespmem:$0xA080] =	vst v9;
	v9 =	vld [tilespmem:$0x9FD0]  }
0xfa: {  	[tilespmem:$0xA090] =	vst v10;
	v10 =	vld [tilespmem:$0x9FE0]  }
0xfb: {  	[tilespmem:$0xA0A0] =	vst v11;
	v11 =	vld [tilespmem:$0x9FF0]  }
0xfc: {  	[tilespmem:$0xA0B0] =	vst v12  }
0xfd: {  	[tilespmem:$0xA0C0] =	vst v13  }
0xfe: {  	[tilespmem:$0xA0D0] =	vst v9  }
0xff: {  	[tilespmem:$0xA0E0] =	vst v10  }
0x100: {  	s26 =	simm.s32 $0x0;
	[tilespmem:$0xA0F0] =	vst v11  }
0x101: {  	v12 =	vld [tilespmem:s26+$0xB900]  }
0x102: {  	s22 =	simm.s32 $0xD920;
	v13 =	vld [tilespmem:s26+$0xA900]  }
0x103: {  	v9 =	vld [tilespmem:s22+$0xFFFFFFF0]  }
0x104: {  	s23 =	simm.s32 $0x10910;
	v10 =	vld [tilespmem:s22+$0xFFFFFFE0]  }
0x105: {  	v14 =	vld [tilespmem:s23+$0x0]  }
0x106: {  	v15 =	vld [tilespmem:s23+$0xFFFFFFF0]  }
0x107: {  	v16 =	vld [tilespmem:s23+$0x10]  }
0x108: {  	v11 =	vld [tilespmem:s22+$0x0];
	_ =	sdelay $0x2  }
0x109: {  	v14 =	vadd.f32 v14, v9  }
0x10a: {  	v17 =	vmul.f32 v13, v1;
	v18 =	vmul.f32 v13, v0;
	v15 =	vadd.f32 v15, v10  }
0x10b: {  	v19 =	vmul.f32 v12, v3;
	v16 =	vadd.f32 v16, v11;
	v13 =	vmul.f32 v13, v2  }
0x10c: {  	v20 =	vmul.f32 v12, v4;
	v14 =	vadd.f32 v14, v17;
	v15 =	vadd.f32 v15, v18  }
0x10d: {  	v13 =	vadd.f32 v16, v13  }
0x10e: {  	v12 =	vmul.f32 v12, v5;
	v14 =	vadd.f32 v14, v20;
	v15 =	vadd.f32 v15, v19;
	_ =	sdelay $0x1  }
0x10f: {  	v12 =	vadd.f32 v13, v12;
	v62 =	vmul.f32 $2.000000030e-01, v14;
	v63 =	vmul.f32 $2.000000030e-01, v15;
	_ =	sdelay $0x1  }
0x110: {  	v13 =	vmax.f32 v14, v62;
	v14 =	vmax.f32 v15, v63;
	v15 =	vmul.f32 $2.000000030e-01, v12  }
0x111: {  	v13 =	vmul.f32 v13, v7;
	v14 =	vmul.f32 v14, v6  }
0x112: {  	v12 =	vmax.f32 v12, v15  }
0x113: {  	v13 =	vadd.f32 v13, v14;
	v12 =	vmul.f32 v12, v8;
	_ =	sdelay $0x1  }
0x114: {  	v12 =	vadd.f32 v12, v13;
	_ =	sdelay $0x1  }
0x115: {  	(xrf2) =	vadd.scan.msk.f32 $0xffff, v12;
	_ =	sdelay $0x9  }
0x116: {  	v12, _, _ =	vpop (xrf2)  }
0x117: {  	s31 =	simm.s32 $0x14120;
	s21 =	simm.s32 $0x40;
	s26 =	simm.s32 $0x14120;
	v12 =	vmul.f32 $1.442695020e+00, v12  }
.LBB2_5:
0x118: {  	_ = 	snop  }
0x119: {  	s31 =	sadd.s32 $0x40, s31;
	s23 =	sadd.s32 $0x30, s23;
	s22 =	sadd.s32 $0x30, s22;
	v12 =	vbroadcast v12, $0xF  }
0x11a: {  	p1 =	sne.s32 s21, $0x1FC0;
	s25 =	smov.u32 s21;
	s21 =	sadd.s32 $0x40, s21  }
0x11b: {  	(erf) = vpow2.f32 v12;
	_ =	sdelay $0x4  }
0x11c: {  	s25 =	sshra.s32 s25, $0x2;
	_ =	sdelay $0x3  }
0x11d: {  	v12 =	vpop (erf)  }
0x11e: {  	v10 =	vmul.f32 v12, v10;
	v11 =	vmul.f32 v12, v11;
	v13 =	vnsel vm0, $0x0, v12  }
0x11f: {  	v9 =	vmul.f32 v12, v9;
	[tilespmem:s26+$0x10] =	vst v13  }
0x120: {  	[tilespmem:s26+$0xFFFFFFE0] =	vst v10  }
0x121: {  	[tilespmem:s26+$0xFFFFFFF0] =	vst v9  }
0x122: {  	[tilespmem:s26+$0x0] =	vst v11;
	s26 =	smov.u32 s31  }
0x123: {  	v12 =	vld [tilespmem:s25+$0xB900]  }
0x124: {  	v13 =	vld [tilespmem:s25+$0xA900]  }
0x125: {  	v9 =	vld [tilespmem:s22+$0xFFFFFFF0]  }
0x126: {  	v10 =	vld [tilespmem:s22+$0xFFFFFFE0]  }
0x127: {  	v14 =	vld [tilespmem:s23+$0x0]  }
0x128: {  	v15 =	vld [tilespmem:s23+$0xFFFFFFF0]  }
0x129: {  	v16 =	vld [tilespmem:s23+$0x10]  }
0x12a: {  	v11 =	vld [tilespmem:s22+$0x0];
	_ =	sdelay $0x1  }
0x12b: {  	v17 =	vmul.f32 v13, v0;
	v18 =	vmul.f32 v13, v1;
	v14 =	vadd.f32 v14, v9  }
0x12c: {  	v19 =	vmul.f32 v12, v3;
	v20 =	vmul.f32 v12, v4;
	v15 =	vadd.f32 v15, v10  }
0x12d: {  	v12 =	vmul.f32 v12, v5;
	v14 =	vadd.f32 v14, v18  }
0x12e: {  	v13 =	vmul.f32 v13, v2;
	v15 =	vadd.f32 v15, v17;
	v16 =	vadd.f32 v16, v11  }
0x12f: {  	v14 =	vadd.f32 v14, v20  }
0x130: {  	v15 =	vadd.f32 v15, v19;
	v13 =	vadd.f32 v16, v13  }
0x131: {  	v16 =	vmul.f32 $2.000000030e-01, v14  }
0x132: {  	v17 =	vmul.f32 $2.000000030e-01, v15;
	v12 =	vadd.f32 v13, v12  }
0x133: {  	v13 =	vmax.f32 v14, v16  }
0x134: {  	v14 =	vmax.f32 v15, v17;
	v13 =	vmul.f32 v13, v7;
	v15 =	vmul.f32 $2.000000030e-01, v12  }
0x135: {  	v14 =	vmul.f32 v14, v6  }
0x136: {  	v12 =	vmax.f32 v12, v15  }
0x137: {  	v13 =	vadd.f32 v13, v14;
	v12 =	vmul.f32 v12, v8;
	_ =	sdelay $0x1  }
0x138: {  	v12 =	vadd.f32 v12, v13;
	_ =	sdelay $0x1  }
0x139: {  	(xrf2) =	vadd.scan.msk.f32 $0xffff, v12;
	_ =	sdelay $0x6  }
.Ltmp3:
0x13a: {  	(pc) =	sbr.rel @p1 .LBB2_5-.Ltmp3, $3  }
0x13b: {  	_ =	sdelay $0x1  }
0x13c: {  	v12, _, _ =	vpop (xrf2)  }
0x13d: {  	v12 =	vmul.f32 $1.442695020e+00, v12  }
0x13e: {  	_ = 	snop  }
0x13f: {  	v12 =	vbroadcast v12, $0xF;
	_ =	sdelay $0x1  }
0x140: {  	(erf) = vpow2.f32 v12;
	_ =	sdelay $0x8  }
0x141: {  	v12 =	vpop (erf)  }
0x142: {  	v10 =	vmul.f32 v12, v10;
	v13 =	vnsel vm0, $0x0, v12  }
.Ltmp4:
0x143: {  	v9 =	vmul.f32 v12, v9;
	[tilespmem:s26+$0x10] =	vst v13;
	(pc) =	sbr.rel @p0 .LBB2_8-.Ltmp4, $4  }
0x144: {  	v11 =	vmul.f32 v12, v11;
	[tilespmem:s26+$0xFFFFFFE0] =	vst v10  }
0x145: {  	[tilespmem:s26+$0xFFFFFFF0] =	vst v9  }
0x146: {  	[tilespmem:s26+$0x0] =	vst v11  }
0x147: {  	[spmem:s3] =	stream.indirect.scatter.add.f32 [tilespmem:s29], [sflag:$0x6], $0x40, s19, s0, $0xb8;
	[tilespmem:$0x16190] =	vst v63  }
0x148: {  	s20 =	sadd.s32 $0x180, s20  }
0x149: {  	s21 =	sshrl.u32 s20, $0x3  }
0x14a: {  	s22 =	sadd.s32 s8, s21  }
0x14b: {  	[tilespmem:s1], [sflag:$0x2] =	stream.linear.gather [hbm4b:s22+s4], $0x80, $0x38;
	[tilespmem:$0x16190] =	vst v63  }
0x14c: {  	s20 =	sshll.u32 s20, $0x1;
	s21 =	sadd.s32 s9, s21  }
0x14d: {  	[tilespmem:s2], [sflag:$0x2] =	stream.linear.gather [hbm4b:s21+s4], $0x80, $0x38;
	[tilespmem:$0x16190] =	vst v63  }
.Ltmp5:
0x14e: {  	s20 =	sand.u32 $0x1FFFFF00, s20;
	(pc) =	sbr.rel .LBB2_2-.Ltmp5, $4  }
0x14f: {  	s31 =	simm.s32 $0xA900;
	s26 =	sadd.s32 s10, s20  }
0x150: {  	[tilespmem:s31], [sflag:$0x2] =	stream.linear.gather [hbm4b:s26+s4], $0x800, $0x38;
	[tilespmem:$0x16190] =	vst v63  }
0x151: {  	s24 =	sadd.s32 $0x1, s24;
	s20 =	sadd.s32 s11, s20  }
0x152: {  	[tilespmem:s28], [sflag:$0x2] =	stream.linear.gather [hbm4b:s20+s4], $0x800, $0x38;
	[tilespmem:$0x16190] =	vst v63  }
.LBB2_9:
0x153: {  	_ =	sfence.sel $0x180000  }
0x154: {  	[bflag:$0x0] =	sbarrier.arrive $0xFFFF  }
0x155: {  	_ =	strace $0x9000004A  }
0x156: {  	s0 =	stileid.u32;
	[bflag:$0x2] =	sbarrier.arrive $0xFFFF  }
0x157: {  	p0 =	sne.s32 s0, $0x0;
	s0 =	rddreg [dreg:$0x4]  }
0x158: {  	s0 =	sadd.s32 @!p0 $0x100000, s0  }
0x159: {  	[sflag:s0] =	ssyncadd.tile.s32 @!p0 $0x1;
	_ =	shalt  }
.Lfunc_end2:
_tile_overlayer_lowered:
.L_overlay_start_2:
0x15a: {  	(tag) =	ssettag $0x2  }
0x15b: {  	s0 =	rddreg [dreg:$0x0];
	s2 =	stileid.u32  }
0x15c: {  	s1 =	rddreg [dreg:$0x1];
	p0 =	sne.s32 s2, $0x0  }
0x15d: {  	s3 =	rddreg [dreg:$0x2];
	[bflag:$0x3] =	sbarrier.arrive $0xFFFF;
	s2 =	simm.s32 @!p0 $0x1C07  }
0x15e: {  	[timem:s3], [sflag:s2] =	dma.local @!p0 [hbm:s0], s1  }
0x15f: {  	s0 =	simm.s32 @!p0 $0x7  }
0x160: {  	_ =	swait.ge @!p0 [sflag:s0], s1  }
0x161: {  	s1 =	ssub.s32 @!p0 $0x0, s1;
	[sflag:s0] =	ssyncset.done @!p0 $0x0  }
0x162: {  	[sflag:s0] =	ssyncadd.s32 @!p0 s1  }
0x163: {  	[bflag:$0x3] =	sbarrier.arrive $0xFFFF  }
0x164: {  	_ =	shalt  }

// kernel: kernel.7.cloned.1.call-start
scs
__scs_entry_jumppad:
0x0: {  	(pc) =	sbr.rel $0x88, $3  }
0x1: {  	(tag) =	ssettag $0x0;
	lr =	simm.s32 $0x1  }
0x2: {  	[smem:$0x3F85] =	sst lr;
	_ =	strace $0xD0000000  }
0x3: {  	_ = 	snop  }
0x4: {  	_ = 	snop  }
0x5: {  	_ = 	snop  }
0x6: {  	_ = 	snop  }
0x7: {  	_ = 	snop  }
__scs_overlays_trampoline_lowered:
0x8: {  	[smem:$0x3F94] =	sst s0  }
0x9: {  	[smem:$0x3F95] =	sst s1  }
0xa: {  	[smem:$0x3F96] =	sst s2  }
0xb: {  	[smem:$0x3F97] =	sst s3  }
0xc: {  	[smem:$0x3F98] =	sst s4  }
0xd: {  	[smem:$0x3F99] =	sst s5  }
0xe: {  	[smem:$0x3F9A] =	sst s6  }
0xf: {  	[smem:$0x3F9B] =	sst s7  }
0x10: {  	[smem:$0x3F9C] =	sst s8  }
0x11: {  	[smem:$0x3F9D] =	sst s9;
	s0 =	simm.s32 @!p0 $0x0  }
0x12: {  	s1 =	sld [smem:$0x3F83];
	s0 =	simm.s32 @p0 $0x1  }
0x13: {  	[smem:$0x3F9E] =	sst s0;
	s0 =	simm.s32 @!p1 $0x0  }
0x14: {  	s2 =	sld [smem:$0x3F82];
	s0 =	simm.s32 @p1 $0x1  }
0x15: {  	[smem:$0x3F9F] =	sst s0;
	s0 =	simm.s32 @!p2 $0x0  }
0x16: {  	s3 =	sld [smem:$0x3FDB];
	s0 =	simm.s32 @p2 $0x1  }
0x17: {  	s4 =	simm.s32 $0x1BF5;
	[smem:$0x3FA1] =	sst s0  }
0x18: {  	s0 =	sld [smem:$0x3F84];
	_ =	swait.ge [sflag:s4], $0x0  }
0x19: {  	s7 =	sld [smem:$0x3F85]  }
0x1a: {  	s8 =	sadd.s32 $0xFFFFE003, lr  }
0x1b: {  	s9 =	sadd.s32 $0xFFFFFEF7, lr;
	s5 =	simm.s32 $0xFFFFFFFF;
	p2 =	slt.u32 s8, $0xFFFFF086  }
0x1c: {  	p1 =	slt.u32 s9, $0xF7A;
	s5 =	simm.s32 @!p2 $0x0  }
0x1d: {  	s5 =	simm.s32 @p1 $0x1;
	p0 =	seq.s32 s7, s2  }
0x1e: {  	s7 =	smul.u32 @!p0 $0xF7A, s2;
	p2 =	seq.s32 @!p0 s5, $0x0  }
0x1f: {  	s9 =	smul.u32 $0xF7A, s1;
	s8 =	simm.s32 @!p0 $0x1BF5;
	p2 =	por !p2, p0  }
0x20: {  	[sflag:s8] =	ssyncset.s32 @!p0 $0xFFFFF086;
	s6 =	sadd.s32 @!p0 s3, s7;
	s7 =	simm.s32 @!p0 $0x108  }
0x21: {  	s3 =	sadd.s32 s3, s9;
	s6 =	sadd.s32 @!p0 $0x88, s6;
	s7 =	simm.s32 @p2 $0x1082  }
0x22: {  	[simem:s7], [sflag:s8] =	dma.local @!p0 [hbm:s6], $0xF7A  }
0x23: {  	s9 =	sor.u32 $0xD0000000, s2;
	s6 =	simm.s32 $0x108;
	_ =	swait.ge @!p0 [sflag:s8], $0x0  }
0x24: {  	s3 =	sadd.s32 $0x88, s3;
	s6 =	simm.s32 @!p1 $0x1082;
	[sflag:s4] =	ssyncset.s32 $0xFFFFF086  }
0x25: {  	[simem:s6], [sflag:s4] =	dma.local [hbm:s3], $0xF7A  }
0x26: {  	[smem:$0x3F85] =	sst s1;
	(tag) =	ssettag s2;
	_ =	strace s9  }
0x27: {  	s1 =	sld [smem:$0x3F95]  }
0x28: {  	s2 =	sld [smem:$0x3F96]  }
0x29: {  	s4 =	sld [smem:$0x3F98]  }
0x2a: {  	p0 =	seq.s32 s5, $0x0;
	s5 =	sld [smem:$0x3F99]  }
0x2b: {  	s6 =	sld [smem:$0x3F9A]  }
0x2c: {  	s7 =	sld [smem:$0x3F9B]  }
0x2d: {  	s3 =	simm.s32 $0x108;
	s8 =	sld [smem:$0x3F9C]  }
0x2e: {  	s3 =	simm.s32 @!p0 $0x1082;
	s9 =	sld [smem:$0x3F9D]  }
0x2f: {  	lr =	sadd.s32 s0, s3;
	s0 =	sld [smem:$0x3F94]  }
0x30: {  	s3 =	sld [smem:$0x3F97]  }
0x31: {  	[smem:$0x3FA0] =	sst s10  }
0x32: {  	s10 =	sld [smem:$0x3F9E];
	_ =	sdelay $0x3  }
0x33: {  	p0 =	seq.s32 s10, $0x1;
	s10 =	sld [smem:$0x3FA0];
	_ =	sdelay $0x3  }
0x34: {  	[smem:$0x3FA0] =	sst s10  }
0x35: {  	s10 =	sld [smem:$0x3F9F];
	_ =	sdelay $0x3  }
0x36: {  	p1 =	seq.s32 s10, $0x1;
	s10 =	sld [smem:$0x3FA0];
	_ =	sdelay $0x3  }
0x37: {  	[smem:$0x3FA0] =	sst s10  }
0x38: {  	s10 =	sld [smem:$0x3FA1]  }
0x39: {  	_ = 	snop;
	(pc) =	sbr.ind lr, $3  }
0x3a: {  	_ = 	snop  }
0x3b: {  	_ = 	snop  }
0x3c: {  	p2 =	seq.s32 s10, $0x1;
	s10 =	sld [smem:$0x3FA0]  }
0x3d: {  	_ =	shalt  }
0x3e: {  	_ =	shalt  }
0x3f: {  	_ =	shalt  }
0x40: {  	_ =	shalt  }
0x41: {  	_ =	shalt  }
0x42: {  	_ =	shalt  }
0x43: {  	_ =	shalt  }
0x44: {  	_ =	shalt  }
0x45: {  	_ =	shalt  }
0x46: {  	_ =	shalt  }
0x47: {  	_ =	shalt  }
0x48: {  	_ =	shalt  }
0x49: {  	_ =	shalt  }
0x4a: {  	_ =	shalt  }
0x4b: {  	_ =	shalt  }
0x4c: {  	_ =	shalt  }
0x4d: {  	_ =	shalt  }
0x4e: {  	_ =	shalt  }
0x4f: {  	_ =	shalt  }
0x50: {  	_ =	shalt  }
0x51: {  	_ =	shalt  }
0x52: {  	_ =	shalt  }
0x53: {  	_ =	shalt  }
0x54: {  	_ =	shalt  }
0x55: {  	_ =	shalt  }
0x56: {  	_ =	shalt  }
0x57: {  	_ =	shalt  }
0x58: {  	_ =	shalt  }
0x59: {  	_ =	shalt  }
0x5a: {  	_ =	shalt  }
0x5b: {  	_ =	shalt  }
0x5c: {  	_ =	shalt  }
0x5d: {  	_ =	shalt  }
0x5e: {  	_ =	shalt  }
0x5f: {  	_ =	shalt  }
0x60: {  	_ =	shalt  }
0x61: {  	_ =	shalt  }
0x62: {  	_ =	shalt  }
0x63: {  	_ =	shalt  }
0x64: {  	_ =	shalt  }
0x65: {  	_ =	shalt  }
0x66: {  	_ =	shalt  }
0x67: {  	_ =	shalt  }
0x68: {  	_ =	shalt  }
0x69: {  	_ =	shalt  }
0x6a: {  	_ =	shalt  }
0x6b: {  	_ =	shalt  }
0x6c: {  	_ =	shalt  }
0x6d: {  	_ =	shalt  }
0x6e: {  	_ =	shalt  }
0x6f: {  	_ =	shalt  }
0x70: {  	_ =	shalt  }
0x71: {  	_ =	shalt  }
0x72: {  	_ =	shalt  }
0x73: {  	_ =	shalt  }
0x74: {  	_ =	shalt  }
0x75: {  	_ =	shalt  }
0x76: {  	_ =	shalt  }
0x77: {  	_ =	shalt  }
0x78: {  	_ =	shalt  }
0x79: {  	_ =	shalt  }
0x7a: {  	_ =	shalt  }
0x7b: {  	_ =	shalt  }
0x7c: {  	_ =	shalt  }
0x7d: {  	_ =	shalt  }
0x7e: {  	_ =	shalt  }
0x7f: {  	_ =	shalt  }
0x80: {  	_ =	shalt  }
0x81: {  	_ =	shalt  }
0x82: {  	_ =	shalt  }
0x83: {  	_ =	shalt  }
0x84: {  	_ =	shalt  }
0x85: {  	_ =	shalt  }
0x86: {  	_ =	shalt  }
0x87: {  	_ =	shalt  }
.Lfunc_end0:
.L_simem_size_0:
called_computation_lowered:
.L_overlay_start_0:
0x88: {  	s2 =	sld [smem:$0x3FD9]  }
0x89: {  	s3 =	sld [smem:$0x3FFE];
	_ =	sdelay $0x1  }
0x8a: {  	s1 =	srdreg.scid  }
0x8b: {  	s0 =	sand.u32 $0x1, s1  }
0x8c: {  	s16 =	sshll.u32 s0, $0xA;
	s2 =	sadd.s32 s3, s2  }
0x8d: {  	s2 =	sadd.s32 s2, s16  }
0x8e: {  	[smem:$0x3FAC] =	sst s2  }
0x8f: {  	_ = 	snop  }
0x90: {  	(tm) =	ssettm $0x1  }
0x91: {  	s17 =	sld [smem:$0x3FFB];
	_ =	sdelay $0x3  }
0x92: {  	_ =	strace s17  }
0x93: {  	s2 =	sld [smem:$0x3FFC];
	_ =	sdelay $0x3  }
0x94: {  	_ =	strace s2  }
0x95: {  	s2 =	sld [smem:$0x3FFD];
	_ =	sdelay $0x3  }
0x96: {  	_ =	strace s2  }
0x97: {  	_ =	strace $0x8FFFFFFF  }
0x98: {  	s18 =	sld [smem:$0x3FDB];
	_ =	sdelay $0x1  }
0x99: {  	s19 =	simm.s32 $_scs_section_size  }
0x9a: {  	s4 =	simm.s32 $_size__tile_overlayer_lowered;
	s5 =	simm.s32 $_tile_overlayer_lowered  }
0x9b: {  	s22 =	simm.s32 $0x1BFF;
	s21 =	sshll.u32 s5, $0x1;
	s2 =	sadd.s32 s19, s18  }
0x9c: {  	s6 =	simm.s32 $0x0;
	s20 =	sshll.u32 s4, $0x1;
	s4 =	sadd.s32 s21, s2  }
0x9d: {  	[timem:s6], [sflag:s22] =	dma.local [hbm:s4], s20  }
0x9e: {  	_ =	swait.ge [sflag:s22], s20  }
0x9f: {  	s3 =	ssub.s32 $0x0, s20;
	[sflag:s22] =	ssyncset.done $0x0  }
0xa0: {  	[sflag:s22] =	ssyncadd.s32 s3;
	_ =	sdelay $0x1  }
0xa1: {  	s23 =	simm.s32 $0x1B8B  }
0xa2: {  	_ =	swait.ge [sflag:s23], $0x1  }
0xa3: {  	[sflag:s23] =	ssyncset.done $0x0  }
0xa4: {  	s25 =	simm.s32 $0x1B8E;
	s24 =	sld [smem:$0x3FFE];
	[sflag:s23] =	ssyncadd.s32 $0xFFFFFFFF  }
0xa5: {  	s26 =	simm.s32 $execute0_lowered;
	[smem:$0x3FD2] =	sst s25  }
0xa6: {  	s4 =	sshll.u32 s26, $0x1;
	_ =	strace $0x80000046;
	[dreg:$0x1] =	wrdreg $0xFFFFFFFF  }
0xa7: {  	s28 =	simm.s32 $_size_execute0_lowered;
	s2 =	sadd.s32 s2, s4;
	[dreg:$0x0] =	wrdreg $0x0  }
0xa8: {  	s4 =	sshll.u32 s28, $0x1;
	[dreg:$0x2] =	wrdreg s2  }
0xa9: {  	[dreg:$0x3] =	wrdreg s4  }
0xaa: {  	[dreg:$0x4] =	wrdreg $0xC0  }
0xab: {  	_ =	task [dreg:s6], $0x5FFFF  }
0xac: {  	[dreg:$0x1] =	wrdreg $0xFFFFFFFF  }
0xad: {  	[dreg:$0x0] =	wrdreg $0x60  }
0xae: {  	[dreg:$0x2] =	wrdreg s24  }
0xaf: {  	[dreg:$0x3] =	wrdreg $0x0  }
0xb0: {  	[dreg:$0x4] =	wrdreg $0x9  }
0xb1: {  	_ =	task.clear_ibuf [dreg:s6], $0x5FFFF;
	_ =	strace $0x90000046  }
0xb2: {  	s29 =	simm.s32 $0x9;
	_ =	strace $0x80000048  }
0xb3: {  	_ =	swait.ge [sflag:s29], $0x1  }
0xb4: {  	[sflag:s29] =	ssyncadd.s32 $0xFFFFFFFF  }
0xb5: {  	_ =	strace $0x90000048  }
0xb6: {  	_ =	sfence  }
0xb7: {  	s30 =	sld [smem:$0x0];
	_ =	sdelay $0x2  }
0xb8: {  	s31 =	sshll.u32 s1, $0xD;
	s1 =	sshrl.u32 s1, $0x2  }
0xb9: {  	s3 =	sand.u32 $0x4000, s31;
	s1 =	sadd.s32 s1, s30  }
0xba: {  	s0 =	sor.u32 s3, s0;
	s1 =	sshll.u32 s1, $0x11  }
0xbb: {  	s0 =	sor.u32 s1, s0  }
0xbc: {  	s0 =	sadd.s32 $0x8F2B, s0  }
0xbd: {  	[sflag:s0] =	ssyncadd.remote.s32 $0x1  }
0xbe: {  	_ =	sfence.sel $0xFFFF  }
0xbf: {  	[dreg:$0x0] =	wrdreg $0xFFFFFFFF;
	(pc) =	sbr.abs _section_cstart, $3  }
0xc0: {  	[dreg:$0x1] =	wrdreg $0xFFFFFFFF  }
0xc1: {  	_ =	task.clear_ibuf [dreg:s6], $0x2FFFF;
	_ =	strace $0x9FFFFFFF  }
0xc2: {  	(tm) =	ssettm $0x7FFFFFFF  }
0xc3: {  	_ =	shalt  }
tec
execute0_lowered:
.L_overlay_start_1:
0x0: {  	(tag) =	ssettag $0x1  }
0x1: {  	s0 =	rddreg [dreg:$0x0]  }
0x2: {  	s1 =	rddreg [dreg:$0x1]  }
0x3: {  	s2 =	simm.s32 $0x0;
	s12 =	stileid.u32;
	s28 =	simm.s32 $0x11540  }
0x4: {  	s29 =	simm.s32 $0x115C0;
	s30 =	simm.s32 $0x1A200;
	[smem:$0x7FF] =	sst s2  }
0x5: {  	s3 =	srdreg.scid;
	s5 =	sadd.s32 $0x1D6A00, s0;
	s6 =	sadd.s32 $0x1CCA00, s0  }
0x6: {  	s4 =	sadd.s32 $0x6F000, s0;
	s7 =	sadd.s32 $0x12CA00, s0;
	s10 =	smul.u32 $0x11480, s12  }
0x7: {  	s3 =	sand.u32 $0x1, s3;
	s8 =	sadd.s32 $0x51600, s0;
	s9 =	sadd.s32 $0x8CA00, s0  }
0x8: {  	s13 =	sadd.s32 $0x1400, s0;
	s14 =	sadd.s32 $0x1600, s0;
	s12 =	sshll.u32 s12, $0x1  }
0x9: {  	_ =	strace $0x80000047;
	s11 =	smul.u32 $0x114800, s3;
	[dreg:$0x3] =	wrdreg s13  }
0xa: {  	[dreg:$0x4] =	wrdreg s14;
	s14 =	sor.u32 s3, s12;
	s3 =	ssub.s32 $0x2, s3  }
0xb: {  	s15 =	sshrl.u32 s10, $0x3;
	s12 =	smul.u32 $0x2800, s14;
	s16 =	sshrl.u32 s3, $0x1  }
0xc: {  	s14 =	smul.u32 $0x5000, s14;
	s11 =	sadd.s32 s10, s11;
	s13 =	sadd.s32 s15, s0  }
0xd: {  	s3 =	ssub.s32 s3, s16;
	s10 =	sadd.s32 s10, s1;
	s15 =	simm.s32 $0x16E00  }
0xe: {  	s16 =	simm.s32 $0x11580;
	s11 =	sshrl.u32 s11, $0x3;
	s17 =	sshrl.u32 s12, $0x3  }
0xf: {  	[dreg:$0x5] =	wrdreg s10;
	s18 =	sadd.s32 $0x1E0A00, s13;
	s21 =	sadd.s32 s7, s14  }
0x10: {  	s22 =	sor.u32 $0x40, s12;
	s23 =	sadd.s32 s9, s14;
	[dreg:$0x6] =	wrdreg s18  }
0x11: {  	s31 =	smax.u32 s3, $0x1;
	s13 =	simm.s32 $0x2;
	[dreg:$0x9] =	wrdreg s21  }
0x12: {  	s14 =	simm.s32 $0x13E00;
	s0 =	sadd.s32 s11, s0;
	[dreg:$0xa] =	wrdreg s23  }
0x13: {  	s19 =	sadd.s32 s5, s17;
	s20 =	sadd.s32 s6, s17;
	[dreg:$0x10] =	wrdreg s31  }
0x14: {  	s24 =	sshrl.u32 s22, $0x3;
	s10 =	sshll.u32 s22, $0x1;
	[dreg:$0x7] =	wrdreg s19  }
0x15: {  	s21 =	simm.s32 $0x7;
	[dreg:$0x8] =	wrdreg s20;
	s25 =	sadd.s32 s5, s24  }
0x16: {  	s17 =	simm.s32 $0x18600;
	s11 =	sadd.s32 s6, s24;
	[dreg:$0xb] =	wrdreg s25  }
.Ltmp0:
0x17: {  	s26 =	sadd.s32 s7, s10;
	[dreg:$0xc] =	wrdreg s11;
	(pc) =	sbr.rel .LBB2_1-.Ltmp0, $4  }
0x18: {  	s18 =	simm.s32 $0x4;
	s10 =	sadd.s32 s9, s10;
	[dreg:$0xd] =	wrdreg s26  }
0x19: {  	s0 =	sadd.s32 $0x203400, s0;
	s20 =	simm.s32 $0x6;
	[dreg:$0xe] =	wrdreg s10  }
0x1a: {  	s19 =	simm.s32 $0x0;
	[dreg:$0xf] =	wrdreg s0;
	s25 =	simm.s32 $0x114C0  }
0x1b: {  	vm0 =	vmmov $0x1;
	vm1 =	vcmask $0x308;
	s0 =	simm.s32 $0x12200;
	s10 =	simm.s32 $0x40;
	s11 =	simm.s32 $0x3  }
.LBB2_8:
0x1c: {  	s3 =	simm.s32 $0x5  }
0x1d: {  	_ =	swait.ge [sflag:s3], $0x1C00  }
0x1e: {  	[sflag:s3] =	ssyncset.done $0x0  }
0x1f: {  	[sflag:s3] =	ssyncadd.s32 $0xFFFFE400  }
0x20: {  	_ =	swait.ge [sflag:s20], $0x1C00  }
0x21: {  	[sflag:s20] =	ssyncset.done $0x0  }
0x22: {  	[sflag:s20] =	ssyncadd.s32 $0xFFFFE400  }
0x23: {  	[bflag:$0x0] =	sbarrier.arrive $0xFFFF  }
0x24: {  	s24 =	rddreg [dreg:$0xf]  }
0x25: {  	s19 =	rddreg [dreg:$0x12]  }
0x26: {  	s21 =	rddreg [dreg:$0x13]  }
0x27: {  	[hbm:s24], [sflag:s19] =	dma.local [spmem:s21], $0x2290  }
0x28: {  	s21 =	simm.s32 $0x7  }
0x29: {  	_ =	swait.ge [sflag:s21], $0x2290  }
0x2a: {  	s26 =	rddreg [dreg:$0x11]  }
0x2b: {  	s31 =	rddreg [dreg:$0x10];
	s19 =	sadd.s32 $0x1, s26  }
0x2c: {  	p0 =	sne.s32 s19, s31  }
.Ltmp1:
0x2d: {  	_ = 	snop;
	(pc) =	sbr.rel @!p0 .LBB2_9-.Ltmp1, $3  }
0x2e: {  	_ =	sdelay $0x1  }
0x2f: {  	[sflag:s21] =	ssyncset.done $0x0  }
0x30: {  	[sflag:s21] =	ssyncadd.s32 $0xFFFFDD70  }
.LBB2_1:
0x31: {  	[dreg:$0x11] =	wrdreg s19  }
0x32: {  	s3 =	rddreg [dreg:$0x3];
	s31 =	simm.s32 $0x1BE00  }
0x33: {  	[tilespmem:s31], [sflag:$0x7] =	stream.linear.gather [hbm4b:s3+s2], $0xC0, $0x38;
	[tilespmem:$0x1BF20] =	vst v63  }
0x34: {  	s23 =	stileid.u32;
	_ =	swait.ge [sflag:s21], $0xC0  }
0x35: {  	s22 =	simm.s32 $0x1BEC0;
	s3 =	sshll.u32 s23, $0x6;
	[sflag:s21] =	ssyncset.done $0x0  }
0x36: {  	s24 =	sor.u32 $0x1C07, s3;
	s19 =	rddreg [dreg:$0x4];
	[sflag:s21] =	ssyncadd.s32 $0xFFFFFF40  }
0x37: {  	[tilespmem:s22], [sflag:$0x7] =	stream.linear.gather [hbm4b:s19+s2], $0x60, $0x38;
	[tilespmem:$0x1BF20] =	vst v63  }
0x38: {  	_ =	swait.ge [sflag:s21], $0x60;
	[dreg:$0x12] =	wrdreg s24  }
0x39: {  	s26 =	rddreg [dreg:$0x5]  }
0x3a: {  	[sflag:s21] =	ssyncset.done $0x0;
	s31 =	rddreg [dreg:$0x6];
	s22 =	sshrl.u32 s26, $0x3  }
0x3b: {  	[sflag:s21] =	ssyncadd.s32 $0xFFFFFFA0;
	[dreg:$0x13] =	wrdreg s22  }
0x3c: {  	[spmem:s22], [sflag:s24] =	dma.local [hbm:s31], $0x2290  }
0x3d: {  	_ =	swait.ge [sflag:s21], $0x2290  }
0x3e: {  	[sflag:s21] =	ssyncset.done $0x0  }
0x3f: {  	[sflag:s21] =	ssyncadd.s32 $0xFFFFDD70  }
0x40: {  	[bflag:$0x0] =	sbarrier.arrive $0xFFFF  }
0x41: {  	v0 =	vld [tilespmem:$0x1BE00]  }
0x42: {  	v1 =	vld [tilespmem:$0x1BE10]  }
0x43: {  	v2 =	vld [tilespmem:$0x1BE20]  }
0x44: {  	v3 =	vld [tilespmem:$0x1BE30]  }
0x45: {  	v4 =	vld [tilespmem:$0x1BE40]  }
0x46: {  	v5 =	vld [tilespmem:$0x1BE50]  }
0x47: {  	v6 =	vld [tilespmem:$0x1BE60]  }
0x48: {  	v7 =	vld [tilespmem:$0x1BE70]  }
0x49: {  	v8 =	vld [tilespmem:$0x1BE80]  }
0x4a: {  	v9 =	vld [tilespmem:$0x1BE90]  }
0x4b: {  	v10 =	vld [tilespmem:$0x1BEA0]  }
0x4c: {  	v11 =	vld [tilespmem:$0x1BEB0]  }
0x4d: {  	v12 =	vld [tilespmem:$0x1BEC0]  }
0x4e: {  	v13 =	vld [tilespmem:$0x1BED0]  }
0x4f: {  	v14 =	vld [tilespmem:$0x1BEE0]  }
0x50: {  	v15 =	vld [tilespmem:$0x1BEF0]  }
0x51: {  	s19 =	simm.s32 $0x11480;
	v16 =	vld [tilespmem:$0x1BF00];
	s21 =	rddreg [dreg:$0x7]  }
0x52: {  	v17 =	vld [tilespmem:$0x1BF10];
	[tilespmem:s19], [sflag:$0x1] =	stream.linear.gather [hbm4b:s21+s2], $0x40, $0x38  }
0x53: {  	s22 =	rddreg [dreg:$0x8];
	s21 =	simm.s32 $0x11500  }
0x54: {  	[tilespmem:s21], [sflag:$0x1] =	stream.linear.gather [hbm4b:s22+s2], $0x40, $0x38;
	[tilespmem:$0x1BF20] =	vst v63  }
0x55: {  	s24 =	simm.s32 $0x11600;
	s23 =	rddreg [dreg:$0x9]  }
0x56: {  	[tilespmem:s24], [sflag:$0x1] =	stream.linear.gather [hbm4b:s23+s2], $0x400, $0x38;
	[tilespmem:$0x1BF20] =	vst v63  }
0x57: {  	s31 =	simm.s32 $0x11E00;
	s26 =	rddreg [dreg:$0xa]  }
0x58: {  	[tilespmem:s31], [sflag:$0x1] =	stream.linear.gather [hbm4b:s26+s2], $0x400, $0x38;
	[tilespmem:$0x1BF20] =	vst v63  }
0x59: {  	s23 =	rddreg [dreg:$0xb]  }
0x5a: {  	[tilespmem:s25], [sflag:$0x2] =	stream.linear.gather [hbm4b:s23+s2], $0x40, $0x38;
	[tilespmem:$0x1BF20] =	vst v63  }
0x5b: {  	s24 =	rddreg [dreg:$0xc]  }
0x5c: {  	[tilespmem:s28], [sflag:$0x2] =	stream.linear.gather [hbm4b:s24+s2], $0x40, $0x38;
	[tilespmem:$0x1BF20] =	vst v63  }
0x5d: {  	s26 =	rddreg [dreg:$0xd];
	s31 =	simm.s32 $0x11A00  }
0x5e: {  	[tilespmem:s31], [sflag:$0x2] =	stream.linear.gather [hbm4b:s26+s2], $0x400, $0x38;
	[tilespmem:$0x1BF20] =	vst v63  }
0x5f: {  	s23 =	rddreg [dreg:$0xe];
	s24 =	simm.s32 $0x1  }
0x60: {  	[tilespmem:s0], [sflag:$0x2] =	stream.linear.gather [hbm4b:s23+s2], $0x400, $0x38;
	[tilespmem:$0x1BF20] =	vst v63  }
0x61: {  	_ =	swait.ge [sflag:s24], $0x40  }
0x62: {  	[sflag:s24] =	ssyncset.done $0x0  }
0x63: {  	[sflag:s24] =	ssyncadd.s32 $0xFFFFFFC0  }
0x64: {  	_ =	swait.ge [sflag:s24], $0x40  }
0x65: {  	[sflag:s24] =	ssyncset.done $0x0  }
0x66: {  	[sflag:s24] =	ssyncadd.s32 $0xFFFFFFC0  }
0x67: {  	_ =	swait.ge [sflag:s24], $0x400  }
0x68: {  	[sflag:s24] =	ssyncset.done $0x0  }
0x69: {  	[sflag:s24] =	ssyncadd.s32 $0xFFFFFC00  }
0x6a: {  	_ =	swait.ge [sflag:s24], $0x400  }
0x6b: {  	[sflag:s24] =	ssyncset.done $0x0  }
0x6c: {  	s26 =	simm.s32 $0x12600;
	[sflag:s24] =	ssyncadd.s32 $0xFFFFFC00  }
0x6d: {  	[tilespmem:s26], [sflag:$0x3] =	stream.indirect.gather [hbm4b:s4+s10], $0x60, s19, s10, $0xb8;
	[tilespmem:$0x1BF20] =	vst v63  }
0x6e: {  	s31 =	simm.s32 $0x15600;
	s24 =	simm.s32 $0x0  }
0x6f: {  	[tilespmem:s31], [sflag:$0x3] =	stream.indirect.gather [hbm4b:s8+s10], $0x60, s21, s10, $0xb8;
	[tilespmem:$0x1BF20] =	vst v63  }
.LBB2_2:
0x70: {  	p0 =	seq.s32 s24, $0x0  }
0x71: {  	s3 =	simm.s32 @!p0 $0x5  }
0x72: {  	_ =	swait.ge @!p0 [sflag:s3], $0x1C00  }
0x73: {  	[sflag:s3] =	ssyncset.done @!p0 $0x0  }
0x74: {  	[sflag:s3] =	ssyncadd.s32 @!p0 $0xFFFFE400  }
0x75: {  	_ =	swait.ge [sflag:s11], $0x1800  }
0x76: {  	[sflag:s11] =	ssyncset.done $0x0  }
0x77: {  	[sflag:s11] =	ssyncadd.s32 $0xFFFFE800  }
0x78: {  	_ =	swait.ge [sflag:s11], $0x1800  }
0x79: {  	[sflag:s11] =	ssyncset.done $0x0  }
0x7a: {  	[sflag:s11] =	ssyncadd.s32 $0xFFFFE800  }
0x7b: {  	_ =	swait.ge [sflag:s13], $0x40  }
0x7c: {  	[sflag:s13] =	ssyncset.done $0x0  }
0x7d: {  	[sflag:s13] =	ssyncadd.s32 $0xFFFFFFC0  }
0x7e: {  	_ =	swait.ge [sflag:s13], $0x40  }
0x7f: {  	[sflag:s13] =	ssyncset.done $0x0  }
0x80: {  	[sflag:s13] =	ssyncadd.s32 $0xFFFFFFC0  }
0x81: {  	_ =	swait.ge [sflag:s13], $0x400  }
0x82: {  	[sflag:s13] =	ssyncset.done $0x0  }
0x83: {  	[sflag:s13] =	ssyncadd.s32 $0xFFFFFC00  }
0x84: {  	_ =	swait.ge [sflag:s13], $0x400  }
0x85: {  	[sflag:s13] =	ssyncset.done $0x0  }
0x86: {  	[sflag:s13] =	ssyncadd.s32 $0xFFFFFC00  }
0x87: {  	[tilespmem:s14], [sflag:$0x4] =	stream.indirect.gather [hbm4b:s4+s10], $0x60, s25, s10, $0xb8;
	[tilespmem:$0x1BF20] =	vst v63  }
0x88: {  	_ = 	snop  }
0x89: {  	[tilespmem:s15], [sflag:$0x4] =	stream.indirect.gather [hbm4b:s8+s10], $0x60, s28, s10, $0xb8;
	[tilespmem:$0x1BF20] =	vst v63  }
0x8a: {  	v18 =	vld [tilespmem:$0x11500]  }
0x8b: {  	v19 =	vld [tilespmem:$0x11510]  }
0x8c: {  	v20 =	vld [tilespmem:$0x11520]  }
0x8d: {  	v21 =	vld [tilespmem:$0x11530];
	_ =	sdelay $0x1  }
0x8e: {  	[tilespmem:$0x11580] =	vst v18  }
0x8f: {  	[tilespmem:$0x11590] =	vst v19  }
0x90: {  	[tilespmem:$0x115A0] =	vst v20  }
0x91: {  	s22 =	simm.s32 $0x12630;
	[tilespmem:$0x115B0] =	vst v21  }
0x92: {  	s26 =	simm.s32 $0x0;
	v18 =	vld [tilespmem:s22+$0xFFFFFFF0]  }
0x93: {  	s23 =	simm.s32 $0x15630;
	v24 =	vld [tilespmem:s26+$0x11600]  }
0x94: {  	v25 =	vld [tilespmem:s23+$0xFFFFFFF0]  }
0x95: {  	v20 =	vld [tilespmem:s22+$0xFFFFFFD0]  }
0x96: {  	v26 =	vld [tilespmem:s26+$0x11E00]  }
0x97: {  	v21 =	vld [tilespmem:s22+$0xFFFFFFE0]  }
0x98: {  	v23 =	vld [tilespmem:s23+$0xFFFFFFE0]  }
0x99: {  	v27 =	vld [tilespmem:s23+$0x10]  }
0x9a: {  	v28 =	vld [tilespmem:s23+$0xFFFFFFD0]  }
0x9b: {  	v19 =	vld [tilespmem:s22+$0x10]  }
0x9c: {  	v29 =	vld [tilespmem:s23+$0x0]  }
0x9d: {  	v22 =	vld [tilespmem:s22+$0x0];
	v30 =	vmul.f32 v24, v4  }
0x9e: {  	v32 =	vmul.f32 v24, v1;
	v33 =	vmul.f32 v24, v3  }
0x9f: {  	v31 =	vadd.f32 v23, v21;
	v35 =	vmul.f32 v24, v0;
	v36 =	vmul.f32 v24, v2  }
0xa0: {  	v28 =	vadd.f32 v28, v20;
	v25 =	vadd.f32 v25, v18;
	v37 =	vmul.f32 v26, v8  }
0xa1: {  	v34 =	vld [tilespmem:s23+$0x20];
	v38 =	vmul.f32 v26, v6;
	v39 =	vmul.f32 v26, v10;
	v27 =	vadd.f32 v27, v19  }
0xa2: {  	v23 =	vld [tilespmem:s22+$0x20];
	v55 =	vmul.f32 v26, v11;
	v29 =	vadd.f32 v29, v22;
	v28 =	vadd.f32 v28, v35  }
0xa3: {  	v56 =	vmul.f32 v26, v7;
	v25 =	vadd.f32 v25, v36;
	v31 =	vadd.f32 v31, v32  }
0xa4: {  	v26 =	vmul.f32 v26, v9;
	v29 =	vadd.f32 v29, v33;
	v27 =	vadd.f32 v27, v30  }
0xa5: {  	v28 =	vadd.f32 v28, v38;
	v31 =	vadd.f32 v31, v56  }
0xa6: {  	v24 =	vmul.f32 v24, v5;
	v25 =	vadd.f32 v25, v37;
	v26 =	vadd.f32 v29, v26  }
0xa7: {  	v57 =	vadd.f32 v34, v23;
	v58 =	vmul.f32 $2.000000030e-01, v28;
	v59 =	vmul.f32 $2.000000030e-01, v31  }
0xa8: {  	v27 =	vadd.f32 v27, v39;
	v60 =	vmul.f32 $2.000000030e-01, v25;
	v61 =	vmul.f32 $2.000000030e-01, v26  }
0xa9: {  	v24 =	vadd.f32 v57, v24;
	v28 =	vmax.f32 v28, v58;
	v29 =	vmax.f32 v31, v59  }
0xaa: {  	v28 =	vmul.f32 v28, v12;
	v29 =	vmul.f32 v29, v13  }
0xab: {  	v62 =	vmul.f32 $2.000000030e-01, v27;
	v25 =	vmax.f32 v25, v60;
	v24 =	vadd.f32 v24, v55  }
0xac: {  	v25 =	vmul.f32 v25, v14;
	v28 =	vadd.f32 v29, v28  }
0xad: {  	v26 =	vmax.f32 v26, v61;
	v27 =	vmax.f32 v27, v62;
	v63 =	vmul.f32 $2.000000030e-01, v24  }
0xae: {  	v27 =	vmul.f32 v27, v16;
	v26 =	vmul.f32 v26, v15;
	v25 =	vadd.f32 v25, v28  }
0xaf: {  	v24 =	vmax.f32 v24, v63  }
0xb0: {  	v26 =	vadd.f32 v27, v26;
	v24 =	vmul.f32 v24, v17;
	(xrf2) =	vadd.scan.msk.f32 $0xffff, v25;
	_ =	sdelay $0x1  }
0xb1: {  	v24 =	vadd.f32 v24, v26  }
0xb2: {  	s31 =	sshll.u32 s24, $0x7;
	s21 =	simm.s32 $0x40  }
0xb3: {  	s19 =	sadd.s32 s12, s31;
	s3 =	simm.s32 $0x18630;
	s26 =	simm.s32 $0x18630;
	(xrf2) =	vadd.scan.msk.f32 $0xffff, v24  }
.LBB2_3:
0xb4: {  	_ =	sdelay $0x4  }
0xb5: {  	s3 =	sadd.s32 $0x70, s3;
	s23 =	sadd.s32 $0x60, s23;
	s22 =	sadd.s32 $0x60, s22;
	v24, _, _ =	vpop (xrf2)  }
0xb6: {  	p0 =	sne.s32 s21, $0xFC0;
	s31 =	smov.u32 s21;
	s21 =	sadd.s32 $0x40, s21;
	v24 =	vmul.f32 $1.442695020e+00, v24  }
0xb7: {  	_ = 	snop  }
0xb8: {  	v24 =	vbroadcast v24, $0xF  }
0xb9: {  	v25, _, _ =	vpop (xrf2)  }
0xba: {  	v25 =	vmul.f32 $1.442695020e+00, v25;
	(erf) = vpow2.f32 v24;
	_ =	sdelay $0x1  }
0xbb: {  	v24 =	vbroadcast v25, $0xF;
	_ =	sdelay $0x1  }
0xbc: {  	(erf) = vpow2.f32 v24;
	_ =	sdelay $0x4  }
0xbd: {  	v24 =	vpop (erf)  }
0xbe: {  	v25 =	vmul.f32 v24, v20;
	v21 =	vmul.f32 v24, v21  }
0xbf: {  	s31 =	sshra.s32 s31, $0x2;
	v18 =	vmul.f32 v24, v18  }
0xc0: {  	[tilespmem:s26+$0xFFFFFFD0] =	vst v25  }
0xc1: {  	[tilespmem:s26+$0xFFFFFFF0] =	vst v18;
	v18 =	vnsel vm0, $0x0, v24;
	v20 =	vpop (erf)  }
0xc2: {  	[tilespmem:s26+$0xFFFFFFE0] =	vst v21;
	v21 =	vmul.f32 v20, v22;
	v19 =	vmul.f32 v20, v19;
	v18 =	vsel vm1, v18, v20  }
0xc3: {  	v20 =	vmul.f32 v20, v23;
	[tilespmem:s26+$0x30] =	vst v18  }
0xc4: {  	[tilespmem:s26+$0x0] =	vst v21  }
0xc5: {  	[tilespmem:s26+$0x20] =	vst v20  }
0xc6: {  	[tilespmem:s26+$0x10] =	vst v19;
	s26 =	smov.u32 s3  }
0xc7: {  	v18 =	vld [tilespmem:s22+$0xFFFFFFF0]  }
0xc8: {  	v24 =	vld [tilespmem:s31+$0x11600]  }
0xc9: {  	v25 =	vld [tilespmem:s23+$0xFFFFFFF0]  }
0xca: {  	v20 =	vld [tilespmem:s22+$0xFFFFFFD0]  }
0xcb: {  	v26 =	vld [tilespmem:s31+$0x11E00]  }
0xcc: {  	v21 =	vld [tilespmem:s22+$0xFFFFFFE0]  }
0xcd: {  	v23 =	vld [tilespmem:s23+$0xFFFFFFE0]  }
0xce: {  	v27 =	vld [tilespmem:s23+$0x10]  }
0xcf: {  	v28 =	vld [tilespmem:s23+$0xFFFFFFD0]  }
0xd0: {  	v19 =	vld [tilespmem:s22+$0x10]  }
0xd1: {  	v30 =	vmul.f32 v24, v4;
	v29 =	vld [tilespmem:s23+$0x0]  }
0xd2: {  	v32 =	vmul.f32 v24, v1;
	v33 =	vmul.f32 v24, v3;
	v22 =	vld [tilespmem:s22+$0x0];
	v31 =	vadd.f32 v23, v21  }
0xd3: {  	v35 =	vmul.f32 v24, v0;
	v36 =	vmul.f32 v24, v2;
	v34 =	vld [tilespmem:s23+$0x20]  }
0xd4: {  	v25 =	vadd.f32 v25, v18;
	v37 =	vmul.f32 v26, v8;
	v23 =	vld [tilespmem:s22+$0x20];
	v28 =	vadd.f32 v28, v20  }
0xd5: {  	v38 =	vmul.f32 v26, v6;
	v39 =	vmul.f32 v26, v10  }
0xd6: {  	v27 =	vadd.f32 v27, v19;
	v28 =	vadd.f32 v28, v35;
	v35 =	vmul.f32 v26, v11  }
0xd7: {  	v25 =	vadd.f32 v25, v36;
	v36 =	vmul.f32 v26, v9;
	v29 =	vadd.f32 v29, v22  }
0xd8: {  	v31 =	vadd.f32 v31, v32;
	v26 =	vmul.f32 v26, v7;
	v28 =	vadd.f32 v28, v38  }
0xd9: {  	v29 =	vadd.f32 v29, v33;
	v32 =	vadd.f32 v34, v23  }
0xda: {  	v27 =	vadd.f32 v27, v30;
	v26 =	vadd.f32 v31, v26;
	v33 =	vmul.f32 $2.000000030e-01, v28  }
0xdb: {  	v24 =	vmul.f32 v24, v5;
	v25 =	vadd.f32 v25, v37;
	v29 =	vadd.f32 v29, v36  }
0xdc: {  	v27 =	vadd.f32 v27, v39;
	v30 =	vmul.f32 $2.000000030e-01, v26;
	v28 =	vmax.f32 v28, v33  }
0xdd: {  	v31 =	vmul.f32 $2.000000030e-01, v25;
	v24 =	vadd.f32 v32, v24;
	v33 =	vmul.f32 $2.000000030e-01, v29  }
0xde: {  	v26 =	vmax.f32 v26, v30;
	v30 =	vmul.f32 $2.000000030e-01, v27  }
0xdf: {  	v28 =	vmul.f32 v28, v12;
	v26 =	vmul.f32 v26, v13;
	v24 =	vadd.f32 v24, v35  }
0xe0: {  	v25 =	vmax.f32 v25, v31;
	v27 =	vmax.f32 v27, v30;
	v29 =	vmax.f32 v29, v33  }
0xe1: {  	v25 =	vmul.f32 v25, v14;
	v26 =	vadd.f32 v26, v28;
	v27 =	vmul.f32 v27, v16  }
0xe2: {  	v28 =	vmul.f32 v29, v15;
	v29 =	vmul.f32 $2.000000030e-01, v24  }
0xe3: {  	v25 =	vadd.f32 v25, v26  }
0xe4: {  	v26 =	vadd.f32 v27, v28;
	v24 =	vmax.f32 v24, v29  }
.Ltmp2:
0xe5: {  	v24 =	vmul.f32 v24, v17;
	(xrf2) =	vadd.scan.msk.f32 $0xffff, v25;
	(pc) =	sbr.rel @p0 .LBB2_3-.Ltmp2, $3  }
0xe6: {  	_ = 	snop  }
0xe7: {  	v24 =	vadd.f32 v24, v26;
	_ =	sdelay $0x1  }
0xe8: {  	(xrf2) =	vadd.scan.msk.f32 $0xffff, v24  }
0xe9: {  	_ =	sdelay $0x4  }
0xea: {  	v24, _, _ =	vpop (xrf2)  }
0xeb: {  	v24 =	vmul.f32 $1.442695020e+00, v24;
	_ =	sdelay $0x1  }
0xec: {  	v24 =	vbroadcast v24, $0xF;
	_ =	sdelay $0x1  }
0xed: {  	v25, _, _ =	vpop (xrf2);
	(erf) = vpow2.f32 v24  }
0xee: {  	v25 =	vmul.f32 $1.442695020e+00, v25;
	_ =	sdelay $0x1  }
0xef: {  	v51 =	vbroadcast v25, $0xF;
	_ =	sdelay $0x1  }
0xf0: {  	(erf) = vpow2.f32 v51;
	_ =	sdelay $0x3  }
0xf1: {  	v52 =	vpop (erf)  }
0xf2: {  	v20 =	vmul.f32 v52, v20;
	_ =	sdelay $0x1  }
0xf3: {  	v18 =	vmul.f32 v52, v18  }
0xf4: {  	v21 =	vmul.f32 v52, v21;
	[tilespmem:s26+$0xFFFFFFD0] =	vst v20  }
0xf5: {  	[tilespmem:s26+$0xFFFFFFF0] =	vst v18;
	v18 =	vnsel vm0, $0x0, v52;
	v20 =	vpop (erf)  }
0xf6: {  	[tilespmem:s26+$0xFFFFFFE0] =	vst v21;
	v21 =	vmul.f32 v20, v22;
	v18 =	vsel vm1, v18, v20  }
0xf7: {  	v22 =	vmul.f32 v20, v23;
	[tilespmem:s26+$0x30] =	vst v18  }
0xf8: {  	p0 =	seq.s32 s24, $0x4F;
	v18 =	vmul.f32 v20, v19;
	[tilespmem:s26+$0x0] =	vst v21  }
0xf9: {  	s22 =	sadd.s32 @!p0 $0x80, s19;
	[tilespmem:s26+$0x20] =	vst v22  }
0xfa: {  	s3 =	simm.s32 @!p0 $0x11480;
	s21 =	sshrl.u32 @!p0 s22, $0x3;
	[tilespmem:s26+$0x10] =	vst v18  }
0xfb: {  	[spmem:s1] =	stream.indirect.scatter.add.f32 [tilespmem:s17], [sflag:$0x5], $0x70, s16, s10, $0xb8;
	[tilespmem:$0x1BF20] =	vst v63  }
0xfc: {  	s22 =	sshll.u32 @!p0 s22, $0x1;
	s23 =	sadd.s32 @!p0 s5, s21;
	s26 =	simm.s32 @!p0 $0x0  }
0xfd: {  	[tilespmem:s3], [sflag:$0x1] =	stream.linear.gather @!p0 [hbm4b:s23+s26], $0x40, $0x38;
	[tilespmem:$0x1BF20] =	vst v63  }
0xfe: {  	s22 =	sand.u32 @!p0 $0x1FFFFF00, s22;
	s23 =	sadd.s32 @!p0 s6, s21;
	s21 =	simm.s32 @!p0 $0x11500  }
0xff: {  	[tilespmem:s21], [sflag:$0x1] =	stream.linear.gather @!p0 [hbm4b:s23+s26], $0x40, $0x38;
	[tilespmem:$0x1BF20] =	vst v63  }
0x100: {  	s31 =	simm.s32 @!p0 $0x11600;
	p1 =	seq.s32 @!p0 s24, $0x0;
	s23 =	sadd.s32 @!p0 s7, s22  }
0x101: {  	[tilespmem:s31], [sflag:$0x1] =	stream.linear.gather @!p0 [hbm4b:s23+s26], $0x400, $0x38;
	[tilespmem:$0x1BF20] =	vst v63  }
0x102: {  	p1 =	por p0, !p1;
	s22 =	sadd.s32 @!p0 s9, s22;
	s23 =	simm.s32 @!p0 $0x11E00  }
0x103: {  	[tilespmem:s23], [sflag:$0x1] =	stream.linear.gather @!p0 [hbm4b:s22+s26], $0x400, $0x38;
	[tilespmem:$0x1BF20] =	vst v63  }
0x104: {  	_ =	swait.ge @p1 [sflag:s20], $0x1C00  }
0x105: {  	[sflag:s20] =	ssyncset.done @p1 $0x0  }
0x106: {  	[sflag:s20] =	ssyncadd.s32 @p1 $0xFFFFE400  }
0x107: {  	_ =	swait.ge [sflag:s18], $0x1800  }
0x108: {  	[sflag:s18] =	ssyncset.done $0x0  }
0x109: {  	[sflag:s18] =	ssyncadd.s32 $0xFFFFE800  }
0x10a: {  	_ =	swait.ge [sflag:s18], $0x1800  }
0x10b: {  	[sflag:s18] =	ssyncset.done $0x0  }
0x10c: {  	s22 =	simm.s32 @!p0 $0x1;
	[sflag:s18] =	ssyncadd.s32 $0xFFFFE800  }
0x10d: {  	_ =	swait.ge @!p0 [sflag:s22], $0x40  }
0x10e: {  	[sflag:s22] =	ssyncset.done @!p0 $0x0  }
0x10f: {  	[sflag:s22] =	ssyncadd.s32 @!p0 $0xFFFFFFC0  }
0x110: {  	_ =	swait.ge @!p0 [sflag:s22], $0x40  }
0x111: {  	[sflag:s22] =	ssyncset.done @!p0 $0x0  }
0x112: {  	[sflag:s22] =	ssyncadd.s32 @!p0 $0xFFFFFFC0  }
0x113: {  	_ =	swait.ge @!p0 [sflag:s22], $0x400  }
0x114: {  	[sflag:s22] =	ssyncset.done @!p0 $0x0  }
0x115: {  	[sflag:s22] =	ssyncadd.s32 @!p0 $0xFFFFFC00  }
0x116: {  	_ =	swait.ge @!p0 [sflag:s22], $0x400  }
0x117: {  	[sflag:s22] =	ssyncset.done @!p0 $0x0  }
0x118: {  	s23 =	simm.s32 @!p0 $0x12600;
	[sflag:s22] =	ssyncadd.s32 @!p0 $0xFFFFFC00;
	s22 =	simm.s32 @!p0 $0x40  }
0x119: {  	[tilespmem:s23], [sflag:$0x3] =	stream.indirect.gather @!p0 [hbm4b:s4+s22], $0x60, s3, s22, $0xb8;
	[tilespmem:$0x1BF20] =	vst v63  }
0x11a: {  	s3 =	simm.s32 @!p0 $0x15600  }
0x11b: {  	[tilespmem:s3], [sflag:$0x3] =	stream.indirect.gather @!p0 [hbm4b:s8+s22], $0x60, s21, s22, $0xb8;
	[tilespmem:$0x1BF20] =	vst v63  }
0x11c: {  	v18 =	vld [tilespmem:$0x11540]  }
0x11d: {  	v19 =	vld [tilespmem:$0x11550]  }
0x11e: {  	v20 =	vld [tilespmem:$0x11560]  }
0x11f: {  	v21 =	vld [tilespmem:$0x11570];
	_ =	sdelay $0x1  }
0x120: {  	[tilespmem:$0x115C0] =	vst v18  }
0x121: {  	[tilespmem:$0x115D0] =	vst v19  }
0x122: {  	[tilespmem:$0x115E0] =	vst v20  }
0x123: {  	s22 =	simm.s32 $0x13E30;
	[tilespmem:$0x115F0] =	vst v21  }
0x124: {  	s31 =	simm.s32 $0x0;
	v18 =	vld [tilespmem:s22+$0xFFFFFFF0]  }
0x125: {  	s23 =	simm.s32 $0x16E30;
	v53 =	vld [tilespmem:s31+$0x11A00]  }
0x126: {  	v54 =	vld [tilespmem:s23+$0xFFFFFFF0]  }
0x127: {  	v20 =	vld [tilespmem:s22+$0xFFFFFFD0]  }
0x128: {  	v26 =	vld [tilespmem:s31+$0x12200]  }
0x129: {  	v21 =	vld [tilespmem:s22+$0xFFFFFFE0]  }
0x12a: {  	v23 =	vld [tilespmem:s23+$0xFFFFFFE0]  }
0x12b: {  	v27 =	vld [tilespmem:s23+$0x10]  }
0x12c: {  	v28 =	vld [tilespmem:s23+$0xFFFFFFD0]  }
0x12d: {  	v19 =	vld [tilespmem:s22+$0x10]  }
0x12e: {  	v29 =	vld [tilespmem:s23+$0x0]  }
0x12f: {  	v22 =	vld [tilespmem:s22+$0x0];
	v30 =	vmul.f32 v53, v4  }
0x130: {  	v32 =	vmul.f32 v53, v1;
	v33 =	vmul.f32 v53, v3  }
0x131: {  	v31 =	vadd.f32 v23, v21;
	v35 =	vmul.f32 v53, v0;
	v36 =	vmul.f32 v53, v2  }
0x132: {  	v28 =	vadd.f32 v28, v20;
	v25 =	vadd.f32 v54, v18;
	v37 =	vmul.f32 v26, v8  }
0x133: {  	v34 =	vld [tilespmem:s23+$0x20];
	v38 =	vmul.f32 v26, v6;
	v39 =	vmul.f32 v26, v10;
	v27 =	vadd.f32 v27, v19  }
0x134: {  	v23 =	vld [tilespmem:s22+$0x20];
	v55 =	vmul.f32 v26, v11;
	v29 =	vadd.f32 v29, v22;
	v28 =	vadd.f32 v28, v35  }
0x135: {  	v56 =	vmul.f32 v26, v7;
	v25 =	vadd.f32 v25, v36;
	v31 =	vadd.f32 v31, v32  }
0x136: {  	v26 =	vmul.f32 v26, v9;
	v29 =	vadd.f32 v29, v33;
	v27 =	vadd.f32 v27, v30  }
0x137: {  	v28 =	vadd.f32 v28, v38;
	v31 =	vadd.f32 v31, v56  }
0x138: {  	v24 =	vmul.f32 v53, v5;
	v25 =	vadd.f32 v25, v37;
	v26 =	vadd.f32 v29, v26  }
0x139: {  	v57 =	vadd.f32 v34, v23;
	v58 =	vmul.f32 $2.000000030e-01, v28;
	v59 =	vmul.f32 $2.000000030e-01, v31  }
0x13a: {  	v27 =	vadd.f32 v27, v39;
	v60 =	vmul.f32 $2.000000030e-01, v25;
	v61 =	vmul.f32 $2.000000030e-01, v26  }
0x13b: {  	v24 =	vadd.f32 v57, v24;
	v28 =	vmax.f32 v28, v58;
	v29 =	vmax.f32 v31, v59  }
0x13c: {  	v28 =	vmul.f32 v28, v12;
	v29 =	vmul.f32 v29, v13  }
0x13d: {  	v62 =	vmul.f32 $2.000000030e-01, v27;
	v25 =	vmax.f32 v25, v60;
	v24 =	vadd.f32 v24, v55  }
0x13e: {  	v25 =	vmul.f32 v25, v14;
	v28 =	vadd.f32 v29, v28  }
0x13f: {  	v26 =	vmax.f32 v26, v61;
	v27 =	vmax.f32 v27, v62;
	v63 =	vmul.f32 $2.000000030e-01, v24  }
0x140: {  	v27 =	vmul.f32 v27, v16;
	v26 =	vmul.f32 v26, v15;
	v25 =	vadd.f32 v25, v28  }
0x141: {  	v24 =	vmax.f32 v24, v63  }
0x142: {  	v26 =	vadd.f32 v27, v26;
	v24 =	vmul.f32 v24, v17;
	(xrf2) =	vadd.scan.msk.f32 $0xffff, v25;
	_ =	sdelay $0x1  }
0x143: {  	v24 =	vadd.f32 v24, v26;
	_ =	sdelay $0x1  }
0x144: {  	s26 =	simm.s32 $0x1A230;
	s3 =	simm.s32 $0x1A230;
	s21 =	simm.s32 $0x40;
	(xrf2) =	vadd.scan.msk.f32 $0xffff, v24  }
.LBB2_5:
0x145: {  	_ =	sdelay $0x4  }
0x146: {  	s3 =	sadd.s32 $0x70, s3;
	s23 =	sadd.s32 $0x60, s23;
	s22 =	sadd.s32 $0x60, s22;
	v24, _, _ =	vpop (xrf2)  }
0x147: {  	p1 =	sne.s32 s21, $0xFC0;
	s31 =	smov.u32 s21;
	s21 =	sadd.s32 $0x40, s21;
	v24 =	vmul.f32 $1.442695020e+00, v24  }
0x148: {  	_ = 	snop  }
0x149: {  	v24 =	vbroadcast v24, $0xF  }
0x14a: {  	v25, _, _ =	vpop (xrf2)  }
0x14b: {  	v25 =	vmul.f32 $1.442695020e+00, v25;
	(erf) = vpow2.f32 v24;
	_ =	sdelay $0x1  }
0x14c: {  	v24 =	vbroadcast v25, $0xF;
	_ =	sdelay $0x1  }
0x14d: {  	(erf) = vpow2.f32 v24;
	_ =	sdelay $0x4  }
0x14e: {  	v24 =	vpop (erf)  }
0x14f: {  	v25 =	vmul.f32 v24, v20;
	v21 =	vmul.f32 v24, v21  }
0x150: {  	s31 =	sshra.s32 s31, $0x2;
	v18 =	vmul.f32 v24, v18  }
0x151: {  	[tilespmem:s26+$0xFFFFFFD0] =	vst v25  }
0x152: {  	[tilespmem:s26+$0xFFFFFFF0] =	vst v18;
	v18 =	vnsel vm0, $0x0, v24;
	v20 =	vpop (erf)  }
0x153: {  	[tilespmem:s26+$0xFFFFFFE0] =	vst v21;
	v21 =	vmul.f32 v20, v22;
	v19 =	vmul.f32 v20, v19;
	v18 =	vsel vm1, v18, v20  }
0x154: {  	v20 =	vmul.f32 v20, v23;
	[tilespmem:s26+$0x30] =	vst v18  }
0x155: {  	[tilespmem:s26+$0x0] =	vst v21  }
0x156: {  	[tilespmem:s26+$0x20] =	vst v20  }
0x157: {  	[tilespmem:s26+$0x10] =	vst v19;
	s26 =	smov.u32 s3  }
0x158: {  	v18 =	vld [tilespmem:s22+$0xFFFFFFF0]  }
0x159: {  	v24 =	vld [tilespmem:s31+$0x11A00]  }
0x15a: {  	v25 =	vld [tilespmem:s23+$0xFFFFFFF0]  }
0x15b: {  	v20 =	vld [tilespmem:s22+$0xFFFFFFD0]  }
0x15c: {  	v26 =	vld [tilespmem:s31+$0x12200]  }
0x15d: {  	v21 =	vld [tilespmem:s22+$0xFFFFFFE0]  }
0x15e: {  	v23 =	vld [tilespmem:s23+$0xFFFFFFE0]  }
0x15f: {  	v27 =	vld [tilespmem:s23+$0x10]  }
0x160: {  	v28 =	vld [tilespmem:s23+$0xFFFFFFD0]  }
0x161: {  	v19 =	vld [tilespmem:s22+$0x10]  }
0x162: {  	v30 =	vmul.f32 v24, v4;
	v29 =	vld [tilespmem:s23+$0x0]  }
0x163: {  	v32 =	vmul.f32 v24, v1;
	v33 =	vmul.f32 v24, v3;
	v22 =	vld [tilespmem:s22+$0x0];
	v31 =	vadd.f32 v23, v21  }
0x164: {  	v35 =	vmul.f32 v24, v0;
	v36 =	vmul.f32 v24, v2;
	v34 =	vld [tilespmem:s23+$0x20]  }
0x165: {  	v25 =	vadd.f32 v25, v18;
	v37 =	vmul.f32 v26, v8;
	v23 =	vld [tilespmem:s22+$0x20];
	v28 =	vadd.f32 v28, v20  }
0x166: {  	v38 =	vmul.f32 v26, v6;
	v39 =	vmul.f32 v26, v10  }
0x167: {  	v27 =	vadd.f32 v27, v19;
	v28 =	vadd.f32 v28, v35;
	v35 =	vmul.f32 v26, v11  }
0x168: {  	v25 =	vadd.f32 v25, v36;
	v36 =	vmul.f32 v26, v9;
	v29 =	vadd.f32 v29, v22  }
0x169: {  	v31 =	vadd.f32 v31, v32;
	v26 =	vmul.f32 v26, v7;
	v28 =	vadd.f32 v28, v38  }
0x16a: {  	v29 =	vadd.f32 v29, v33;
	v32 =	vadd.f32 v34, v23  }
0x16b: {  	v27 =	vadd.f32 v27, v30;
	v26 =	vadd.f32 v31, v26;
	v33 =	vmul.f32 $2.000000030e-01, v28  }
0x16c: {  	v24 =	vmul.f32 v24, v5;
	v25 =	vadd.f32 v25, v37;
	v29 =	vadd.f32 v29, v36  }
0x16d: {  	v27 =	vadd.f32 v27, v39;
	v30 =	vmul.f32 $2.000000030e-01, v26;
	v28 =	vmax.f32 v28, v33  }
0x16e: {  	v31 =	vmul.f32 $2.000000030e-01, v25;
	v24 =	vadd.f32 v32, v24;
	v33 =	vmul.f32 $2.000000030e-01, v29  }
0x16f: {  	v26 =	vmax.f32 v26, v30;
	v30 =	vmul.f32 $2.000000030e-01, v27  }
0x170: {  	v28 =	vmul.f32 v28, v12;
	v26 =	vmul.f32 v26, v13;
	v24 =	vadd.f32 v24, v35  }
0x171: {  	v25 =	vmax.f32 v25, v31;
	v27 =	vmax.f32 v27, v30;
	v29 =	vmax.f32 v29, v33  }
0x172: {  	v25 =	vmul.f32 v25, v14;
	v26 =	vadd.f32 v26, v28;
	v27 =	vmul.f32 v27, v16  }
0x173: {  	v28 =	vmul.f32 v29, v15;
	v29 =	vmul.f32 $2.000000030e-01, v24  }
0x174: {  	v25 =	vadd.f32 v25, v26  }
0x175: {  	v26 =	vadd.f32 v27, v28;
	v24 =	vmax.f32 v24, v29  }
.Ltmp3:
0x176: {  	v24 =	vmul.f32 v24, v17;
	(xrf2) =	vadd.scan.msk.f32 $0xffff, v25;
	(pc) =	sbr.rel @p1 .LBB2_5-.Ltmp3, $3  }
0x177: {  	_ = 	snop  }
0x178: {  	v24 =	vadd.f32 v24, v26;
	_ =	sdelay $0x1  }
0x179: {  	(xrf2) =	vadd.scan.msk.f32 $0xffff, v24  }
0x17a: {  	_ =	sdelay $0x4  }
0x17b: {  	v24, _, _ =	vpop (xrf2)  }
0x17c: {  	v24 =	vmul.f32 $1.442695020e+00, v24;
	_ =	sdelay $0x1  }
0x17d: {  	v24 =	vbroadcast v24, $0xF  }
0x17e: {  	v25, _, _ =	vpop (xrf2)  }
0x17f: {  	v25 =	vmul.f32 $1.442695020e+00, v25;
	(erf) = vpow2.f32 v24;
	_ =	sdelay $0x1  }
0x180: {  	v59 =	vbroadcast v25, $0xF;
	_ =	sdelay $0x1  }
0x181: {  	(erf) = vpow2.f32 v59;
	_ =	sdelay $0x4  }
0x182: {  	v60 =	vpop (erf)  }
0x183: {  	v20 =	vmul.f32 v60, v20  }
0x184: {  	v18 =	vmul.f32 v60, v18  }
0x185: {  	v21 =	vmul.f32 v60, v21;
	[tilespmem:s26+$0xFFFFFFD0] =	vst v20  }
0x186: {  	[tilespmem:s26+$0xFFFFFFF0] =	vst v18;
	v18 =	vnsel vm0, $0x0, v60;
	v61 =	vpop (erf)  }
0x187: {  	[tilespmem:s26+$0xFFFFFFE0] =	vst v21;
	v62 =	vmul.f32 v61, v22;
	v18 =	vsel vm1, v18, v61  }
.Ltmp4:
0x188: {  	v63 =	vmul.f32 v61, v23;
	[tilespmem:s26+$0x30] =	vst v18;
	(pc) =	sbr.rel @p0 .LBB2_8-.Ltmp4, $4  }
0x189: {  	v18 =	vmul.f32 v61, v19;
	[tilespmem:s26+$0x0] =	vst v62  }
0x18a: {  	[tilespmem:s26+$0x20] =	vst v63  }
0x18b: {  	[tilespmem:s26+$0x10] =	vst v18  }
0x18c: {  	[spmem:s1] =	stream.indirect.scatter.add.f32 [tilespmem:s30], [sflag:$0x6], $0x70, s29, s10, $0xb8;
	[tilespmem:$0x1BF20] =	vst v63  }
0x18d: {  	s3 =	sadd.s32 $0xC0, s19  }
0x18e: {  	s19 =	sshrl.u32 s3, $0x3  }
0x18f: {  	s21 =	sadd.s32 s5, s19  }
0x190: {  	[tilespmem:s25], [sflag:$0x2] =	stream.linear.gather [hbm4b:s21+s2], $0x40, $0x38;
	[tilespmem:$0x1BF20] =	vst v63  }
0x191: {  	s3 =	sshll.u32 s3, $0x1;
	s19 =	sadd.s32 s6, s19  }
0x192: {  	[tilespmem:s28], [sflag:$0x2] =	stream.linear.gather [hbm4b:s19+s2], $0x40, $0x38;
	[tilespmem:$0x1BF20] =	vst v63  }
.Ltmp5:
0x193: {  	s3 =	sand.u32 $0x1FFFFF80, s3;
	(pc) =	sbr.rel .LBB2_2-.Ltmp5, $4  }
0x194: {  	s31 =	simm.s32 $0x11A00;
	s26 =	sadd.s32 s7, s3  }
0x195: {  	[tilespmem:s31], [sflag:$0x2] =	stream.linear.gather [hbm4b:s26+s2], $0x400, $0x38;
	[tilespmem:$0x1BF20] =	vst v63  }
0x196: {  	s24 =	sadd.s32 $0x1, s24;
	s3 =	sadd.s32 s9, s3  }
0x197: {  	[tilespmem:s0], [sflag:$0x2] =	stream.linear.gather [hbm4b:s3+s2], $0x400, $0x38;
	[tilespmem:$0x1BF20] =	vst v63  }
.LBB2_9:
0x198: {  	_ =	sfence.sel $0x180000  }
0x199: {  	[bflag:$0x0] =	sbarrier.arrive $0xFFFF  }
0x19a: {  	_ =	strace $0x90000047  }
0x19b: {  	s0 =	stileid.u32;
	[bflag:$0x2] =	sbarrier.arrive $0xFFFF  }
0x19c: {  	p0 =	sne.s32 s0, $0x0;
	s0 =	rddreg [dreg:$0x2]  }
0x19d: {  	s0 =	sadd.s32 @!p0 $0x100000, s0  }
0x19e: {  	[sflag:s0] =	ssyncadd.tile.s32 @!p0 $0x1;
	_ =	shalt  }
.Lfunc_end2:
_tile_overlayer_lowered:
.L_overlay_start_2:
0x19f: {  	(tag) =	ssettag $0x2  }
0x1a0: {  	s0 =	rddreg [dreg:$0x0];
	s2 =	stileid.u32  }
0x1a1: {  	s1 =	rddreg [dreg:$0x1];
	p0 =	sne.s32 s2, $0x0  }
0x1a2: {  	s3 =	rddreg [dreg:$0x2];
	[bflag:$0x3] =	sbarrier.arrive $0xFFFF;
	s2 =	simm.s32 @!p0 $0x1C07  }
0x1a3: {  	[timem:s3], [sflag:s2] =	dma.local @!p0 [hbm:s0], s1  }
0x1a4: {  	s0 =	simm.s32 @!p0 $0x7  }
0x1a5: {  	_ =	swait.ge @!p0 [sflag:s0], s1  }
0x1a6: {  	s1 =	ssub.s32 @!p0 $0x0, s1;
	[sflag:s0] =	ssyncset.done @!p0 $0x0  }
0x1a7: {  	[sflag:s0] =	ssyncadd.s32 @!p0 s1  }
0x1a8: {  	[bflag:$0x3] =	sbarrier.arrive $0xFFFF  }
0x1a9: {  	_ =	shalt  }

</sc_bundles>
